<compile_context>
chip_gen: v7x
topology: tpu7x:2x2x1
jax: 0.10.2.dev20260603
libtpu: 0.0.44.dev20260713+nightly
codegen_flags: <defaults>
</compile_context>

<pallas_src>
import functools

import jax
import jax.numpy as jnp
from jax import lax
from jax.experimental import pallas as pl
from jax.experimental.pallas import tpu as pltpu
from jax.experimental.pallas import tpu_sc as plsc

N = 10000
E = 320000
D = 128
DH = D // 2

NC = 2
NS = 16
NW = NC * NS

CHUNK = 128
NCHUNK = E // CHUNK
CPT_A = 157
CPT_B = 154
NT_A = 12

ACC_ROWS = N + 112
ZROWS = ACC_ROWS // NS
OROWS = 632
OROWS_LAST = N - 15 * OROWS

NBUF = 3
TROWS = N

MM_BLK = 2000



def _seg_body(hlo_hbm, hhi_hbm, srcs_hbm, dsts_hbm, zeros_hbm,
              outlo_hbm, outhi_hbm, idx_d, srcb, rows,
              sem_g, sem_s, sem_i, table, acc):
  c = lax.axis_index("c")
  s = lax.axis_index("s")

  start = jnp.where(s < NT_A, s * CPT_A, NT_A * CPT_A + (s - NT_A) * CPT_B)

  def iload(j, k):
    pltpu.async_copy(srcs_hbm.at[start + j], srcb[k], sem_i[k])

  def iload_wait(k):
    pltpu.make_async_copy(srcs_hbm.at[0], srcb[k], sem_i[k]).wait()

  def gather(j, k):
    pltpu.async_copy(table.at[srcb[k]], rows[k], sem_g[k])

  def gather_wait(k):
    pltpu.make_async_copy(table.at[srcb[0]], rows[k], sem_g[k]).wait()

  def scatter(j, k):
    pltpu.async_copy(rows[k], acc.at[idx_d.at[j]], sem_s[k], add=True)

  def scatter_wait(k):
    pltpu.make_async_copy(rows[k], acc.at[idx_d.at[0]], sem_s[k]).wait()

  pltpu.async_copy(zeros_hbm.at[pl.ds(s * ZROWS, ZROWS)],
                   acc.at[pl.ds(s * ZROWS, ZROWS)], sem_g[0])
  iload(0, 0)

  @pl.when(s < NT_A)
  def _():
    pltpu.async_copy(dsts_hbm.at[pl.ds(start, CPT_A)], idx_d, sem_g[1])

  @pl.when(s >= NT_A)
  def _():
    pltpu.async_copy(dsts_hbm.at[pl.ds(start, CPT_B)],
                     idx_d.at[pl.ds(0, CPT_B)], sem_g[1])

  for cc, h in ((0, hlo_hbm), (1, hhi_hbm)):
    @pl.when(jnp.logical_and(c == cc, s < NS - 1))
    def _():
      pltpu.sync_copy(h.at[pl.ds(s * OROWS, OROWS)],
                      table.at[pl.ds(s * OROWS, OROWS)])

    @pl.when(jnp.logical_and(c == cc, s == NS - 1))
    def _():
      pltpu.sync_copy(h.at[pl.ds((NS - 1) * OROWS, OROWS_LAST)],
                      table.at[pl.ds((NS - 1) * OROWS, OROWS_LAST)])

  pltpu.make_async_copy(zeros_hbm.at[pl.ds(s * ZROWS, ZROWS)],
                        acc.at[pl.ds(s * ZROWS, ZROWS)], sem_g[0]).wait()

  @pl.when(s < NT_A)
  def _():
    pltpu.make_async_copy(dsts_hbm.at[pl.ds(0, CPT_A)], idx_d, sem_g[1]).wait()

  @pl.when(s >= NT_A)
  def _():
    pltpu.make_async_copy(dsts_hbm.at[pl.ds(0, CPT_B)],
                          idx_d.at[pl.ds(0, CPT_B)], sem_g[1]).wait()

  plsc.subcore_barrier()

  def step(j, k, skip_swait=False, issue_gather=True, issue_iload=True):
    k1, k2 = (k + 1) % NBUF, (k + 2) % NBUF
    if not skip_swait:
      scatter_wait(k1)
    if issue_gather:
      iload_wait(k1)
      gather(j + 1, k1)
    if issue_iload:
      iload(j + 2, k2)
    gather_wait(k)
    scatter(j, k)

  def pump(cpt):
    iload_wait(0)
    gather(0, 0)
    iload(1, 1)
    step(0, 0, skip_swait=True)
    step(1, 1, skip_swait=True)

    def body(i, carry):
      a = 2 + i * NBUF
      for t in range(NBUF):
        step(a + t, (2 + t) % NBUF)
      return carry

    lax.fori_loop(0, (cpt - 4) // NBUF, body, 0)

    step(cpt - 2, (cpt - 2) % NBUF, issue_iload=False)
    step(cpt - 1, (cpt - 1) % NBUF, issue_gather=False, issue_iload=False)
    scatter_wait((cpt - 2) % NBUF)
    scatter_wait((cpt - 1) % NBUF)

  @pl.when(s < NT_A)
  def _():
    pump(CPT_A)

  @pl.when(s >= NT_A)
  def _():
    pump(CPT_B)

  plsc.subcore_barrier()

  @pl.when(jnp.logical_and(c == 0, s < NS - 1))
  def _():
    pltpu.sync_copy(acc.at[pl.ds(s * OROWS, OROWS)],
                    outlo_hbm.at[pl.ds(s * OROWS, OROWS)])

  @pl.when(jnp.logical_and(c == 0, s == NS - 1))
  def _():
    pltpu.sync_copy(acc.at[pl.ds((NS - 1) * OROWS, OROWS_LAST)],
                    outlo_hbm.at[pl.ds((NS - 1) * OROWS, OROWS_LAST)])

  @pl.when(jnp.logical_and(c == 1, s < NS - 1))
  def _():
    pltpu.sync_copy(acc.at[pl.ds(s * OROWS, OROWS)],
                    outhi_hbm.at[pl.ds(s * OROWS, OROWS)])

  @pl.when(jnp.logical_and(c == 1, s == NS - 1))
  def _():
    pltpu.sync_copy(acc.at[pl.ds((NS - 1) * OROWS, OROWS_LAST)],
                    outhi_hbm.at[pl.ds((NS - 1) * OROWS, OROWS_LAST)])


@functools.cache
def _seg_sum_kernel():
  return pl.kernel(
      _seg_body,
      out_type=(jax.ShapeDtypeStruct((N, DH), jnp.float32),
                jax.ShapeDtypeStruct((N, DH), jnp.float32)),
      mesh=plsc.VectorSubcoreMesh(core_axis_name="c", subcore_axis_name="s",
                                  num_cores=NC, num_subcores=NS),
      compiler_params=pltpu.CompilerParams(use_tc_tiling_on_sc=False),
      scratch_types=[
          pltpu.VMEM((CPT_A, CHUNK), jnp.int32),
          [pltpu.VMEM((CHUNK,), jnp.int32)] * NBUF,
          [pltpu.VMEM((CHUNK, DH), jnp.float32)] * NBUF,
          [pltpu.SemaphoreType.DMA] * NBUF,
          [pltpu.SemaphoreType.DMA] * NBUF,
          [pltpu.SemaphoreType.DMA] * NBUF,
          pltpu.VMEM_SHARED((TROWS, DH), jnp.float32),
          pltpu.VMEM_SHARED((ACC_ROWS, DH), jnp.float32),
      ],
  )



def _mm_body(x_ref, w_ref, olo_ref, ohi_ref):
  r = jnp.dot(x_ref[...], w_ref[...], preferred_element_type=jnp.float32)
  olo_ref[...] = r[:, :DH]
  ohi_ref[...] = r[:, DH:]


def _mm(x, w):
  return pl.pallas_call(
      _mm_body,
      grid=(N // MM_BLK,),
      in_specs=[pl.BlockSpec((MM_BLK, D), lambda i: (i, 0)),
                pl.BlockSpec((D, D), lambda i: (0, 0))],
      out_specs=[pl.BlockSpec((MM_BLK, DH), lambda i: (i, 0)),
                 pl.BlockSpec((MM_BLK, DH), lambda i: (i, 0))],
      out_shape=[jax.ShapeDtypeStruct((N, DH), jnp.float32),
                 jax.ShapeDtypeStruct((N, DH), jnp.float32)],
  )(x, w)


def _mm_relu_body(plo_ref, phi_ref, w_ref, olo_ref, ohi_ref):
  h = jnp.maximum(jnp.concatenate([plo_ref[...], phi_ref[...]], axis=1), 0.0)
  r = jnp.dot(h, w_ref[...], preferred_element_type=jnp.float32)
  olo_ref[...] = r[:, :DH]
  ohi_ref[...] = r[:, DH:]


def _mm_relu(plo, phi, w):
  return pl.pallas_call(
      _mm_relu_body,
      grid=(N // MM_BLK,),
      in_specs=[pl.BlockSpec((MM_BLK, DH), lambda i: (i, 0)),
                pl.BlockSpec((MM_BLK, DH), lambda i: (i, 0)),
                pl.BlockSpec((D, D), lambda i: (0, 0))],
      out_specs=[pl.BlockSpec((MM_BLK, DH), lambda i: (i, 0)),
                 pl.BlockSpec((MM_BLK, DH), lambda i: (i, 0))],
      out_shape=[jax.ShapeDtypeStruct((N, DH), jnp.float32),
                 jax.ShapeDtypeStruct((N, DH), jnp.float32)],
  )(plo, phi, w)


def _logsoftmax_body(qlo_ref, qhi_ref, o_ref):
  z = jnp.concatenate([qlo_ref[...], qhi_ref[...]], axis=1)
  m = jnp.max(z, axis=1, keepdims=True)
  e = jnp.exp(z - m)
  o_ref[...] = z - m - jnp.log(jnp.sum(e, axis=1, keepdims=True))


def _logsoftmax(qlo, qhi):
  return pl.pallas_call(
      _logsoftmax_body,
      grid=(N // MM_BLK,),
      in_specs=[pl.BlockSpec((MM_BLK, DH), lambda i: (i, 0)),
                pl.BlockSpec((MM_BLK, DH), lambda i: (i, 0))],
      out_specs=pl.BlockSpec((MM_BLK, D), lambda i: (i, 0)),
      out_shape=jax.ShapeDtypeStruct((N, D), jnp.float32),
  )(qlo, qhi)



@jax.jit
def kernel(x, edge_index, W1, W2):
  srcs = edge_index[0].astype(jnp.int32).reshape(NCHUNK, CHUNK)
  dsts = edge_index[1].astype(jnp.int32).reshape(NCHUNK, CHUNK)
  zeros = jnp.zeros((ACC_ROWS, DH), jnp.float32)

  hlo, hhi = _mm(x, W1)
  plo, phi = _seg_sum_kernel()(hlo, hhi, srcs, dsts, zeros)
  qlo, qhi = _mm_relu(plo, phi, W2)
  rlo, rhi = _seg_sum_kernel()(qlo, qhi, srcs, dsts, zeros)
  return _logsoftmax(rlo, rhi)

# --- scband reference (transcript-rebuilt; emitter-appended) ---
"""Pipeline reference for scband-mlp-51745765982752 (READ-ONLY COPY).

The authoritative reference and input builder live on the scoring server;
editing this copy changes nothing except your own understanding.
"""

import jax, jax.numpy as jnp
import numpy as np

N_NODES = 10000
N_EDGES = 320000
DIM_IN = 128
DIM_H = 128
DIM_OUT = 128


def setup_inputs(seed: int = 0) -> dict:
    key = jax.random.key(seed)
    k_x, k_e, k_w1, k_w2 = jax.random.split(key, 4)
    x = jax.random.normal(k_x, (N_NODES, DIM_IN), dtype=jnp.float32)
    edge_index = jax.random.randint(k_e, (2, N_EDGES), 0, N_NODES, dtype=jnp.int64)
    # Learned parameters of the two bias-free Linear layers (Glorot-ish scale)
    W1 = jax.random.normal(k_w1, (DIM_IN, DIM_H), dtype=jnp.float32) / np.sqrt(DIM_IN)
    W2 = jax.random.normal(k_w2, (DIM_H, DIM_OUT), dtype=jnp.float32) / np.sqrt(DIM_H)
    return {"x": x, "edge_index": edge_index, "W1": W1, "W2": W2}


def reference(x, edge_index, W1, W2):
    # A is the sparse adjacency with value 1.0 at (dst, src):
    # torch.sparse.mm(A, h) == segment_sum of h[src] grouped by dst.
    src = edge_index[0]
    dst = edge_index[1]

    # Layer 1: linear (no bias) then sparse A @ h
    h = x @ W1
    h = jax.ops.segment_sum(h[src], dst, num_segments=N_NODES)
    h = jnp.maximum(h, 0.0)  # relu

    # Layer 2: linear (no bias) then sparse A @ h
    h = h @ W2
    h = jax.ops.segment_sum(h[src], dst, num_segments=N_NODES)

    # log_softmax over dim=1
    out = h - jax.scipy.special.logsumexp(h, axis=1, keepdims=True)
    return out

if __name__ == "__main__":
    import jax
    _d = setup_inputs()
    print(jax.jit(kernel)(*tuple(_d.values())))

</pallas_src>

<mosaic_0001>
#map = affine_map<(d0, d1) -> (0, 0)>
module attributes {stable_mosaic.version = 14 : i64} {
  func.func @_seg_body(%arg0: i32, %arg1: i32, %arg2: memref<10000x64xf32, #tpu.memory_space<hbm>>, %arg3: memref<10000x64xf32, #tpu.memory_space<hbm>>, %arg4: memref<2500x128xi32, #tpu.memory_space<hbm>>, %arg5: memref<2500x128xi32, #tpu.memory_space<hbm>>, %arg6: memref<10112x64xf32, #tpu.memory_space<hbm>>, %arg7: memref<10000x64xf32, #tpu.memory_space<hbm>>, %arg8: memref<10000x64xf32, #tpu.memory_space<hbm>>, %arg9: memref<157x128xi32, #tpu.memory_space<vmem>>, %arg10: memref<128xi32, #tpu.memory_space<vmem>>, %arg11: memref<128xi32, #tpu.memory_space<vmem>>, %arg12: memref<128xi32, #tpu.memory_space<vmem>>, %arg13: memref<128x64xf32, #tpu.memory_space<vmem>>, %arg14: memref<128x64xf32, #tpu.memory_space<vmem>>, %arg15: memref<128x64xf32, #tpu.memory_space<vmem>>, %arg16: memref<!tpu.dma_semaphore, #tpu.memory_space<semaphore_mem>>, %arg17: memref<!tpu.dma_semaphore, #tpu.memory_space<semaphore_mem>>, %arg18: memref<!tpu.dma_semaphore, #tpu.memory_space<semaphore_mem>>, %arg19: memref<!tpu.dma_semaphore, #tpu.memory_space<semaphore_mem>>, %arg20: memref<!tpu.dma_semaphore, #tpu.memory_space<semaphore_mem>>, %arg21: memref<!tpu.dma_semaphore, #tpu.memory_space<semaphore_mem>>, %arg22: memref<!tpu.dma_semaphore, #tpu.memory_space<semaphore_mem>>, %arg23: memref<!tpu.dma_semaphore, #tpu.memory_space<semaphore_mem>>, %arg24: memref<!tpu.dma_semaphore, #tpu.memory_space<semaphore_mem>>, %arg25: memref<10000x64xf32, #tpu.memory_space<vmem_shared>>, %arg26: memref<10112x64xf32, #tpu.memory_space<vmem_shared>>) attributes {dimension_semantics = [#tpu.dimension_semantics<core_parallel>, #tpu.dimension_semantics<subcore_parallel>], iteration_bounds = array<i64: 2, 16>, scalar_prefetch = 0 : i64, scratch_operands = 18 : i64, tpu.core_type = #tpu.core_type<sc_vector_subcore>, window_params = [{transform_indices = #map}, {transform_indices = #map}, {transform_indices = #map}, {transform_indices = #map}, {transform_indices = #map}, {transform_indices = #map}, {transform_indices = #map}]} {
    %lt3A = arith.constant 12 : i32
    %lt3A_0 = arith.cmpi slt, %arg1, %lt3A : i32
    %mul3A = arith.constant 157 : i32
    %mul3A_1 = arith.muli %arg1, %mul3A : i32
    %sub3A = arith.constant 12 : i32
    %sub3A_2 = arith.subi %arg1, %sub3A : i32
    %mul3A_3 = arith.constant 154 : i32
    %mul3A_4 = arith.muli %sub3A_2, %mul3A_3 : i32
    %add3A = arith.constant 1884 : i32
    %add3A_5 = arith.addi %add3A, %mul3A_4 : i32
    %select_n3A = arith.select %lt3A_0, %mul3A_1, %add3A_5 : i32
    %mul3A_6 = arith.constant 632 : i32
    %mul3A_7 = arith.muli %arg1, %mul3A_6 : i32
    %mul3A_8 = arith.constant 632 : i32
    %mul3A_9 = arith.muli %arg1, %mul3A_8 : i32
    %dma_start3A = arith.constant 0 : i32
    %dma_start3A_10 = tpu.memref_slice %arg26[%mul3A_9, %dma_start3A] : memref<10112x64xf32, #tpu.memory_space<vmem_shared>> -> memref<632x64xf32, #tpu.memory_space<vmem_shared>>
    %dma_start3A_11 = arith.constant 0 : i32
    %dma_start3A_12 = tpu.memref_slice %arg6[%mul3A_7, %dma_start3A_11] : memref<10112x64xf32, #tpu.memory_space<hbm>> -> memref<632x64xf32, #tpu.memory_space<hbm>>
    tpu.enqueue_dma source(%dma_start3A_12 : memref<632x64xf32, #tpu.memory_space<hbm>>) target(%dma_start3A_10 : memref<632x64xf32, #tpu.memory_space<vmem_shared>>) target_semaphore(%arg16 : memref<!tpu.dma_semaphore, #tpu.memory_space<semaphore_mem>>)
    %add3A_13 = arith.constant 0 : i32
    %add3A_14 = arith.addi %select_n3A, %add3A_13 : i32
    %dma_start3A_15 = arith.constant 0 : i32
    %dma_start3A_16 = tpu.memref_slice %arg4[%add3A_14, %dma_start3A_15] : memref<2500x128xi32, #tpu.memory_space<hbm>> -> memref<1x128xi32, #tpu.memory_space<hbm>>
    %dma_start3A_17 = tpu.memref_squeeze %dma_start3A_16 : memref<1x128xi32, #tpu.memory_space<hbm>> -> memref<128xi32, #tpu.memory_space<hbm>>
    %dma_start3A_18 = arith.constant 0 : i32
    %dma_start3A_19 = tpu.memref_slice %arg4[%add3A_14, %dma_start3A_18] : memref<2500x128xi32, #tpu.memory_space<hbm>> -> memref<1x128xi32, #tpu.memory_space<hbm>>
    %dma_start3A_20 = tpu.memref_squeeze %dma_start3A_19 : memref<1x128xi32, #tpu.memory_space<hbm>> -> memref<128xi32, #tpu.memory_space<hbm>>
    tpu.enqueue_dma source(%dma_start3A_20 : memref<128xi32, #tpu.memory_space<hbm>>) target(%arg10 : memref<128xi32, #tpu.memory_space<vmem>>) target_semaphore(%arg22 : memref<!tpu.dma_semaphore, #tpu.memory_space<semaphore_mem>>)
    %lt3A_21 = arith.constant 12 : i32
    %lt3A_22 = arith.cmpi slt, %arg1, %lt3A_21 : i32
    %convert_element_type3A = arith.extui %lt3A_22 : i1 to i32
    %cond3A = arith.constant 0 : i32
    %cond3A_23 = arith.cmpi ne, %convert_element_type3A, %cond3A : i32
    scf.if %cond3A_23 {
      %dma_start3A_118 = arith.constant 0 : i32
      %dma_start3A_119 = tpu.memref_slice %arg5[%select_n3A, %dma_start3A_118] : memref<2500x128xi32, #tpu.memory_space<hbm>> -> memref<157x128xi32, #tpu.memory_space<hbm>>
      %dma_start3A_120 = arith.constant 0 : i32
      %dma_start3A_121 = tpu.memref_slice %arg5[%select_n3A, %dma_start3A_120] : memref<2500x128xi32, #tpu.memory_space<hbm>> -> memref<157x128xi32, #tpu.memory_space<hbm>>
      tpu.enqueue_dma source(%dma_start3A_121 : memref<157x128xi32, #tpu.memory_space<hbm>>) target(%arg9 : memref<157x128xi32, #tpu.memory_space<vmem>>) target_semaphore(%arg17 : memref<!tpu.dma_semaphore, #tpu.memory_space<semaphore_mem>>)
    } else {
    }
    %ge3A = arith.constant 12 : i32
    %ge3A_24 = arith.cmpi sge, %arg1, %ge3A : i32
    %convert_element_type3A_25 = arith.extui %ge3A_24 : i1 to i32
    %cond3A_26 = arith.constant 0 : i32
    %cond3A_27 = arith.cmpi ne, %convert_element_type3A_25, %cond3A_26 : i32
    scf.if %cond3A_27 {
      %dma_start3A_118 = arith.constant 0 : i32
      %dma_start3A_119 = arith.constant 0 : i32
      %dma_start3A_120 = tpu.memref_slice %arg9[%dma_start3A_118, %dma_start3A_119] : memref<157x128xi32, #tpu.memory_space<vmem>> -> memref<154x128xi32, #tpu.memory_space<vmem>>
      %dma_start3A_121 = arith.constant 0 : i32
      %dma_start3A_122 = tpu.memref_slice %arg5[%select_n3A, %dma_start3A_121] : memref<2500x128xi32, #tpu.memory_space<hbm>> -> memref<154x128xi32, #tpu.memory_space<hbm>>
      %dma_start3A_123 = arith.constant 0 : i32
      %dma_start3A_124 = arith.constant 0 : i32
      %dma_start3A_125 = tpu.memref_slice %arg9[%dma_start3A_123, %dma_start3A_124] : memref<157x128xi32, #tpu.memory_space<vmem>> -> memref<154x128xi32, #tpu.memory_space<vmem>>
      %dma_start3A_126 = arith.constant 0 : i32
      %dma_start3A_127 = tpu.memref_slice %arg5[%select_n3A, %dma_start3A_126] : memref<2500x128xi32, #tpu.memory_space<hbm>> -> memref<154x128xi32, #tpu.memory_space<hbm>>
      tpu.enqueue_dma source(%dma_start3A_127 : memref<154x128xi32, #tpu.memory_space<hbm>>) target(%dma_start3A_125 : memref<154x128xi32, #tpu.memory_space<vmem>>) target_semaphore(%arg17 : memref<!tpu.dma_semaphore, #tpu.memory_space<semaphore_mem>>)
    } else {
    }
    %eq3A = arith.constant 0 : i32
    %eq3A_28 = arith.cmpi eq, %arg0, %eq3A : i32
    %lt3A_29 = arith.constant 15 : i32
    %lt3A_30 = arith.cmpi slt, %arg1, %lt3A_29 : i32
    %and3A = arith.andi %eq3A_28, %lt3A_30 : i1
    %convert_element_type3A_31 = arith.extui %and3A : i1 to i32
    %cond3A_32 = arith.constant 0 : i32
    %cond3A_33 = arith.cmpi ne, %convert_element_type3A_31, %cond3A_32 : i32
    scf.if %cond3A_33 {
      %mul3A_118 = arith.constant 632 : i32
      %mul3A_119 = arith.muli %arg1, %mul3A_118 : i32
      %mul3A_120 = arith.constant 632 : i32
      %mul3A_121 = arith.muli %arg1, %mul3A_120 : i32
      "tpu.region"() ({
        %run_scoped3A = tpu.sem_alloc : memref<!tpu.dma_semaphore, #tpu.memory_space<semaphore_mem>>
        %dma_start3A_122 = arith.constant 0 : i32
        %dma_start3A_123 = tpu.memref_slice %arg25[%mul3A_121, %dma_start3A_122] : memref<10000x64xf32, #tpu.memory_space<vmem_shared>> -> memref<632x64xf32, #tpu.memory_space<vmem_shared>>
        %dma_start3A_124 = arith.constant 0 : i32
        %dma_start3A_125 = tpu.memref_slice %arg2[%mul3A_119, %dma_start3A_124] : memref<10000x64xf32, #tpu.memory_space<hbm>> -> memref<632x64xf32, #tpu.memory_space<hbm>>
        tpu.enqueue_dma source(%dma_start3A_125 : memref<632x64xf32, #tpu.memory_space<hbm>>) target(%dma_start3A_123 : memref<632x64xf32, #tpu.memory_space<vmem_shared>>) target_semaphore(%run_scoped3A : memref<!tpu.dma_semaphore, #tpu.memory_space<semaphore_mem>>)
        %dma_wait3A_126 = arith.constant 0 : i32
        %dma_wait3A_127 = tpu.memref_slice %arg25[%mul3A_121, %dma_wait3A_126] : memref<10000x64xf32, #tpu.memory_space<vmem_shared>> -> memref<632x64xf32, #tpu.memory_space<vmem_shared>>
        %dma_wait3A_128 = arith.constant 0 : i32
        %dma_wait3A_129 = tpu.memref_slice %arg2[%mul3A_119, %dma_wait3A_128] : memref<10000x64xf32, #tpu.memory_space<hbm>> -> memref<632x64xf32, #tpu.memory_space<hbm>>
        tpu.wait_dma2 semaphore(%run_scoped3A : memref<!tpu.dma_semaphore, #tpu.memory_space<semaphore_mem>>) src(%dma_wait3A_129 : memref<632x64xf32, #tpu.memory_space<hbm>>) dst(%dma_wait3A_127 : memref<632x64xf32, #tpu.memory_space<vmem_shared>>)
        tpu.yield
      }) : () -> ()
    } else {
    }
    %eq3A_34 = arith.constant 0 : i32
    %eq3A_35 = arith.cmpi eq, %arg0, %eq3A_34 : i32
    %eq3A_36 = arith.constant 15 : i32
    %eq3A_37 = arith.cmpi eq, %arg1, %eq3A_36 : i32
    %and3A_38 = arith.andi %eq3A_35, %eq3A_37 : i1
    %convert_element_type3A_39 = arith.extui %and3A_38 : i1 to i32
    %cond3A_40 = arith.constant 0 : i32
    %cond3A_41 = arith.cmpi ne, %convert_element_type3A_39, %cond3A_40 : i32
    scf.if %cond3A_41 {
      "tpu.region"() ({
        %run_scoped3A = tpu.sem_alloc : memref<!tpu.dma_semaphore, #tpu.memory_space<semaphore_mem>>
        %dma_start3A_118 = arith.constant 9480 : i32
        %dma_start3A_119 = arith.constant 0 : i32
        %dma_start3A_120 = tpu.memref_slice %arg25[%dma_start3A_118, %dma_start3A_119] : memref<10000x64xf32, #tpu.memory_space<vmem_shared>> -> memref<520x64xf32, #tpu.memory_space<vmem_shared>>
        %dma_start3A_121 = arith.constant 9480 : i32
        %dma_start3A_122 = arith.constant 0 : i32
        %dma_start3A_123 = tpu.memref_slice %arg2[%dma_start3A_121, %dma_start3A_122] : memref<10000x64xf32, #tpu.memory_space<hbm>> -> memref<520x64xf32, #tpu.memory_space<hbm>>
        tpu.enqueue_dma source(%dma_start3A_123 : memref<520x64xf32, #tpu.memory_space<hbm>>) target(%dma_start3A_120 : memref<520x64xf32, #tpu.memory_space<vmem_shared>>) target_semaphore(%run_scoped3A : memref<!tpu.dma_semaphore, #tpu.memory_space<semaphore_mem>>)
        %dma_wait3A_124 = arith.constant 9480 : i32
        %dma_wait3A_125 = arith.constant 0 : i32
        %dma_wait3A_126 = tpu.memref_slice %arg25[%dma_wait3A_124, %dma_wait3A_125] : memref<10000x64xf32, #tpu.memory_space<vmem_shared>> -> memref<520x64xf32, #tpu.memory_space<vmem_shared>>
        %dma_wait3A_127 = arith.constant 9480 : i32
        %dma_wait3A_128 = arith.constant 0 : i32
        %dma_wait3A_129 = tpu.memref_slice %arg2[%dma_wait3A_127, %dma_wait3A_128] : memref<10000x64xf32, #tpu.memory_space<hbm>> -> memref<520x64xf32, #tpu.memory_space<hbm>>
        tpu.wait_dma2 semaphore(%run_scoped3A : memref<!tpu.dma_semaphore, #tpu.memory_space<semaphore_mem>>) src(%dma_wait3A_129 : memref<520x64xf32, #tpu.memory_space<hbm>>) dst(%dma_wait3A_126 : memref<520x64xf32, #tpu.memory_space<vmem_shared>>)
        tpu.yield
      }) : () -> ()
    } else {
    }
    %eq3A_42 = arith.constant 1 : i32
    %eq3A_43 = arith.cmpi eq, %arg0, %eq3A_42 : i32
    %lt3A_44 = arith.constant 15 : i32
    %lt3A_45 = arith.cmpi slt, %arg1, %lt3A_44 : i32
    %and3A_46 = arith.andi %eq3A_43, %lt3A_45 : i1
    %convert_element_type3A_47 = arith.extui %and3A_46 : i1 to i32
    %cond3A_48 = arith.constant 0 : i32
    %cond3A_49 = arith.cmpi ne, %convert_element_type3A_47, %cond3A_48 : i32
    scf.if %cond3A_49 {
      %mul3A_118 = arith.constant 632 : i32
      %mul3A_119 = arith.muli %arg1, %mul3A_118 : i32
      %mul3A_120 = arith.constant 632 : i32
      %mul3A_121 = arith.muli %arg1, %mul3A_120 : i32
      "tpu.region"() ({
        %run_scoped3A = tpu.sem_alloc : memref<!tpu.dma_semaphore, #tpu.memory_space<semaphore_mem>>
        %dma_start3A_122 = arith.constant 0 : i32
        %dma_start3A_123 = tpu.memref_slice %arg25[%mul3A_121, %dma_start3A_122] : memref<10000x64xf32, #tpu.memory_space<vmem_shared>> -> memref<632x64xf32, #tpu.memory_space<vmem_shared>>
        %dma_start3A_124 = arith.constant 0 : i32
        %dma_start3A_125 = tpu.memref_slice %arg3[%mul3A_119, %dma_start3A_124] : memref<10000x64xf32, #tpu.memory_space<hbm>> -> memref<632x64xf32, #tpu.memory_space<hbm>>
        tpu.enqueue_dma source(%dma_start3A_125 : memref<632x64xf32, #tpu.memory_space<hbm>>) target(%dma_start3A_123 : memref<632x64xf32, #tpu.memory_space<vmem_shared>>) target_semaphore(%run_scoped3A : memref<!tpu.dma_semaphore, #tpu.memory_space<semaphore_mem>>)
        %dma_wait3A_126 = arith.constant 0 : i32
        %dma_wait3A_127 = tpu.memref_slice %arg25[%mul3A_121, %dma_wait3A_126] : memref<10000x64xf32, #tpu.memory_space<vmem_shared>> -> memref<632x64xf32, #tpu.memory_space<vmem_shared>>
        %dma_wait3A_128 = arith.constant 0 : i32
        %dma_wait3A_129 = tpu.memref_slice %arg3[%mul3A_119, %dma_wait3A_128] : memref<10000x64xf32, #tpu.memory_space<hbm>> -> memref<632x64xf32, #tpu.memory_space<hbm>>
        tpu.wait_dma2 semaphore(%run_scoped3A : memref<!tpu.dma_semaphore, #tpu.memory_space<semaphore_mem>>) src(%dma_wait3A_129 : memref<632x64xf32, #tpu.memory_space<hbm>>) dst(%dma_wait3A_127 : memref<632x64xf32, #tpu.memory_space<vmem_shared>>)
        tpu.yield
      }) : () -> ()
    } else {
    }
    %eq3A_50 = arith.constant 1 : i32
    %eq3A_51 = arith.cmpi eq, %arg0, %eq3A_50 : i32
    %eq3A_52 = arith.constant 15 : i32
    %eq3A_53 = arith.cmpi eq, %arg1, %eq3A_52 : i32
    %and3A_54 = arith.andi %eq3A_51, %eq3A_53 : i1
    %convert_element_type3A_55 = arith.extui %and3A_54 : i1 to i32
    %cond3A_56 = arith.constant 0 : i32
    %cond3A_57 = arith.cmpi ne, %convert_element_type3A_55, %cond3A_56 : i32
    scf.if %cond3A_57 {
      "tpu.region"() ({
        %run_scoped3A = tpu.sem_alloc : memref<!tpu.dma_semaphore, #tpu.memory_space<semaphore_mem>>
        %dma_start3A_118 = arith.constant 9480 : i32
        %dma_start3A_119 = arith.constant 0 : i32
        %dma_start3A_120 = tpu.memref_slice %arg25[%dma_start3A_118, %dma_start3A_119] : memref<10000x64xf32, #tpu.memory_space<vmem_shared>> -> memref<520x64xf32, #tpu.memory_space<vmem_shared>>
        %dma_start3A_121 = arith.constant 9480 : i32
        %dma_start3A_122 = arith.constant 0 : i32
        %dma_start3A_123 = tpu.memref_slice %arg3[%dma_start3A_121, %dma_start3A_122] : memref<10000x64xf32, #tpu.memory_space<hbm>> -> memref<520x64xf32, #tpu.memory_space<hbm>>
        tpu.enqueue_dma source(%dma_start3A_123 : memref<520x64xf32, #tpu.memory_space<hbm>>) target(%dma_start3A_120 : memref<520x64xf32, #tpu.memory_space<vmem_shared>>) target_semaphore(%run_scoped3A : memref<!tpu.dma_semaphore, #tpu.memory_space<semaphore_mem>>)
        %dma_wait3A_124 = arith.constant 9480 : i32
        %dma_wait3A_125 = arith.constant 0 : i32
        %dma_wait3A_126 = tpu.memref_slice %arg25[%dma_wait3A_124, %dma_wait3A_125] : memref<10000x64xf32, #tpu.memory_space<vmem_shared>> -> memref<520x64xf32, #tpu.memory_space<vmem_shared>>
        %dma_wait3A_127 = arith.constant 9480 : i32
        %dma_wait3A_128 = arith.constant 0 : i32
        %dma_wait3A_129 = tpu.memref_slice %arg3[%dma_wait3A_127, %dma_wait3A_128] : memref<10000x64xf32, #tpu.memory_space<hbm>> -> memref<520x64xf32, #tpu.memory_space<hbm>>
        tpu.wait_dma2 semaphore(%run_scoped3A : memref<!tpu.dma_semaphore, #tpu.memory_space<semaphore_mem>>) src(%dma_wait3A_129 : memref<520x64xf32, #tpu.memory_space<hbm>>) dst(%dma_wait3A_126 : memref<520x64xf32, #tpu.memory_space<vmem_shared>>)
        tpu.yield
      }) : () -> ()
    } else {
    }
    %mul3A_58 = arith.constant 632 : i32
    %mul3A_59 = arith.muli %arg1, %mul3A_58 : i32
    %mul3A_60 = arith.constant 632 : i32
    %mul3A_61 = arith.muli %arg1, %mul3A_60 : i32
    %dma_wait3A = arith.constant 0 : i32
    %dma_wait3A_62 = tpu.memref_slice %arg26[%mul3A_61, %dma_wait3A] : memref<10112x64xf32, #tpu.memory_space<vmem_shared>> -> memref<632x64xf32, #tpu.memory_space<vmem_shared>>
    %dma_wait3A_63 = arith.constant 0 : i32
    %dma_wait3A_64 = tpu.memref_slice %arg6[%mul3A_59, %dma_wait3A_63] : memref<10112x64xf32, #tpu.memory_space<hbm>> -> memref<632x64xf32, #tpu.memory_space<hbm>>
    tpu.wait_dma2 semaphore(%arg16 : memref<!tpu.dma_semaphore, #tpu.memory_space<semaphore_mem>>) src(%dma_wait3A_64 : memref<632x64xf32, #tpu.memory_space<hbm>>) dst(%dma_wait3A_62 : memref<632x64xf32, #tpu.memory_space<vmem_shared>>)
    %lt3A_65 = arith.constant 12 : i32
    %lt3A_66 = arith.cmpi slt, %arg1, %lt3A_65 : i32
    %convert_element_type3A_67 = arith.extui %lt3A_66 : i1 to i32
    %cond3A_68 = arith.constant 0 : i32
    %cond3A_69 = arith.cmpi ne, %convert_element_type3A_67, %cond3A_68 : i32
    scf.if %cond3A_69 {
      %dma_wait3A_118 = arith.constant 0 : i32
      %dma_wait3A_119 = arith.constant 0 : i32
      %dma_wait3A_120 = tpu.memref_slice %arg5[%dma_wait3A_118, %dma_wait3A_119] : memref<2500x128xi32, #tpu.memory_space<hbm>> -> memref<157x128xi32, #tpu.memory_space<hbm>>
      %dma_wait3A_121 = arith.constant 0 : i32
      %dma_wait3A_122 = arith.constant 0 : i32
      %dma_wait3A_123 = tpu.memref_slice %arg5[%dma_wait3A_121, %dma_wait3A_122] : memref<2500x128xi32, #tpu.memory_space<hbm>> -> memref<157x128xi32, #tpu.memory_space<hbm>>
      tpu.wait_dma2 semaphore(%arg17 : memref<!tpu.dma_semaphore, #tpu.memory_space<semaphore_mem>>) src(%dma_wait3A_123 : memref<157x128xi32, #tpu.memory_space<hbm>>) dst(%arg9 : memref<157x128xi32, #tpu.memory_space<vmem>>)
    } else {
    }
    %ge3A_70 = arith.constant 12 : i32
    %ge3A_71 = arith.cmpi sge, %arg1, %ge3A_70 : i32
    %convert_element_type3A_72 = arith.extui %ge3A_71 : i1 to i32
    %cond3A_73 = arith.constant 0 : i32
    %cond3A_74 = arith.cmpi ne, %convert_element_type3A_72, %cond3A_73 : i32
    scf.if %cond3A_74 {
      %dma_wait3A_118 = arith.constant 0 : i32
      %dma_wait3A_119 = arith.constant 0 : i32
      %dma_wait3A_120 = tpu.memref_slice %arg9[%dma_wait3A_118, %dma_wait3A_119] : memref<157x128xi32, #tpu.memory_space<vmem>> -> memref<154x128xi32, #tpu.memory_space<vmem>>
      %dma_wait3A_121 = arith.constant 0 : i32
      %dma_wait3A_122 = arith.constant 0 : i32
      %dma_wait3A_123 = tpu.memref_slice %arg5[%dma_wait3A_121, %dma_wait3A_122] : memref<2500x128xi32, #tpu.memory_space<hbm>> -> memref<154x128xi32, #tpu.memory_space<hbm>>
      %dma_wait3A_124 = arith.constant 0 : i32
      %dma_wait3A_125 = arith.constant 0 : i32
      %dma_wait3A_126 = tpu.memref_slice %arg9[%dma_wait3A_124, %dma_wait3A_125] : memref<157x128xi32, #tpu.memory_space<vmem>> -> memref<154x128xi32, #tpu.memory_space<vmem>>
      %dma_wait3A_127 = arith.constant 0 : i32
      %dma_wait3A_128 = arith.constant 0 : i32
      %dma_wait3A_129 = tpu.memref_slice %arg5[%dma_wait3A_127, %dma_wait3A_128] : memref<2500x128xi32, #tpu.memory_space<hbm>> -> memref<154x128xi32, #tpu.memory_space<hbm>>
      tpu.wait_dma2 semaphore(%arg17 : memref<!tpu.dma_semaphore, #tpu.memory_space<semaphore_mem>>) src(%dma_wait3A_129 : memref<154x128xi32, #tpu.memory_space<hbm>>) dst(%dma_wait3A_126 : memref<154x128xi32, #tpu.memory_space<vmem>>)
    } else {
    }
    %barrier3A = arith.constant 0 : index
    tpu.barrier barrier_id(%barrier3A)
    %lt3A_75 = arith.constant 12 : i32
    %lt3A_76 = arith.cmpi slt, %arg1, %lt3A_75 : i32
    %convert_element_type3A_77 = arith.extui %lt3A_76 : i1 to i32
    %cond3A_78 = arith.constant 0 : i32
    %cond3A_79 = arith.cmpi ne, %convert_element_type3A_77, %cond3A_78 : i32
    scf.if %cond3A_79 {
      %dma_wait3A_118 = arith.constant 0 : i32
      %dma_wait3A_119 = arith.constant 0 : i32
      %dma_wait3A_120 = tpu.memref_slice %arg4[%dma_wait3A_118, %dma_wait3A_119] : memref<2500x128xi32, #tpu.memory_space<hbm>> -> memref<1x128xi32, #tpu.memory_space<hbm>>
      %dma_wait3A_121 = tpu.memref_squeeze %dma_wait3A_120 : memref<1x128xi32, #tpu.memory_space<hbm>> -> memref<128xi32, #tpu.memory_space<hbm>>
      %dma_wait3A_122 = arith.constant 0 : i32
      %dma_wait3A_123 = tpu.memref_slice %arg4[%dma_wait3A_118, %dma_wait3A_122] : memref<2500x128xi32, #tpu.memory_space<hbm>> -> memref<1x128xi32, #tpu.memory_space<hbm>>
      %dma_wait3A_124 = tpu.memref_squeeze %dma_wait3A_123 : memref<1x128xi32, #tpu.memory_space<hbm>> -> memref<128xi32, #tpu.memory_space<hbm>>
      tpu.wait_dma2 semaphore(%arg22 : memref<!tpu.dma_semaphore, #tpu.memory_space<semaphore_mem>>) src(%dma_wait3A_124 : memref<128xi32, #tpu.memory_space<hbm>>) dst(%arg10 : memref<128xi32, #tpu.memory_space<vmem>>)
      %dma_start3A_125 = arith.constant 0 : i32
      %dma_start3A_126 = arith.constant 0 : i32
      %dma_start3A_127 = tpu.memref_slice %arg25[%dma_start3A_125, %dma_start3A_126] : memref<10000x64xf32, #tpu.memory_space<vmem_shared>> -> memref<10000x64xf32, #tpu.memory_space<vmem_shared>>
      tpu.enqueue_indirect_dma source(%dma_start3A_127 : memref<10000x64xf32, #tpu.memory_space<vmem_shared>>) target(%arg13 : memref<128x64xf32, #tpu.memory_space<vmem>>) offsets(%arg10 : memref<128xi32, #tpu.memory_space<vmem>>) semaphore(%arg16 : memref<!tpu.dma_semaphore, #tpu.memory_space<semaphore_mem>>)
      %add3A_128 = arith.constant 1 : i32
      %add3A_129 = arith.addi %select_n3A, %add3A_128 : i32
      %dma_start3A_130 = arith.constant 0 : i32
      %dma_start3A_131 = tpu.memref_slice %arg4[%add3A_129, %dma_start3A_130] : memref<2500x128xi32, #tpu.memory_space<hbm>> -> memref<1x128xi32, #tpu.memory_space<hbm>>
      %dma_start3A_132 = tpu.memref_squeeze %dma_start3A_131 : memref<1x128xi32, #tpu.memory_space<hbm>> -> memref<128xi32, #tpu.memory_space<hbm>>
      %dma_start3A_133 = arith.constant 0 : i32
      %dma_start3A_134 = tpu.memref_slice %arg4[%add3A_129, %dma_start3A_133] : memref<2500x128xi32, #tpu.memory_space<hbm>> -> memref<1x128xi32, #tpu.memory_space<hbm>>
      %dma_start3A_135 = tpu.memref_squeeze %dma_start3A_134 : memref<1x128xi32, #tpu.memory_space<hbm>> -> memref<128xi32, #tpu.memory_space<hbm>>
      tpu.enqueue_dma source(%dma_start3A_135 : memref<128xi32, #tpu.memory_space<hbm>>) target(%arg11 : memref<128xi32, #tpu.memory_space<vmem>>) target_semaphore(%arg23 : memref<!tpu.dma_semaphore, #tpu.memory_space<semaphore_mem>>)
      %dma_wait3A_136 = arith.constant 0 : i32
      %dma_wait3A_137 = arith.constant 0 : i32
      %dma_wait3A_138 = tpu.memref_slice %arg4[%dma_wait3A_136, %dma_wait3A_137] : memref<2500x128xi32, #tpu.memory_space<hbm>> -> memref<1x128xi32, #tpu.memory_space<hbm>>
      %dma_wait3A_139 = tpu.memref_squeeze %dma_wait3A_138 : memref<1x128xi32, #tpu.memory_space<hbm>> -> memref<128xi32, #tpu.memory_space<hbm>>
      %dma_wait3A_140 = arith.constant 0 : i32
      %dma_wait3A_141 = tpu.memref_slice %arg4[%dma_wait3A_136, %dma_wait3A_140] : memref<2500x128xi32, #tpu.memory_space<hbm>> -> memref<1x128xi32, #tpu.memory_space<hbm>>
      %dma_wait3A_142 = tpu.memref_squeeze %dma_wait3A_141 : memref<1x128xi32, #tpu.memory_space<hbm>> -> memref<128xi32, #tpu.memory_space<hbm>>
      tpu.wait_dma2 semaphore(%arg23 : memref<!tpu.dma_semaphore, #tpu.memory_space<semaphore_mem>>) src(%dma_wait3A_142 : memref<128xi32, #tpu.memory_space<hbm>>) dst(%arg11 : memref<128xi32, #tpu.memory_space<vmem>>)
      %dma_start3A_143 = arith.constant 0 : i32
      %dma_start3A_144 = arith.constant 0 : i32
      %dma_start3A_145 = tpu.memref_slice %arg25[%dma_start3A_143, %dma_start3A_144] : memref<10000x64xf32, #tpu.memory_space<vmem_shared>> -> memref<10000x64xf32, #tpu.memory_space<vmem_shared>>
      tpu.enqueue_indirect_dma source(%dma_start3A_145 : memref<10000x64xf32, #tpu.memory_space<vmem_shared>>) target(%arg14 : memref<128x64xf32, #tpu.memory_space<vmem>>) offsets(%arg11 : memref<128xi32, #tpu.memory_space<vmem>>) semaphore(%arg17 : memref<!tpu.dma_semaphore, #tpu.memory_space<semaphore_mem>>)
      %add3A_146 = arith.constant 2 : i32
      %add3A_147 = arith.addi %select_n3A, %add3A_146 : i32
      %dma_start3A_148 = arith.constant 0 : i32
      %dma_start3A_149 = tpu.memref_slice %arg4[%add3A_147, %dma_start3A_148] : memref<2500x128xi32, #tpu.memory_space<hbm>> -> memref<1x128xi32, #tpu.memory_space<hbm>>
      %dma_start3A_150 = tpu.memref_squeeze %dma_start3A_149 : memref<1x128xi32, #tpu.memory_space<hbm>> -> memref<128xi32, #tpu.memory_space<hbm>>
      %dma_start3A_151 = arith.constant 0 : i32
      %dma_start3A_152 = tpu.memref_slice %arg4[%add3A_147, %dma_start3A_151] : memref<2500x128xi32, #tpu.memory_space<hbm>> -> memref<1x128xi32, #tpu.memory_space<hbm>>
      %dma_start3A_153 = tpu.memref_squeeze %dma_start3A_152 : memref<1x128xi32, #tpu.memory_space<hbm>> -> memref<128xi32, #tpu.memory_space<hbm>>
      tpu.enqueue_dma source(%dma_start3A_153 : memref<128xi32, #tpu.memory_space<hbm>>) target(%arg12 : memref<128xi32, #tpu.memory_space<vmem>>) target_semaphore(%arg24 : memref<!tpu.dma_semaphore, #tpu.memory_space<semaphore_mem>>)
      %dma_wait3A_154 = arith.constant 0 : i32
      %dma_wait3A_155 = arith.constant 0 : i32
      %dma_wait3A_156 = tpu.memref_slice %arg25[%dma_wait3A_154, %dma_wait3A_155] : memref<10000x64xf32, #tpu.memory_space<vmem_shared>> -> memref<10000x64xf32, #tpu.memory_space<vmem_shared>>
      tpu.wait_indirect_dma semaphore(%arg16 : memref<!tpu.dma_semaphore, #tpu.memory_space<semaphore_mem>>) src(%dma_wait3A_156 : memref<10000x64xf32, #tpu.memory_space<vmem_shared>>) dst(%arg13 : memref<128x64xf32, #tpu.memory_space<vmem>>)
      %dma_start3A_157 = arith.constant 0 : i32
      %dma_start3A_158 = arith.constant 0 : i32
      %dma_start3A_159 = tpu.memref_slice %arg9[%dma_start3A_157, %dma_start3A_158] : memref<157x128xi32, #tpu.memory_space<vmem>> -> memref<1x128xi32, #tpu.memory_space<vmem>>
      %dma_start3A_160 = tpu.memref_squeeze %dma_start3A_159 : memref<1x128xi32, #tpu.memory_space<vmem>> -> memref<128xi32, #tpu.memory_space<vmem>>
      %dma_start3A_161 = arith.constant 0 : i32
      %dma_start3A_162 = arith.constant 0 : i32
      %dma_start3A_163 = tpu.memref_slice %arg26[%dma_start3A_161, %dma_start3A_162] : memref<10112x64xf32, #tpu.memory_space<vmem_shared>> -> memref<10112x64xf32, #tpu.memory_space<vmem_shared>>
      tpu.enqueue_indirect_dma source(%arg13 : memref<128x64xf32, #tpu.memory_space<vmem>>) target(%dma_start3A_163 : memref<10112x64xf32, #tpu.memory_space<vmem_shared>>) offsets(%dma_start3A_160 : memref<128xi32, #tpu.memory_space<vmem>>) semaphore(%arg19 : memref<!tpu.dma_semaphore, #tpu.memory_space<semaphore_mem>>) {add = true}
      %dma_wait3A_164 = arith.constant 0 : i32
      %dma_wait3A_165 = arith.constant 0 : i32
      %dma_wait3A_166 = tpu.memref_slice %arg4[%dma_wait3A_164, %dma_wait3A_165] : memref<2500x128xi32, #tpu.memory_space<hbm>> -> memref<1x128xi32, #tpu.memory_space<hbm>>
      %dma_wait3A_167 = tpu.memref_squeeze %dma_wait3A_166 : memref<1x128xi32, #tpu.memory_space<hbm>> -> memref<128xi32, #tpu.memory_space<hbm>>
      %dma_wait3A_168 = arith.constant 0 : i32
      %dma_wait3A_169 = tpu.memref_slice %arg4[%dma_wait3A_164, %dma_wait3A_168] : memref<2500x128xi32, #tpu.memory_space<hbm>> -> memref<1x128xi32, #tpu.memory_space<hbm>>
      %dma_wait3A_170 = tpu.memref_squeeze %dma_wait3A_169 : memref<1x128xi32, #tpu.memory_space<hbm>> -> memref<128xi32, #tpu.memory_space<hbm>>
      tpu.wait_dma2 semaphore(%arg24 : memref<!tpu.dma_semaphore, #tpu.memory_space<semaphore_mem>>) src(%dma_wait3A_170 : memref<128xi32, #tpu.memory_space<hbm>>) dst(%arg12 : memref<128xi32, #tpu.memory_space<vmem>>)
      %dma_start3A_171 = arith.constant 0 : i32
      %dma_start3A_172 = arith.constant 0 : i32
      %dma_start3A_173 = tpu.memref_slice %arg25[%dma_start3A_171, %dma_start3A_172] : memref<10000x64xf32, #tpu.memory_space<vmem_shared>> -> memref<10000x64xf32, #tpu.memory_space<vmem_shared>>
      tpu.enqueue_indirect_dma source(%dma_start3A_173 : memref<10000x64xf32, #tpu.memory_space<vmem_shared>>) target(%arg15 : memref<128x64xf32, #tpu.memory_space<vmem>>) offsets(%arg12 : memref<128xi32, #tpu.memory_space<vmem>>) semaphore(%arg18 : memref<!tpu.dma_semaphore, #tpu.memory_space<semaphore_mem>>)
      %add3A_174 = arith.constant 3 : i32
      %add3A_175 = arith.addi %select_n3A, %add3A_174 : i32
      %dma_start3A_176 = arith.constant 0 : i32
      %dma_start3A_177 = tpu.memref_slice %arg4[%add3A_175, %dma_start3A_176] : memref<2500x128xi32, #tpu.memory_space<hbm>> -> memref<1x128xi32, #tpu.memory_space<hbm>>
      %dma_start3A_178 = tpu.memref_squeeze %dma_start3A_177 : memref<1x128xi32, #tpu.memory_space<hbm>> -> memref<128xi32, #tpu.memory_space<hbm>>
      %dma_start3A_179 = arith.constant 0 : i32
      %dma_start3A_180 = tpu.memref_slice %arg4[%add3A_175, %dma_start3A_179] : memref<2500x128xi32, #tpu.memory_space<hbm>> -> memref<1x128xi32, #tpu.memory_space<hbm>>
      %dma_start3A_181 = tpu.memref_squeeze %dma_start3A_180 : memref<1x128xi32, #tpu.memory_space<hbm>> -> memref<128xi32, #tpu.memory_space<hbm>>
      tpu.enqueue_dma source(%dma_start3A_181 : memref<128xi32, #tpu.memory_space<hbm>>) target(%arg10 : memref<128xi32, #tpu.memory_space<vmem>>) target_semaphore(%arg22 : memref<!tpu.dma_semaphore, #tpu.memory_space<semaphore_mem>>)
      %dma_wait3A_182 = arith.constant 0 : i32
      %dma_wait3A_183 = arith.constant 0 : i32
      %dma_wait3A_184 = tpu.memref_slice %arg25[%dma_wait3A_182, %dma_wait3A_183] : memref<10000x64xf32, #tpu.memory_space<vmem_shared>> -> memref<10000x64xf32, #tpu.memory_space<vmem_shared>>
      tpu.wait_indirect_dma semaphore(%arg17 : memref<!tpu.dma_semaphore, #tpu.memory_space<semaphore_mem>>) src(%dma_wait3A_184 : memref<10000x64xf32, #tpu.memory_space<vmem_shared>>) dst(%arg14 : memref<128x64xf32, #tpu.memory_space<vmem>>)
      %dma_start3A_185 = arith.constant 1 : i32
      %dma_start3A_186 = arith.constant 0 : i32
      %dma_start3A_187 = tpu.memref_slice %arg9[%dma_start3A_185, %dma_start3A_186] : memref<157x128xi32, #tpu.memory_space<vmem>> -> memref<1x128xi32, #tpu.memory_space<vmem>>
      %dma_start3A_188 = tpu.memref_squeeze %dma_start3A_187 : memref<1x128xi32, #tpu.memory_space<vmem>> -> memref<128xi32, #tpu.memory_space<vmem>>
      %dma_start3A_189 = arith.constant 0 : i32
      %dma_start3A_190 = arith.constant 0 : i32
      %dma_start3A_191 = tpu.memref_slice %arg26[%dma_start3A_189, %dma_start3A_190] : memref<10112x64xf32, #tpu.memory_space<vmem_shared>> -> memref<10112x64xf32, #tpu.memory_space<vmem_shared>>
      tpu.enqueue_indirect_dma source(%arg14 : memref<128x64xf32, #tpu.memory_space<vmem>>) target(%dma_start3A_191 : memref<10112x64xf32, #tpu.memory_space<vmem_shared>>) offsets(%dma_start3A_188 : memref<128xi32, #tpu.memory_space<vmem>>) semaphore(%arg20 : memref<!tpu.dma_semaphore, #tpu.memory_space<semaphore_mem>>) {add = true}
      %scan3A = arith.constant 0 : i32
      %scan3A_192 = arith.constant 0 : i32
      %scan3A_193 = arith.constant 51 : i32
      %scan3A_194 = arith.addi %scan3A_192, %scan3A_193 : i32
      %scan3A_195 = arith.constant 1 : i32
      scf.for %scan3A_255 = %scan3A_192 to %scan3A_194 step %scan3A_195  : i32 {
        %mul3A_256 = arith.constant 3 : i32
        %mul3A_257 = arith.muli %scan3A_255, %mul3A_256 : i32
        %add3A_258 = arith.constant 2 : i32
        %add3A_259 = arith.addi %add3A_258, %mul3A_257 : i32
        %add3A_260 = arith.constant 0 : i32
        %add3A_261 = arith.addi %add3A_259, %add3A_260 : i32
        %dma_wait3A_262 = arith.constant 0 : i32
        %dma_wait3A_263 = arith.constant 0 : i32
        %dma_wait3A_264 = tpu.memref_slice %arg9[%dma_wait3A_262, %dma_wait3A_263] : memref<157x128xi32, #tpu.memory_space<vmem>> -> memref<1x128xi32, #tpu.memory_space<vmem>>
        %dma_wait3A_265 = tpu.memref_squeeze %dma_wait3A_264 : memref<1x128xi32, #tpu.memory_space<vmem>> -> memref<128xi32, #tpu.memory_space<vmem>>
        %dma_wait3A_266 = arith.constant 0 : i32
        %dma_wait3A_267 = arith.constant 0 : i32
        %dma_wait3A_268 = tpu.memref_slice %arg26[%dma_wait3A_266, %dma_wait3A_267] : memref<10112x64xf32, #tpu.memory_space<vmem_shared>> -> memref<10112x64xf32, #tpu.memory_space<vmem_shared>>
        tpu.wait_indirect_dma semaphore(%arg19 : memref<!tpu.dma_semaphore, #tpu.memory_space<semaphore_mem>>) src(%arg13 : memref<128x64xf32, #tpu.memory_space<vmem>>) dst(%dma_wait3A_268 : memref<10112x64xf32, #tpu.memory_space<vmem_shared>>)
        %dma_wait3A_269 = arith.constant 0 : i32
        %dma_wait3A_270 = arith.constant 0 : i32
        %dma_wait3A_271 = tpu.memref_slice %arg4[%dma_wait3A_269, %dma_wait3A_270] : memref<2500x128xi32, #tpu.memory_space<hbm>> -> memref<1x128xi32, #tpu.memory_space<hbm>>
        %dma_wait3A_272 = tpu.memref_squeeze %dma_wait3A_271 : memref<1x128xi32, #tpu.memory_space<hbm>> -> memref<128xi32, #tpu.memory_space<hbm>>
        %dma_wait3A_273 = arith.constant 0 : i32
        %dma_wait3A_274 = tpu.memref_slice %arg4[%dma_wait3A_269, %dma_wait3A_273] : memref<2500x128xi32, #tpu.memory_space<hbm>> -> memref<1x128xi32, #tpu.memory_space<hbm>>
        %dma_wait3A_275 = tpu.memref_squeeze %dma_wait3A_274 : memref<1x128xi32, #tpu.memory_space<hbm>> -> memref<128xi32, #tpu.memory_space<hbm>>
        tpu.wait_dma2 semaphore(%arg22 : memref<!tpu.dma_semaphore, #tpu.memory_space<semaphore_mem>>) src(%dma_wait3A_275 : memref<128xi32, #tpu.memory_space<hbm>>) dst(%arg10 : memref<128xi32, #tpu.memory_space<vmem>>)
        %add3A_276 = arith.constant 1 : i32
        %add3A_277 = arith.addi %add3A_261, %add3A_276 : i32
        %dma_start3A_278 = arith.constant 0 : i32
        %dma_start3A_279 = arith.constant 0 : i32
        %dma_start3A_280 = tpu.memref_slice %arg25[%dma_start3A_278, %dma_start3A_279] : memref<10000x64xf32, #tpu.memory_space<vmem_shared>> -> memref<10000x64xf32, #tpu.memory_space<vmem_shared>>
        tpu.enqueue_indirect_dma source(%dma_start3A_280 : memref<10000x64xf32, #tpu.memory_space<vmem_shared>>) target(%arg13 : memref<128x64xf32, #tpu.memory_space<vmem>>) offsets(%arg10 : memref<128xi32, #tpu.memory_space<vmem>>) semaphore(%arg16 : memref<!tpu.dma_semaphore, #tpu.memory_space<semaphore_mem>>)
        %add3A_281 = arith.constant 2 : i32
        %add3A_282 = arith.addi %add3A_261, %add3A_281 : i32
        %add3A_283 = arith.addi %select_n3A, %add3A_282 : i32
        %dma_start3A_284 = arith.constant 0 : i32
        %dma_start3A_285 = tpu.memref_slice %arg4[%add3A_283, %dma_start3A_284] : memref<2500x128xi32, #tpu.memory_space<hbm>> -> memref<1x128xi32, #tpu.memory_space<hbm>>
        %dma_start3A_286 = tpu.memref_squeeze %dma_start3A_285 : memref<1x128xi32, #tpu.memory_space<hbm>> -> memref<128xi32, #tpu.memory_space<hbm>>
        %dma_start3A_287 = arith.constant 0 : i32
        %dma_start3A_288 = tpu.memref_slice %arg4[%add3A_283, %dma_start3A_287] : memref<2500x128xi32, #tpu.memory_space<hbm>> -> memref<1x128xi32, #tpu.memory_space<hbm>>
        %dma_start3A_289 = tpu.memref_squeeze %dma_start3A_288 : memref<1x128xi32, #tpu.memory_space<hbm>> -> memref<128xi32, #tpu.memory_space<hbm>>
        tpu.enqueue_dma source(%dma_start3A_289 : memref<128xi32, #tpu.memory_space<hbm>>) target(%arg11 : memref<128xi32, #tpu.memory_space<vmem>>) target_semaphore(%arg23 : memref<!tpu.dma_semaphore, #tpu.memory_space<semaphore_mem>>)
        %dma_wait3A_290 = arith.constant 0 : i32
        %dma_wait3A_291 = arith.constant 0 : i32
        %dma_wait3A_292 = tpu.memref_slice %arg25[%dma_wait3A_290, %dma_wait3A_291] : memref<10000x64xf32, #tpu.memory_space<vmem_shared>> -> memref<10000x64xf32, #tpu.memory_space<vmem_shared>>
        tpu.wait_indirect_dma semaphore(%arg18 : memref<!tpu.dma_semaphore, #tpu.memory_space<semaphore_mem>>) src(%dma_wait3A_292 : memref<10000x64xf32, #tpu.memory_space<vmem_shared>>) dst(%arg15 : memref<128x64xf32, #tpu.memory_space<vmem>>)
        %dma_start3A_293 = arith.constant 0 : i32
        %dma_start3A_294 = tpu.memref_slice %arg9[%add3A_261, %dma_start3A_293] : memref<157x128xi32, #tpu.memory_space<vmem>> -> memref<1x128xi32, #tpu.memory_space<vmem>>
        %dma_start3A_295 = tpu.memref_squeeze %dma_start3A_294 : memref<1x128xi32, #tpu.memory_space<vmem>> -> memref<128xi32, #tpu.memory_space<vmem>>
        %dma_start3A_296 = arith.constant 0 : i32
        %dma_start3A_297 = arith.constant 0 : i32
        %dma_start3A_298 = tpu.memref_slice %arg26[%dma_start3A_296, %dma_start3A_297] : memref<10112x64xf32, #tpu.memory_space<vmem_shared>> -> memref<10112x64xf32, #tpu.memory_space<vmem_shared>>
        tpu.enqueue_indirect_dma source(%arg15 : memref<128x64xf32, #tpu.memory_space<vmem>>) target(%dma_start3A_298 : memref<10112x64xf32, #tpu.memory_space<vmem_shared>>) offsets(%dma_start3A_295 : memref<128xi32, #tpu.memory_space<vmem>>) semaphore(%arg21 : memref<!tpu.dma_semaphore, #tpu.memory_space<semaphore_mem>>) {add = true}
        %add3A_299 = arith.constant 1 : i32
        %add3A_300 = arith.addi %add3A_259, %add3A_299 : i32
        %dma_wait3A_301 = arith.constant 0 : i32
        %dma_wait3A_302 = arith.constant 0 : i32
        %dma_wait3A_303 = tpu.memref_slice %arg9[%dma_wait3A_301, %dma_wait3A_302] : memref<157x128xi32, #tpu.memory_space<vmem>> -> memref<1x128xi32, #tpu.memory_space<vmem>>
        %dma_wait3A_304 = tpu.memref_squeeze %dma_wait3A_303 : memref<1x128xi32, #tpu.memory_space<vmem>> -> memref<128xi32, #tpu.memory_space<vmem>>
        %dma_wait3A_305 = arith.constant 0 : i32
        %dma_wait3A_306 = arith.constant 0 : i32
        %dma_wait3A_307 = tpu.memref_slice %arg26[%dma_wait3A_305, %dma_wait3A_306] : memref<10112x64xf32, #tpu.memory_space<vmem_shared>> -> memref<10112x64xf32, #tpu.memory_space<vmem_shared>>
        tpu.wait_indirect_dma semaphore(%arg20 : memref<!tpu.dma_semaphore, #tpu.memory_space<semaphore_mem>>) src(%arg14 : memref<128x64xf32, #tpu.memory_space<vmem>>) dst(%dma_wait3A_307 : memref<10112x64xf32, #tpu.memory_space<vmem_shared>>)
        %dma_wait3A_308 = arith.constant 0 : i32
        %dma_wait3A_309 = arith.constant 0 : i32
        %dma_wait3A_310 = tpu.memref_slice %arg4[%dma_wait3A_308, %dma_wait3A_309] : memref<2500x128xi32, #tpu.memory_space<hbm>> -> memref<1x128xi32, #tpu.memory_space<hbm>>
        %dma_wait3A_311 = tpu.memref_squeeze %dma_wait3A_310 : memref<1x128xi32, #tpu.memory_space<hbm>> -> memref<128xi32, #tpu.memory_space<hbm>>
        %dma_wait3A_312 = arith.constant 0 : i32
        %dma_wait3A_313 = tpu.memref_slice %arg4[%dma_wait3A_308, %dma_wait3A_312] : memref<2500x128xi32, #tpu.memory_space<hbm>> -> memref<1x128xi32, #tpu.memory_space<hbm>>
        %dma_wait3A_314 = tpu.memref_squeeze %dma_wait3A_313 : memref<1x128xi32, #tpu.memory_space<hbm>> -> memref<128xi32, #tpu.memory_space<hbm>>
        tpu.wait_dma2 semaphore(%arg23 : memref<!tpu.dma_semaphore, #tpu.memory_space<semaphore_mem>>) src(%dma_wait3A_314 : memref<128xi32, #tpu.memory_space<hbm>>) dst(%arg11 : memref<128xi32, #tpu.memory_space<vmem>>)
        %add3A_315 = arith.constant 1 : i32
        %add3A_316 = arith.addi %add3A_300, %add3A_315 : i32
        %dma_start3A_317 = arith.constant 0 : i32
        %dma_start3A_318 = arith.constant 0 : i32
        %dma_start3A_319 = tpu.memref_slice %arg25[%dma_start3A_317, %dma_start3A_318] : memref<10000x64xf32, #tpu.memory_space<vmem_shared>> -> memref<10000x64xf32, #tpu.memory_space<vmem_shared>>
        tpu.enqueue_indirect_dma source(%dma_start3A_319 : memref<10000x64xf32, #tpu.memory_space<vmem_shared>>) target(%arg14 : memref<128x64xf32, #tpu.memory_space<vmem>>) offsets(%arg11 : memref<128xi32, #tpu.memory_space<vmem>>) semaphore(%arg17 : memref<!tpu.dma_semaphore, #tpu.memory_space<semaphore_mem>>)
        %add3A_320 = arith.constant 2 : i32
        %add3A_321 = arith.addi %add3A_300, %add3A_320 : i32
        %add3A_322 = arith.addi %select_n3A, %add3A_321 : i32
        %dma_start3A_323 = arith.constant 0 : i32
        %dma_start3A_324 = tpu.memref_slice %arg4[%add3A_322, %dma_start3A_323] : memref<2500x128xi32, #tpu.memory_space<hbm>> -> memref<1x128xi32, #tpu.memory_space<hbm>>
        %dma_start3A_325 = tpu.memref_squeeze %dma_start3A_324 : memref<1x128xi32, #tpu.memory_space<hbm>> -> memref<128xi32, #tpu.memory_space<hbm>>
        %dma_start3A_326 = arith.constant 0 : i32
        %dma_start3A_327 = tpu.memref_slice %arg4[%add3A_322, %dma_start3A_326] : memref<2500x128xi32, #tpu.memory_space<hbm>> -> memref<1x128xi32, #tpu.memory_space<hbm>>
        %dma_start3A_328 = tpu.memref_squeeze %dma_start3A_327 : memref<1x128xi32, #tpu.memory_space<hbm>> -> memref<128xi32, #tpu.memory_space<hbm>>
        tpu.enqueue_dma source(%dma_start3A_328 : memref<128xi32, #tpu.memory_space<hbm>>) target(%arg12 : memref<128xi32, #tpu.memory_space<vmem>>) target_semaphore(%arg24 : memref<!tpu.dma_semaphore, #tpu.memory_space<semaphore_mem>>)
        %dma_wait3A_329 = arith.constant 0 : i32
        %dma_wait3A_330 = arith.constant 0 : i32
        %dma_wait3A_331 = tpu.memref_slice %arg25[%dma_wait3A_329, %dma_wait3A_330] : memref<10000x64xf32, #tpu.memory_space<vmem_shared>> -> memref<10000x64xf32, #tpu.memory_space<vmem_shared>>
        tpu.wait_indirect_dma semaphore(%arg16 : memref<!tpu.dma_semaphore, #tpu.memory_space<semaphore_mem>>) src(%dma_wait3A_331 : memref<10000x64xf32, #tpu.memory_space<vmem_shared>>) dst(%arg13 : memref<128x64xf32, #tpu.memory_space<vmem>>)
        %dma_start3A_332 = arith.constant 0 : i32
        %dma_start3A_333 = tpu.memref_slice %arg9[%add3A_300, %dma_start3A_332] : memref<157x128xi32, #tpu.memory_space<vmem>> -> memref<1x128xi32, #tpu.memory_space<vmem>>
        %dma_start3A_334 = tpu.memref_squeeze %dma_start3A_333 : memref<1x128xi32, #tpu.memory_space<vmem>> -> memref<128xi32, #tpu.memory_space<vmem>>
        %dma_start3A_335 = arith.constant 0 : i32
        %dma_start3A_336 = arith.constant 0 : i32
        %dma_start3A_337 = tpu.memref_slice %arg26[%dma_start3A_335, %dma_start3A_336] : memref<10112x64xf32, #tpu.memory_space<vmem_shared>> -> memref<10112x64xf32, #tpu.memory_space<vmem_shared>>
        tpu.enqueue_indirect_dma source(%arg13 : memref<128x64xf32, #tpu.memory_space<vmem>>) target(%dma_start3A_337 : memref<10112x64xf32, #tpu.memory_space<vmem_shared>>) offsets(%dma_start3A_334 : memref<128xi32, #tpu.memory_space<vmem>>) semaphore(%arg19 : memref<!tpu.dma_semaphore, #tpu.memory_space<semaphore_mem>>) {add = true}
        %add3A_338 = arith.constant 2 : i32
        %add3A_339 = arith.addi %add3A_259, %add3A_338 : i32
        %dma_wait3A_340 = arith.constant 0 : i32
        %dma_wait3A_341 = arith.constant 0 : i32
        %dma_wait3A_342 = tpu.memref_slice %arg9[%dma_wait3A_340, %dma_wait3A_341] : memref<157x128xi32, #tpu.memory_space<vmem>> -> memref<1x128xi32, #tpu.memory_space<vmem>>
        %dma_wait3A_343 = tpu.memref_squeeze %dma_wait3A_342 : memref<1x128xi32, #tpu.memory_space<vmem>> -> memref<128xi32, #tpu.memory_space<vmem>>
        %dma_wait3A_344 = arith.constant 0 : i32
        %dma_wait3A_345 = arith.constant 0 : i32
        %dma_wait3A_346 = tpu.memref_slice %arg26[%dma_wait3A_344, %dma_wait3A_345] : memref<10112x64xf32, #tpu.memory_space<vmem_shared>> -> memref<10112x64xf32, #tpu.memory_space<vmem_shared>>
        tpu.wait_indirect_dma semaphore(%arg21 : memref<!tpu.dma_semaphore, #tpu.memory_space<semaphore_mem>>) src(%arg15 : memref<128x64xf32, #tpu.memory_space<vmem>>) dst(%dma_wait3A_346 : memref<10112x64xf32, #tpu.memory_space<vmem_shared>>)
        %dma_wait3A_347 = arith.constant 0 : i32
        %dma_wait3A_348 = arith.constant 0 : i32
        %dma_wait3A_349 = tpu.memref_slice %arg4[%dma_wait3A_347, %dma_wait3A_348] : memref<2500x128xi32, #tpu.memory_space<hbm>> -> memref<1x128xi32, #tpu.memory_space<hbm>>
        %dma_wait3A_350 = tpu.memref_squeeze %dma_wait3A_349 : memref<1x128xi32, #tpu.memory_space<hbm>> -> memref<128xi32, #tpu.memory_space<hbm>>
        %dma_wait3A_351 = arith.constant 0 : i32
        %dma_wait3A_352 = tpu.memref_slice %arg4[%dma_wait3A_347, %dma_wait3A_351] : memref<2500x128xi32, #tpu.memory_space<hbm>> -> memref<1x128xi32, #tpu.memory_space<hbm>>
        %dma_wait3A_353 = tpu.memref_squeeze %dma_wait3A_352 : memref<1x128xi32, #tpu.memory_space<hbm>> -> memref<128xi32, #tpu.memory_space<hbm>>
        tpu.wait_dma2 semaphore(%arg24 : memref<!tpu.dma_semaphore, #tpu.memory_space<semaphore_mem>>) src(%dma_wait3A_353 : memref<128xi32, #tpu.memory_space<hbm>>) dst(%arg12 : memref<128xi32, #tpu.memory_space<vmem>>)
        %add3A_354 = arith.constant 1 : i32
        %add3A_355 = arith.addi %add3A_339, %add3A_354 : i32
        %dma_start3A_356 = arith.constant 0 : i32
        %dma_start3A_357 = arith.constant 0 : i32
        %dma_start3A_358 = tpu.memref_slice %arg25[%dma_start3A_356, %dma_start3A_357] : memref<10000x64xf32, #tpu.memory_space<vmem_shared>> -> memref<10000x64xf32, #tpu.memory_space<vmem_shared>>
        tpu.enqueue_indirect_dma source(%dma_start3A_358 : memref<10000x64xf32, #tpu.memory_space<vmem_shared>>) target(%arg15 : memref<128x64xf32, #tpu.memory_space<vmem>>) offsets(%arg12 : memref<128xi32, #tpu.memory_space<vmem>>) semaphore(%arg18 : memref<!tpu.dma_semaphore, #tpu.memory_space<semaphore_mem>>)
        %add3A_359 = arith.constant 2 : i32
        %add3A_360 = arith.addi %add3A_339, %add3A_359 : i32
        %add3A_361 = arith.addi %select_n3A, %add3A_360 : i32
        %dma_start3A_362 = arith.constant 0 : i32
        %dma_start3A_363 = tpu.memref_slice %arg4[%add3A_361, %dma_start3A_362] : memref<2500x128xi32, #tpu.memory_space<hbm>> -> memref<1x128xi32, #tpu.memory_space<hbm>>
        %dma_start3A_364 = tpu.memref_squeeze %dma_start3A_363 : memref<1x128xi32, #tpu.memory_space<hbm>> -> memref<128xi32, #tpu.memory_space<hbm>>
        %dma_start3A_365 = arith.constant 0 : i32
        %dma_start3A_366 = tpu.memref_slice %arg4[%add3A_361, %dma_start3A_365] : memref<2500x128xi32, #tpu.memory_space<hbm>> -> memref<1x128xi32, #tpu.memory_space<hbm>>
        %dma_start3A_367 = tpu.memref_squeeze %dma_start3A_366 : memref<1x128xi32, #tpu.memory_space<hbm>> -> memref<128xi32, #tpu.memory_space<hbm>>
        tpu.enqueue_dma source(%dma_start3A_367 : memref<128xi32, #tpu.memory_space<hbm>>) target(%arg10 : memref<128xi32, #tpu.memory_space<vmem>>) target_semaphore(%arg22 : memref<!tpu.dma_semaphore, #tpu.memory_space<semaphore_mem>>)
        %dma_wait3A_368 = arith.constant 0 : i32
        %dma_wait3A_369 = arith.constant 0 : i32
        %dma_wait3A_370 = tpu.memref_slice %arg25[%dma_wait3A_368, %dma_wait3A_369] : memref<10000x64xf32, #tpu.memory_space<vmem_shared>> -> memref<10000x64xf32, #tpu.memory_space<vmem_shared>>
        tpu.wait_indirect_dma semaphore(%arg17 : memref<!tpu.dma_semaphore, #tpu.memory_space<semaphore_mem>>) src(%dma_wait3A_370 : memref<10000x64xf32, #tpu.memory_space<vmem_shared>>) dst(%arg14 : memref<128x64xf32, #tpu.memory_space<vmem>>)
        %dma_start3A_371 = arith.constant 0 : i32
        %dma_start3A_372 = tpu.memref_slice %arg9[%add3A_339, %dma_start3A_371] : memref<157x128xi32, #tpu.memory_space<vmem>> -> memref<1x128xi32, #tpu.memory_space<vmem>>
        %dma_start3A_373 = tpu.memref_squeeze %dma_start3A_372 : memref<1x128xi32, #tpu.memory_space<vmem>> -> memref<128xi32, #tpu.memory_space<vmem>>
        %dma_start3A_374 = arith.constant 0 : i32
        %dma_start3A_375 = arith.constant 0 : i32
        %dma_start3A_376 = tpu.memref_slice %arg26[%dma_start3A_374, %dma_start3A_375] : memref<10112x64xf32, #tpu.memory_space<vmem_shared>> -> memref<10112x64xf32, #tpu.memory_space<vmem_shared>>
        tpu.enqueue_indirect_dma source(%arg14 : memref<128x64xf32, #tpu.memory_space<vmem>>) target(%dma_start3A_376 : memref<10112x64xf32, #tpu.memory_space<vmem_shared>>) offsets(%dma_start3A_373 : memref<128xi32, #tpu.memory_space<vmem>>) semaphore(%arg20 : memref<!tpu.dma_semaphore, #tpu.memory_space<semaphore_mem>>) {add = true}
      }
      %scan3A_196 = arith.constant 51 : i32
      %dma_wait3A_197 = arith.constant 0 : i32
      %dma_wait3A_198 = arith.constant 0 : i32
      %dma_wait3A_199 = tpu.memref_slice %arg9[%dma_wait3A_197, %dma_wait3A_198] : memref<157x128xi32, #tpu.memory_space<vmem>> -> memref<1x128xi32, #tpu.memory_space<vmem>>
      %dma_wait3A_200 = tpu.memref_squeeze %dma_wait3A_199 : memref<1x128xi32, #tpu.memory_space<vmem>> -> memref<128xi32, #tpu.memory_space<vmem>>
      %dma_wait3A_201 = arith.constant 0 : i32
      %dma_wait3A_202 = arith.constant 0 : i32
      %dma_wait3A_203 = tpu.memref_slice %arg26[%dma_wait3A_201, %dma_wait3A_202] : memref<10112x64xf32, #tpu.memory_space<vmem_shared>> -> memref<10112x64xf32, #tpu.memory_space<vmem_shared>>
      tpu.wait_indirect_dma semaphore(%arg19 : memref<!tpu.dma_semaphore, #tpu.memory_space<semaphore_mem>>) src(%arg13 : memref<128x64xf32, #tpu.memory_space<vmem>>) dst(%dma_wait3A_203 : memref<10112x64xf32, #tpu.memory_space<vmem_shared>>)
      %dma_wait3A_204 = arith.constant 0 : i32
      %dma_wait3A_205 = arith.constant 0 : i32
      %dma_wait3A_206 = tpu.memref_slice %arg4[%dma_wait3A_204, %dma_wait3A_205] : memref<2500x128xi32, #tpu.memory_space<hbm>> -> memref<1x128xi32, #tpu.memory_space<hbm>>
      %dma_wait3A_207 = tpu.memref_squeeze %dma_wait3A_206 : memref<1x128xi32, #tpu.memory_space<hbm>> -> memref<128xi32, #tpu.memory_space<hbm>>
      %dma_wait3A_208 = arith.constant 0 : i32
      %dma_wait3A_209 = tpu.memref_slice %arg4[%dma_wait3A_204, %dma_wait3A_208] : memref<2500x128xi32, #tpu.memory_space<hbm>> -> memref<1x128xi32, #tpu.memory_space<hbm>>
      %dma_wait3A_210 = tpu.memref_squeeze %dma_wait3A_209 : memref<1x128xi32, #tpu.memory_space<hbm>> -> memref<128xi32, #tpu.memory_space<hbm>>
      tpu.wait_dma2 semaphore(%arg22 : memref<!tpu.dma_semaphore, #tpu.memory_space<semaphore_mem>>) src(%dma_wait3A_210 : memref<128xi32, #tpu.memory_space<hbm>>) dst(%arg10 : memref<128xi32, #tpu.memory_space<vmem>>)
      %dma_start3A_211 = arith.constant 0 : i32
      %dma_start3A_212 = arith.constant 0 : i32
      %dma_start3A_213 = tpu.memref_slice %arg25[%dma_start3A_211, %dma_start3A_212] : memref<10000x64xf32, #tpu.memory_space<vmem_shared>> -> memref<10000x64xf32, #tpu.memory_space<vmem_shared>>
      tpu.enqueue_indirect_dma source(%dma_start3A_213 : memref<10000x64xf32, #tpu.memory_space<vmem_shared>>) target(%arg13 : memref<128x64xf32, #tpu.memory_space<vmem>>) offsets(%arg10 : memref<128xi32, #tpu.memory_space<vmem>>) semaphore(%arg16 : memref<!tpu.dma_semaphore, #tpu.memory_space<semaphore_mem>>)
      %dma_wait3A_214 = arith.constant 0 : i32
      %dma_wait3A_215 = arith.constant 0 : i32
      %dma_wait3A_216 = tpu.memref_slice %arg25[%dma_wait3A_214, %dma_wait3A_215] : memref<10000x64xf32, #tpu.memory_space<vmem_shared>> -> memref<10000x64xf32, #tpu.memory_space<vmem_shared>>
      tpu.wait_indirect_dma semaphore(%arg18 : memref<!tpu.dma_semaphore, #tpu.memory_space<semaphore_mem>>) src(%dma_wait3A_216 : memref<10000x64xf32, #tpu.memory_space<vmem_shared>>) dst(%arg15 : memref<128x64xf32, #tpu.memory_space<vmem>>)
      %dma_start3A_217 = arith.constant 155 : i32
      %dma_start3A_218 = arith.constant 0 : i32
      %dma_start3A_219 = tpu.memref_slice %arg9[%dma_start3A_217, %dma_start3A_218] : memref<157x128xi32, #tpu.memory_space<vmem>> -> memref<1x128xi32, #tpu.memory_space<vmem>>
      %dma_start3A_220 = tpu.memref_squeeze %dma_start3A_219 : memref<1x128xi32, #tpu.memory_space<vmem>> -> memref<128xi32, #tpu.memory_space<vmem>>
      %dma_start3A_221 = arith.constant 0 : i32
      %dma_start3A_222 = arith.constant 0 : i32
      %dma_start3A_223 = tpu.memref_slice %arg26[%dma_start3A_221, %dma_start3A_222] : memref<10112x64xf32, #tpu.memory_space<vmem_shared>> -> memref<10112x64xf32, #tpu.memory_space<vmem_shared>>
      tpu.enqueue_indirect_dma source(%arg15 : memref<128x64xf32, #tpu.memory_space<vmem>>) target(%dma_start3A_223 : memref<10112x64xf32, #tpu.memory_space<vmem_shared>>) offsets(%dma_start3A_220 : memref<128xi32, #tpu.memory_space<vmem>>) semaphore(%arg21 : memref<!tpu.dma_semaphore, #tpu.memory_space<semaphore_mem>>) {add = true}
      %dma_wait3A_224 = arith.constant 0 : i32
      %dma_wait3A_225 = arith.constant 0 : i32
      %dma_wait3A_226 = tpu.memref_slice %arg9[%dma_wait3A_224, %dma_wait3A_225] : memref<157x128xi32, #tpu.memory_space<vmem>> -> memref<1x128xi32, #tpu.memory_space<vmem>>
      %dma_wait3A_227 = tpu.memref_squeeze %dma_wait3A_226 : memref<1x128xi32, #tpu.memory_space<vmem>> -> memref<128xi32, #tpu.memory_space<vmem>>
      %dma_wait3A_228 = arith.constant 0 : i32
      %dma_wait3A_229 = arith.constant 0 : i32
      %dma_wait3A_230 = tpu.memref_slice %arg26[%dma_wait3A_228, %dma_wait3A_229] : memref<10112x64xf32, #tpu.memory_space<vmem_shared>> -> memref<10112x64xf32, #tpu.memory_space<vmem_shared>>
      tpu.wait_indirect_dma semaphore(%arg20 : memref<!tpu.dma_semaphore, #tpu.memory_space<semaphore_mem>>) src(%arg14 : memref<128x64xf32, #tpu.memory_space<vmem>>) dst(%dma_wait3A_230 : memref<10112x64xf32, #tpu.memory_space<vmem_shared>>)
      %dma_wait3A_231 = arith.constant 0 : i32
      %dma_wait3A_232 = arith.constant 0 : i32
      %dma_wait3A_233 = tpu.memref_slice %arg25[%dma_wait3A_231, %dma_wait3A_232] : memref<10000x64xf32, #tpu.memory_space<vmem_shared>> -> memref<10000x64xf32, #tpu.memory_space<vmem_shared>>
      tpu.wait_indirect_dma semaphore(%arg16 : memref<!tpu.dma_semaphore, #tpu.memory_space<semaphore_mem>>) src(%dma_wait3A_233 : memref<10000x64xf32, #tpu.memory_space<vmem_shared>>) dst(%arg13 : memref<128x64xf32, #tpu.memory_space<vmem>>)
      %dma_start3A_234 = arith.constant 156 : i32
      %dma_start3A_235 = arith.constant 0 : i32
      %dma_start3A_236 = tpu.memref_slice %arg9[%dma_start3A_234, %dma_start3A_235] : memref<157x128xi32, #tpu.memory_space<vmem>> -> memref<1x128xi32, #tpu.memory_space<vmem>>
      %dma_start3A_237 = tpu.memref_squeeze %dma_start3A_236 : memref<1x128xi32, #tpu.memory_space<vmem>> -> memref<128xi32, #tpu.memory_space<vmem>>
      %dma_start3A_238 = arith.constant 0 : i32
      %dma_start3A_239 = arith.constant 0 : i32
      %dma_start3A_240 = tpu.memref_slice %arg26[%dma_start3A_238, %dma_start3A_239] : memref<10112x64xf32, #tpu.memory_space<vmem_shared>> -> memref<10112x64xf32, #tpu.memory_space<vmem_shared>>
      tpu.enqueue_indirect_dma source(%arg13 : memref<128x64xf32, #tpu.memory_space<vmem>>) target(%dma_start3A_240 : memref<10112x64xf32, #tpu.memory_space<vmem_shared>>) offsets(%dma_start3A_237 : memref<128xi32, #tpu.memory_space<vmem>>) semaphore(%arg19 : memref<!tpu.dma_semaphore, #tpu.memory_space<semaphore_mem>>) {add = true}
      %dma_wait3A_241 = arith.constant 0 : i32
      %dma_wait3A_242 = arith.constant 0 : i32
      %dma_wait3A_243 = tpu.memref_slice %arg9[%dma_wait3A_241, %dma_wait3A_242] : memref<157x128xi32, #tpu.memory_space<vmem>> -> memref<1x128xi32, #tpu.memory_space<vmem>>
      %dma_wait3A_244 = tpu.memref_squeeze %dma_wait3A_243 : memref<1x128xi32, #tpu.memory_space<vmem>> -> memref<128xi32, #tpu.memory_space<vmem>>
      %dma_wait3A_245 = arith.constant 0 : i32
      %dma_wait3A_246 = arith.constant 0 : i32
      %dma_wait3A_247 = tpu.memref_slice %arg26[%dma_wait3A_245, %dma_wait3A_246] : memref<10112x64xf32, #tpu.memory_space<vmem_shared>> -> memref<10112x64xf32, #tpu.memory_space<vmem_shared>>
      tpu.wait_indirect_dma semaphore(%arg21 : memref<!tpu.dma_semaphore, #tpu.memory_space<semaphore_mem>>) src(%arg15 : memref<128x64xf32, #tpu.memory_space<vmem>>) dst(%dma_wait3A_247 : memref<10112x64xf32, #tpu.memory_space<vmem_shared>>)
      %dma_wait3A_248 = arith.constant 0 : i32
      %dma_wait3A_249 = arith.constant 0 : i32
      %dma_wait3A_250 = tpu.memref_slice %arg9[%dma_wait3A_248, %dma_wait3A_249] : memref<157x128xi32, #tpu.memory_space<vmem>> -> memref<1x128xi32, #tpu.memory_space<vmem>>
      %dma_wait3A_251 = tpu.memref_squeeze %dma_wait3A_250 : memref<1x128xi32, #tpu.memory_space<vmem>> -> memref<128xi32, #tpu.memory_space<vmem>>
      %dma_wait3A_252 = arith.constant 0 : i32
      %dma_wait3A_253 = arith.constant 0 : i32
      %dma_wait3A_254 = tpu.memref_slice %arg26[%dma_wait3A_252, %dma_wait3A_253] : memref<10112x64xf32, #tpu.memory_space<vmem_shared>> -> memref<10112x64xf32, #tpu.memory_space<vmem_shared>>
      tpu.wait_indirect_dma semaphore(%arg19 : memref<!tpu.dma_semaphore, #tpu.memory_space<semaphore_mem>>) src(%arg13 : memref<128x64xf32, #tpu.memory_space<vmem>>) dst(%dma_wait3A_254 : memref<10112x64xf32, #tpu.memory_space<vmem_shared>>)
    } else {
    }
    %ge3A_80 = arith.constant 12 : i32
    %ge3A_81 = arith.cmpi sge, %arg1, %ge3A_80 : i32
    %convert_element_type3A_82 = arith.extui %ge3A_81 : i1 to i32
    %cond3A_83 = arith.constant 0 : i32
    %cond3A_84 = arith.cmpi ne, %convert_element_type3A_82, %cond3A_83 : i32
    scf.if %cond3A_84 {
      %dma_wait3A_118 = arith.constant 0 : i32
      %dma_wait3A_119 = arith.constant 0 : i32
      %dma_wait3A_120 = tpu.memref_slice %arg4[%dma_wait3A_118, %dma_wait3A_119] : memref<2500x128xi32, #tpu.memory_space<hbm>> -> memref<1x128xi32, #tpu.memory_space<hbm>>
      %dma_wait3A_121 = tpu.memref_squeeze %dma_wait3A_120 : memref<1x128xi32, #tpu.memory_space<hbm>> -> memref<128xi32, #tpu.memory_space<hbm>>
      %dma_wait3A_122 = arith.constant 0 : i32
      %dma_wait3A_123 = tpu.memref_slice %arg4[%dma_wait3A_118, %dma_wait3A_122] : memref<2500x128xi32, #tpu.memory_space<hbm>> -> memref<1x128xi32, #tpu.memory_space<hbm>>
      %dma_wait3A_124 = tpu.memref_squeeze %dma_wait3A_123 : memref<1x128xi32, #tpu.memory_space<hbm>> -> memref<128xi32, #tpu.memory_space<hbm>>
      tpu.wait_dma2 semaphore(%arg22 : memref<!tpu.dma_semaphore, #tpu.memory_space<semaphore_mem>>) src(%dma_wait3A_124 : memref<128xi32, #tpu.memory_space<hbm>>) dst(%arg10 : memref<128xi32, #tpu.memory_space<vmem>>)
      %dma_start3A_125 = arith.constant 0 : i32
      %dma_start3A_126 = arith.constant 0 : i32
      %dma_start3A_127 = tpu.memref_slice %arg25[%dma_start3A_125, %dma_start3A_126] : memref<10000x64xf32, #tpu.memory_space<vmem_shared>> -> memref<10000x64xf32, #tpu.memory_space<vmem_shared>>
      tpu.enqueue_indirect_dma source(%dma_start3A_127 : memref<10000x64xf32, #tpu.memory_space<vmem_shared>>) target(%arg13 : memref<128x64xf32, #tpu.memory_space<vmem>>) offsets(%arg10 : memref<128xi32, #tpu.memory_space<vmem>>) semaphore(%arg16 : memref<!tpu.dma_semaphore, #tpu.memory_space<semaphore_mem>>)
      %add3A_128 = arith.constant 1 : i32
      %add3A_129 = arith.addi %select_n3A, %add3A_128 : i32
      %dma_start3A_130 = arith.constant 0 : i32
      %dma_start3A_131 = tpu.memref_slice %arg4[%add3A_129, %dma_start3A_130] : memref<2500x128xi32, #tpu.memory_space<hbm>> -> memref<1x128xi32, #tpu.memory_space<hbm>>
      %dma_start3A_132 = tpu.memref_squeeze %dma_start3A_131 : memref<1x128xi32, #tpu.memory_space<hbm>> -> memref<128xi32, #tpu.memory_space<hbm>>
      %dma_start3A_133 = arith.constant 0 : i32
      %dma_start3A_134 = tpu.memref_slice %arg4[%add3A_129, %dma_start3A_133] : memref<2500x128xi32, #tpu.memory_space<hbm>> -> memref<1x128xi32, #tpu.memory_space<hbm>>
      %dma_start3A_135 = tpu.memref_squeeze %dma_start3A_134 : memref<1x128xi32, #tpu.memory_space<hbm>> -> memref<128xi32, #tpu.memory_space<hbm>>
      tpu.enqueue_dma source(%dma_start3A_135 : memref<128xi32, #tpu.memory_space<hbm>>) target(%arg11 : memref<128xi32, #tpu.memory_space<vmem>>) target_semaphore(%arg23 : memref<!tpu.dma_semaphore, #tpu.memory_space<semaphore_mem>>)
      %dma_wait3A_136 = arith.constant 0 : i32
      %dma_wait3A_137 = arith.constant 0 : i32
      %dma_wait3A_138 = tpu.memref_slice %arg4[%dma_wait3A_136, %dma_wait3A_137] : memref<2500x128xi32, #tpu.memory_space<hbm>> -> memref<1x128xi32, #tpu.memory_space<hbm>>
      %dma_wait3A_139 = tpu.memref_squeeze %dma_wait3A_138 : memref<1x128xi32, #tpu.memory_space<hbm>> -> memref<128xi32, #tpu.memory_space<hbm>>
      %dma_wait3A_140 = arith.constant 0 : i32
      %dma_wait3A_141 = tpu.memref_slice %arg4[%dma_wait3A_136, %dma_wait3A_140] : memref<2500x128xi32, #tpu.memory_space<hbm>> -> memref<1x128xi32, #tpu.memory_space<hbm>>
      %dma_wait3A_142 = tpu.memref_squeeze %dma_wait3A_141 : memref<1x128xi32, #tpu.memory_space<hbm>> -> memref<128xi32, #tpu.memory_space<hbm>>
      tpu.wait_dma2 semaphore(%arg23 : memref<!tpu.dma_semaphore, #tpu.memory_space<semaphore_mem>>) src(%dma_wait3A_142 : memref<128xi32, #tpu.memory_space<hbm>>) dst(%arg11 : memref<128xi32, #tpu.memory_space<vmem>>)
      %dma_start3A_143 = arith.constant 0 : i32
      %dma_start3A_144 = arith.constant 0 : i32
      %dma_start3A_145 = tpu.memref_slice %arg25[%dma_start3A_143, %dma_start3A_144] : memref<10000x64xf32, #tpu.memory_space<vmem_shared>> -> memref<10000x64xf32, #tpu.memory_space<vmem_shared>>
      tpu.enqueue_indirect_dma source(%dma_start3A_145 : memref<10000x64xf32, #tpu.memory_space<vmem_shared>>) target(%arg14 : memref<128x64xf32, #tpu.memory_space<vmem>>) offsets(%arg11 : memref<128xi32, #tpu.memory_space<vmem>>) semaphore(%arg17 : memref<!tpu.dma_semaphore, #tpu.memory_space<semaphore_mem>>)
      %add3A_146 = arith.constant 2 : i32
      %add3A_147 = arith.addi %select_n3A, %add3A_146 : i32
      %dma_start3A_148 = arith.constant 0 : i32
      %dma_start3A_149 = tpu.memref_slice %arg4[%add3A_147, %dma_start3A_148] : memref<2500x128xi32, #tpu.memory_space<hbm>> -> memref<1x128xi32, #tpu.memory_space<hbm>>
      %dma_start3A_150 = tpu.memref_squeeze %dma_start3A_149 : memref<1x128xi32, #tpu.memory_space<hbm>> -> memref<128xi32, #tpu.memory_space<hbm>>
      %dma_start3A_151 = arith.constant 0 : i32
      %dma_start3A_152 = tpu.memref_slice %arg4[%add3A_147, %dma_start3A_151] : memref<2500x128xi32, #tpu.memory_space<hbm>> -> memref<1x128xi32, #tpu.memory_space<hbm>>
      %dma_start3A_153 = tpu.memref_squeeze %dma_start3A_152 : memref<1x128xi32, #tpu.memory_space<hbm>> -> memref<128xi32, #tpu.memory_space<hbm>>
      tpu.enqueue_dma source(%dma_start3A_153 : memref<128xi32, #tpu.memory_space<hbm>>) target(%arg12 : memref<128xi32, #tpu.memory_space<vmem>>) target_semaphore(%arg24 : memref<!tpu.dma_semaphore, #tpu.memory_space<semaphore_mem>>)
      %dma_wait3A_154 = arith.constant 0 : i32
      %dma_wait3A_155 = arith.constant 0 : i32
      %dma_wait3A_156 = tpu.memref_slice %arg25[%dma_wait3A_154, %dma_wait3A_155] : memref<10000x64xf32, #tpu.memory_space<vmem_shared>> -> memref<10000x64xf32, #tpu.memory_space<vmem_shared>>
      tpu.wait_indirect_dma semaphore(%arg16 : memref<!tpu.dma_semaphore, #tpu.memory_space<semaphore_mem>>) src(%dma_wait3A_156 : memref<10000x64xf32, #tpu.memory_space<vmem_shared>>) dst(%arg13 : memref<128x64xf32, #tpu.memory_space<vmem>>)
      %dma_start3A_157 = arith.constant 0 : i32
      %dma_start3A_158 = arith.constant 0 : i32
      %dma_start3A_159 = tpu.memref_slice %arg9[%dma_start3A_157, %dma_start3A_158] : memref<157x128xi32, #tpu.memory_space<vmem>> -> memref<1x128xi32, #tpu.memory_space<vmem>>
      %dma_start3A_160 = tpu.memref_squeeze %dma_start3A_159 : memref<1x128xi32, #tpu.memory_space<vmem>> -> memref<128xi32, #tpu.memory_space<vmem>>
      %dma_start3A_161 = arith.constant 0 : i32
      %dma_start3A_162 = arith.constant 0 : i32
      %dma_start3A_163 = tpu.memref_slice %arg26[%dma_start3A_161, %dma_start3A_162] : memref<10112x64xf32, #tpu.memory_space<vmem_shared>> -> memref<10112x64xf32, #tpu.memory_space<vmem_shared>>
      tpu.enqueue_indirect_dma source(%arg13 : memref<128x64xf32, #tpu.memory_space<vmem>>) target(%dma_start3A_163 : memref<10112x64xf32, #tpu.memory_space<vmem_shared>>) offsets(%dma_start3A_160 : memref<128xi32, #tpu.memory_space<vmem>>) semaphore(%arg19 : memref<!tpu.dma_semaphore, #tpu.memory_space<semaphore_mem>>) {add = true}
      %dma_wait3A_164 = arith.constant 0 : i32
      %dma_wait3A_165 = arith.constant 0 : i32
      %dma_wait3A_166 = tpu.memref_slice %arg4[%dma_wait3A_164, %dma_wait3A_165] : memref<2500x128xi32, #tpu.memory_space<hbm>> -> memref<1x128xi32, #tpu.memory_space<hbm>>
      %dma_wait3A_167 = tpu.memref_squeeze %dma_wait3A_166 : memref<1x128xi32, #tpu.memory_space<hbm>> -> memref<128xi32, #tpu.memory_space<hbm>>
      %dma_wait3A_168 = arith.constant 0 : i32
      %dma_wait3A_169 = tpu.memref_slice %arg4[%dma_wait3A_164, %dma_wait3A_168] : memref<2500x128xi32, #tpu.memory_space<hbm>> -> memref<1x128xi32, #tpu.memory_space<hbm>>
      %dma_wait3A_170 = tpu.memref_squeeze %dma_wait3A_169 : memref<1x128xi32, #tpu.memory_space<hbm>> -> memref<128xi32, #tpu.memory_space<hbm>>
      tpu.wait_dma2 semaphore(%arg24 : memref<!tpu.dma_semaphore, #tpu.memory_space<semaphore_mem>>) src(%dma_wait3A_170 : memref<128xi32, #tpu.memory_space<hbm>>) dst(%arg12 : memref<128xi32, #tpu.memory_space<vmem>>)
      %dma_start3A_171 = arith.constant 0 : i32
      %dma_start3A_172 = arith.constant 0 : i32
      %dma_start3A_173 = tpu.memref_slice %arg25[%dma_start3A_171, %dma_start3A_172] : memref<10000x64xf32, #tpu.memory_space<vmem_shared>> -> memref<10000x64xf32, #tpu.memory_space<vmem_shared>>
      tpu.enqueue_indirect_dma source(%dma_start3A_173 : memref<10000x64xf32, #tpu.memory_space<vmem_shared>>) target(%arg15 : memref<128x64xf32, #tpu.memory_space<vmem>>) offsets(%arg12 : memref<128xi32, #tpu.memory_space<vmem>>) semaphore(%arg18 : memref<!tpu.dma_semaphore, #tpu.memory_space<semaphore_mem>>)
      %add3A_174 = arith.constant 3 : i32
      %add3A_175 = arith.addi %select_n3A, %add3A_174 : i32
      %dma_start3A_176 = arith.constant 0 : i32
      %dma_start3A_177 = tpu.memref_slice %arg4[%add3A_175, %dma_start3A_176] : memref<2500x128xi32, #tpu.memory_space<hbm>> -> memref<1x128xi32, #tpu.memory_space<hbm>>
      %dma_start3A_178 = tpu.memref_squeeze %dma_start3A_177 : memref<1x128xi32, #tpu.memory_space<hbm>> -> memref<128xi32, #tpu.memory_space<hbm>>
      %dma_start3A_179 = arith.constant 0 : i32
      %dma_start3A_180 = tpu.memref_slice %arg4[%add3A_175, %dma_start3A_179] : memref<2500x128xi32, #tpu.memory_space<hbm>> -> memref<1x128xi32, #tpu.memory_space<hbm>>
      %dma_start3A_181 = tpu.memref_squeeze %dma_start3A_180 : memref<1x128xi32, #tpu.memory_space<hbm>> -> memref<128xi32, #tpu.memory_space<hbm>>
      tpu.enqueue_dma source(%dma_start3A_181 : memref<128xi32, #tpu.memory_space<hbm>>) target(%arg10 : memref<128xi32, #tpu.memory_space<vmem>>) target_semaphore(%arg22 : memref<!tpu.dma_semaphore, #tpu.memory_space<semaphore_mem>>)
      %dma_wait3A_182 = arith.constant 0 : i32
      %dma_wait3A_183 = arith.constant 0 : i32
      %dma_wait3A_184 = tpu.memref_slice %arg25[%dma_wait3A_182, %dma_wait3A_183] : memref<10000x64xf32, #tpu.memory_space<vmem_shared>> -> memref<10000x64xf32, #tpu.memory_space<vmem_shared>>
      tpu.wait_indirect_dma semaphore(%arg17 : memref<!tpu.dma_semaphore, #tpu.memory_space<semaphore_mem>>) src(%dma_wait3A_184 : memref<10000x64xf32, #tpu.memory_space<vmem_shared>>) dst(%arg14 : memref<128x64xf32, #tpu.memory_space<vmem>>)
      %dma_start3A_185 = arith.constant 1 : i32
      %dma_start3A_186 = arith.constant 0 : i32
      %dma_start3A_187 = tpu.memref_slice %arg9[%dma_start3A_185, %dma_start3A_186] : memref<157x128xi32, #tpu.memory_space<vmem>> -> memref<1x128xi32, #tpu.memory_space<vmem>>
      %dma_start3A_188 = tpu.memref_squeeze %dma_start3A_187 : memref<1x128xi32, #tpu.memory_space<vmem>> -> memref<128xi32, #tpu.memory_space<vmem>>
      %dma_start3A_189 = arith.constant 0 : i32
      %dma_start3A_190 = arith.constant 0 : i32
      %dma_start3A_191 = tpu.memref_slice %arg26[%dma_start3A_189, %dma_start3A_190] : memref<10112x64xf32, #tpu.memory_space<vmem_shared>> -> memref<10112x64xf32, #tpu.memory_space<vmem_shared>>
      tpu.enqueue_indirect_dma source(%arg14 : memref<128x64xf32, #tpu.memory_space<vmem>>) target(%dma_start3A_191 : memref<10112x64xf32, #tpu.memory_space<vmem_shared>>) offsets(%dma_start3A_188 : memref<128xi32, #tpu.memory_space<vmem>>) semaphore(%arg20 : memref<!tpu.dma_semaphore, #tpu.memory_space<semaphore_mem>>) {add = true}
      %scan3A = arith.constant 0 : i32
      %scan3A_192 = arith.constant 0 : i32
      %scan3A_193 = arith.constant 50 : i32
      %scan3A_194 = arith.addi %scan3A_192, %scan3A_193 : i32
      %scan3A_195 = arith.constant 1 : i32
      scf.for %scan3A_255 = %scan3A_192 to %scan3A_194 step %scan3A_195  : i32 {
        %mul3A_256 = arith.constant 3 : i32
        %mul3A_257 = arith.muli %scan3A_255, %mul3A_256 : i32
        %add3A_258 = arith.constant 2 : i32
        %add3A_259 = arith.addi %add3A_258, %mul3A_257 : i32
        %add3A_260 = arith.constant 0 : i32
        %add3A_261 = arith.addi %add3A_259, %add3A_260 : i32
        %dma_wait3A_262 = arith.constant 0 : i32
        %dma_wait3A_263 = arith.constant 0 : i32
        %dma_wait3A_264 = tpu.memref_slice %arg9[%dma_wait3A_262, %dma_wait3A_263] : memref<157x128xi32, #tpu.memory_space<vmem>> -> memref<1x128xi32, #tpu.memory_space<vmem>>
        %dma_wait3A_265 = tpu.memref_squeeze %dma_wait3A_264 : memref<1x128xi32, #tpu.memory_space<vmem>> -> memref<128xi32, #tpu.memory_space<vmem>>
        %dma_wait3A_266 = arith.constant 0 : i32
        %dma_wait3A_267 = arith.constant 0 : i32
        %dma_wait3A_268 = tpu.memref_slice %arg26[%dma_wait3A_266, %dma_wait3A_267] : memref<10112x64xf32, #tpu.memory_space<vmem_shared>> -> memref<10112x64xf32, #tpu.memory_space<vmem_shared>>
        tpu.wait_indirect_dma semaphore(%arg19 : memref<!tpu.dma_semaphore, #tpu.memory_space<semaphore_mem>>) src(%arg13 : memref<128x64xf32, #tpu.memory_space<vmem>>) dst(%dma_wait3A_268 : memref<10112x64xf32, #tpu.memory_space<vmem_shared>>)
        %dma_wait3A_269 = arith.constant 0 : i32
        %dma_wait3A_270 = arith.constant 0 : i32
        %dma_wait3A_271 = tpu.memref_slice %arg4[%dma_wait3A_269, %dma_wait3A_270] : memref<2500x128xi32, #tpu.memory_space<hbm>> -> memref<1x128xi32, #tpu.memory_space<hbm>>
        %dma_wait3A_272 = tpu.memref_squeeze %dma_wait3A_271 : memref<1x128xi32, #tpu.memory_space<hbm>> -> memref<128xi32, #tpu.memory_space<hbm>>
        %dma_wait3A_273 = arith.constant 0 : i32
        %dma_wait3A_274 = tpu.memref_slice %arg4[%dma_wait3A_269, %dma_wait3A_273] : memref<2500x128xi32, #tpu.memory_space<hbm>> -> memref<1x128xi32, #tpu.memory_space<hbm>>
        %dma_wait3A_275 = tpu.memref_squeeze %dma_wait3A_274 : memref<1x128xi32, #tpu.memory_space<hbm>> -> memref<128xi32, #tpu.memory_space<hbm>>
        tpu.wait_dma2 semaphore(%arg22 : memref<!tpu.dma_semaphore, #tpu.memory_space<semaphore_mem>>) src(%dma_wait3A_275 : memref<128xi32, #tpu.memory_space<hbm>>) dst(%arg10 : memref<128xi32, #tpu.memory_space<vmem>>)
        %add3A_276 = arith.constant 1 : i32
        %add3A_277 = arith.addi %add3A_261, %add3A_276 : i32
        %dma_start3A_278 = arith.constant 0 : i32
        %dma_start3A_279 = arith.constant 0 : i32
        %dma_start3A_280 = tpu.memref_slice %arg25[%dma_start3A_278, %dma_start3A_279] : memref<10000x64xf32, #tpu.memory_space<vmem_shared>> -> memref<10000x64xf32, #tpu.memory_space<vmem_shared>>
        tpu.enqueue_indirect_dma source(%dma_start3A_280 : memref<10000x64xf32, #tpu.memory_space<vmem_shared>>) target(%arg13 : memref<128x64xf32, #tpu.memory_space<vmem>>) offsets(%arg10 : memref<128xi32, #tpu.memory_space<vmem>>) semaphore(%arg16 : memref<!tpu.dma_semaphore, #tpu.memory_space<semaphore_mem>>)
        %add3A_281 = arith.constant 2 : i32
        %add3A_282 = arith.addi %add3A_261, %add3A_281 : i32
        %add3A_283 = arith.addi %select_n3A, %add3A_282 : i32
        %dma_start3A_284 = arith.constant 0 : i32
        %dma_start3A_285 = tpu.memref_slice %arg4[%add3A_283, %dma_start3A_284] : memref<2500x128xi32, #tpu.memory_space<hbm>> -> memref<1x128xi32, #tpu.memory_space<hbm>>
        %dma_start3A_286 = tpu.memref_squeeze %dma_start3A_285 : memref<1x128xi32, #tpu.memory_space<hbm>> -> memref<128xi32, #tpu.memory_space<hbm>>
        %dma_start3A_287 = arith.constant 0 : i32
        %dma_start3A_288 = tpu.memref_slice %arg4[%add3A_283, %dma_start3A_287] : memref<2500x128xi32, #tpu.memory_space<hbm>> -> memref<1x128xi32, #tpu.memory_space<hbm>>
        %dma_start3A_289 = tpu.memref_squeeze %dma_start3A_288 : memref<1x128xi32, #tpu.memory_space<hbm>> -> memref<128xi32, #tpu.memory_space<hbm>>
        tpu.enqueue_dma source(%dma_start3A_289 : memref<128xi32, #tpu.memory_space<hbm>>) target(%arg11 : memref<128xi32, #tpu.memory_space<vmem>>) target_semaphore(%arg23 : memref<!tpu.dma_semaphore, #tpu.memory_space<semaphore_mem>>)
        %dma_wait3A_290 = arith.constant 0 : i32
        %dma_wait3A_291 = arith.constant 0 : i32
        %dma_wait3A_292 = tpu.memref_slice %arg25[%dma_wait3A_290, %dma_wait3A_291] : memref<10000x64xf32, #tpu.memory_space<vmem_shared>> -> memref<10000x64xf32, #tpu.memory_space<vmem_shared>>
        tpu.wait_indirect_dma semaphore(%arg18 : memref<!tpu.dma_semaphore, #tpu.memory_space<semaphore_mem>>) src(%dma_wait3A_292 : memref<10000x64xf32, #tpu.memory_space<vmem_shared>>) dst(%arg15 : memref<128x64xf32, #tpu.memory_space<vmem>>)
        %dma_start3A_293 = arith.constant 0 : i32
        %dma_start3A_294 = tpu.memref_slice %arg9[%add3A_261, %dma_start3A_293] : memref<157x128xi32, #tpu.memory_space<vmem>> -> memref<1x128xi32, #tpu.memory_space<vmem>>
        %dma_start3A_295 = tpu.memref_squeeze %dma_start3A_294 : memref<1x128xi32, #tpu.memory_space<vmem>> -> memref<128xi32, #tpu.memory_space<vmem>>
        %dma_start3A_296 = arith.constant 0 : i32
        %dma_start3A_297 = arith.constant 0 : i32
        %dma_start3A_298 = tpu.memref_slice %arg26[%dma_start3A_296, %dma_start3A_297] : memref<10112x64xf32, #tpu.memory_space<vmem_shared>> -> memref<10112x64xf32, #tpu.memory_space<vmem_shared>>
        tpu.enqueue_indirect_dma source(%arg15 : memref<128x64xf32, #tpu.memory_space<vmem>>) target(%dma_start3A_298 : memref<10112x64xf32, #tpu.memory_space<vmem_shared>>) offsets(%dma_start3A_295 : memref<128xi32, #tpu.memory_space<vmem>>) semaphore(%arg21 : memref<!tpu.dma_semaphore, #tpu.memory_space<semaphore_mem>>) {add = true}
        %add3A_299 = arith.constant 1 : i32
        %add3A_300 = arith.addi %add3A_259, %add3A_299 : i32
        %dma_wait3A_301 = arith.constant 0 : i32
        %dma_wait3A_302 = arith.constant 0 : i32
        %dma_wait3A_303 = tpu.memref_slice %arg9[%dma_wait3A_301, %dma_wait3A_302] : memref<157x128xi32, #tpu.memory_space<vmem>> -> memref<1x128xi32, #tpu.memory_space<vmem>>
        %dma_wait3A_304 = tpu.memref_squeeze %dma_wait3A_303 : memref<1x128xi32, #tpu.memory_space<vmem>> -> memref<128xi32, #tpu.memory_space<vmem>>
        %dma_wait3A_305 = arith.constant 0 : i32
        %dma_wait3A_306 = arith.constant 0 : i32
        %dma_wait3A_307 = tpu.memref_slice %arg26[%dma_wait3A_305, %dma_wait3A_306] : memref<10112x64xf32, #tpu.memory_space<vmem_shared>> -> memref<10112x64xf32, #tpu.memory_space<vmem_shared>>
        tpu.wait_indirect_dma semaphore(%arg20 : memref<!tpu.dma_semaphore, #tpu.memory_space<semaphore_mem>>) src(%arg14 : memref<128x64xf32, #tpu.memory_space<vmem>>) dst(%dma_wait3A_307 : memref<10112x64xf32, #tpu.memory_space<vmem_shared>>)
        %dma_wait3A_308 = arith.constant 0 : i32
        %dma_wait3A_309 = arith.constant 0 : i32
        %dma_wait3A_310 = tpu.memref_slice %arg4[%dma_wait3A_308, %dma_wait3A_309] : memref<2500x128xi32, #tpu.memory_space<hbm>> -> memref<1x128xi32, #tpu.memory_space<hbm>>
        %dma_wait3A_311 = tpu.memref_squeeze %dma_wait3A_310 : memref<1x128xi32, #tpu.memory_space<hbm>> -> memref<128xi32, #tpu.memory_space<hbm>>
        %dma_wait3A_312 = arith.constant 0 : i32
        %dma_wait3A_313 = tpu.memref_slice %arg4[%dma_wait3A_308, %dma_wait3A_312] : memref<2500x128xi32, #tpu.memory_space<hbm>> -> memref<1x128xi32, #tpu.memory_space<hbm>>
        %dma_wait3A_314 = tpu.memref_squeeze %dma_wait3A_313 : memref<1x128xi32, #tpu.memory_space<hbm>> -> memref<128xi32, #tpu.memory_space<hbm>>
        tpu.wait_dma2 semaphore(%arg23 : memref<!tpu.dma_semaphore, #tpu.memory_space<semaphore_mem>>) src(%dma_wait3A_314 : memref<128xi32, #tpu.memory_space<hbm>>) dst(%arg11 : memref<128xi32, #tpu.memory_space<vmem>>)
        %add3A_315 = arith.constant 1 : i32
        %add3A_316 = arith.addi %add3A_300, %add3A_315 : i32
        %dma_start3A_317 = arith.constant 0 : i32
        %dma_start3A_318 = arith.constant 0 : i32
        %dma_start3A_319 = tpu.memref_slice %arg25[%dma_start3A_317, %dma_start3A_318] : memref<10000x64xf32, #tpu.memory_space<vmem_shared>> -> memref<10000x64xf32, #tpu.memory_space<vmem_shared>>
        tpu.enqueue_indirect_dma source(%dma_start3A_319 : memref<10000x64xf32, #tpu.memory_space<vmem_shared>>) target(%arg14 : memref<128x64xf32, #tpu.memory_space<vmem>>) offsets(%arg11 : memref<128xi32, #tpu.memory_space<vmem>>) semaphore(%arg17 : memref<!tpu.dma_semaphore, #tpu.memory_space<semaphore_mem>>)
        %add3A_320 = arith.constant 2 : i32
        %add3A_321 = arith.addi %add3A_300, %add3A_320 : i32
        %add3A_322 = arith.addi %select_n3A, %add3A_321 : i32
        %dma_start3A_323 = arith.constant 0 : i32
        %dma_start3A_324 = tpu.memref_slice %arg4[%add3A_322, %dma_start3A_323] : memref<2500x128xi32, #tpu.memory_space<hbm>> -> memref<1x128xi32, #tpu.memory_space<hbm>>
        %dma_start3A_325 = tpu.memref_squeeze %dma_start3A_324 : memref<1x128xi32, #tpu.memory_space<hbm>> -> memref<128xi32, #tpu.memory_space<hbm>>
        %dma_start3A_326 = arith.constant 0 : i32
        %dma_start3A_327 = tpu.memref_slice %arg4[%add3A_322, %dma_start3A_326] : memref<2500x128xi32, #tpu.memory_space<hbm>> -> memref<1x128xi32, #tpu.memory_space<hbm>>
        %dma_start3A_328 = tpu.memref_squeeze %dma_start3A_327 : memref<1x128xi32, #tpu.memory_space<hbm>> -> memref<128xi32, #tpu.memory_space<hbm>>
        tpu.enqueue_dma source(%dma_start3A_328 : memref<128xi32, #tpu.memory_space<hbm>>) target(%arg12 : memref<128xi32, #tpu.memory_space<vmem>>) target_semaphore(%arg24 : memref<!tpu.dma_semaphore, #tpu.memory_space<semaphore_mem>>)
        %dma_wait3A_329 = arith.constant 0 : i32
        %dma_wait3A_330 = arith.constant 0 : i32
        %dma_wait3A_331 = tpu.memref_slice %arg25[%dma_wait3A_329, %dma_wait3A_330] : memref<10000x64xf32, #tpu.memory_space<vmem_shared>> -> memref<10000x64xf32, #tpu.memory_space<vmem_shared>>
        tpu.wait_indirect_dma semaphore(%arg16 : memref<!tpu.dma_semaphore, #tpu.memory_space<semaphore_mem>>) src(%dma_wait3A_331 : memref<10000x64xf32, #tpu.memory_space<vmem_shared>>) dst(%arg13 : memref<128x64xf32, #tpu.memory_space<vmem>>)
        %dma_start3A_332 = arith.constant 0 : i32
        %dma_start3A_333 = tpu.memref_slice %arg9[%add3A_300, %dma_start3A_332] : memref<157x128xi32, #tpu.memory_space<vmem>> -> memref<1x128xi32, #tpu.memory_space<vmem>>
        %dma_start3A_334 = tpu.memref_squeeze %dma_start3A_333 : memref<1x128xi32, #tpu.memory_space<vmem>> -> memref<128xi32, #tpu.memory_space<vmem>>
        %dma_start3A_335 = arith.constant 0 : i32
        %dma_start3A_336 = arith.constant 0 : i32
        %dma_start3A_337 = tpu.memref_slice %arg26[%dma_start3A_335, %dma_start3A_336] : memref<10112x64xf32, #tpu.memory_space<vmem_shared>> -> memref<10112x64xf32, #tpu.memory_space<vmem_shared>>
        tpu.enqueue_indirect_dma source(%arg13 : memref<128x64xf32, #tpu.memory_space<vmem>>) target(%dma_start3A_337 : memref<10112x64xf32, #tpu.memory_space<vmem_shared>>) offsets(%dma_start3A_334 : memref<128xi32, #tpu.memory_space<vmem>>) semaphore(%arg19 : memref<!tpu.dma_semaphore, #tpu.memory_space<semaphore_mem>>) {add = true}
        %add3A_338 = arith.constant 2 : i32
        %add3A_339 = arith.addi %add3A_259, %add3A_338 : i32
        %dma_wait3A_340 = arith.constant 0 : i32
        %dma_wait3A_341 = arith.constant 0 : i32
        %dma_wait3A_342 = tpu.memref_slice %arg9[%dma_wait3A_340, %dma_wait3A_341] : memref<157x128xi32, #tpu.memory_space<vmem>> -> memref<1x128xi32, #tpu.memory_space<vmem>>
        %dma_wait3A_343 = tpu.memref_squeeze %dma_wait3A_342 : memref<1x128xi32, #tpu.memory_space<vmem>> -> memref<128xi32, #tpu.memory_space<vmem>>
        %dma_wait3A_344 = arith.constant 0 : i32
        %dma_wait3A_345 = arith.constant 0 : i32
        %dma_wait3A_346 = tpu.memref_slice %arg26[%dma_wait3A_344, %dma_wait3A_345] : memref<10112x64xf32, #tpu.memory_space<vmem_shared>> -> memref<10112x64xf32, #tpu.memory_space<vmem_shared>>
        tpu.wait_indirect_dma semaphore(%arg21 : memref<!tpu.dma_semaphore, #tpu.memory_space<semaphore_mem>>) src(%arg15 : memref<128x64xf32, #tpu.memory_space<vmem>>) dst(%dma_wait3A_346 : memref<10112x64xf32, #tpu.memory_space<vmem_shared>>)
        %dma_wait3A_347 = arith.constant 0 : i32
        %dma_wait3A_348 = arith.constant 0 : i32
        %dma_wait3A_349 = tpu.memref_slice %arg4[%dma_wait3A_347, %dma_wait3A_348] : memref<2500x128xi32, #tpu.memory_space<hbm>> -> memref<1x128xi32, #tpu.memory_space<hbm>>
        %dma_wait3A_350 = tpu.memref_squeeze %dma_wait3A_349 : memref<1x128xi32, #tpu.memory_space<hbm>> -> memref<128xi32, #tpu.memory_space<hbm>>
        %dma_wait3A_351 = arith.constant 0 : i32
        %dma_wait3A_352 = tpu.memref_slice %arg4[%dma_wait3A_347, %dma_wait3A_351] : memref<2500x128xi32, #tpu.memory_space<hbm>> -> memref<1x128xi32, #tpu.memory_space<hbm>>
        %dma_wait3A_353 = tpu.memref_squeeze %dma_wait3A_352 : memref<1x128xi32, #tpu.memory_space<hbm>> -> memref<128xi32, #tpu.memory_space<hbm>>
        tpu.wait_dma2 semaphore(%arg24 : memref<!tpu.dma_semaphore, #tpu.memory_space<semaphore_mem>>) src(%dma_wait3A_353 : memref<128xi32, #tpu.memory_space<hbm>>) dst(%arg12 : memref<128xi32, #tpu.memory_space<vmem>>)
        %add3A_354 = arith.constant 1 : i32
        %add3A_355 = arith.addi %add3A_339, %add3A_354 : i32
        %dma_start3A_356 = arith.constant 0 : i32
        %dma_start3A_357 = arith.constant 0 : i32
        %dma_start3A_358 = tpu.memref_slice %arg25[%dma_start3A_356, %dma_start3A_357] : memref<10000x64xf32, #tpu.memory_space<vmem_shared>> -> memref<10000x64xf32, #tpu.memory_space<vmem_shared>>
        tpu.enqueue_indirect_dma source(%dma_start3A_358 : memref<10000x64xf32, #tpu.memory_space<vmem_shared>>) target(%arg15 : memref<128x64xf32, #tpu.memory_space<vmem>>) offsets(%arg12 : memref<128xi32, #tpu.memory_space<vmem>>) semaphore(%arg18 : memref<!tpu.dma_semaphore, #tpu.memory_space<semaphore_mem>>)
        %add3A_359 = arith.constant 2 : i32
        %add3A_360 = arith.addi %add3A_339, %add3A_359 : i32
        %add3A_361 = arith.addi %select_n3A, %add3A_360 : i32
        %dma_start3A_362 = arith.constant 0 : i32
        %dma_start3A_363 = tpu.memref_slice %arg4[%add3A_361, %dma_start3A_362] : memref<2500x128xi32, #tpu.memory_space<hbm>> -> memref<1x128xi32, #tpu.memory_space<hbm>>
        %dma_start3A_364 = tpu.memref_squeeze %dma_start3A_363 : memref<1x128xi32, #tpu.memory_space<hbm>> -> memref<128xi32, #tpu.memory_space<hbm>>
        %dma_start3A_365 = arith.constant 0 : i32
        %dma_start3A_366 = tpu.memref_slice %arg4[%add3A_361, %dma_start3A_365] : memref<2500x128xi32, #tpu.memory_space<hbm>> -> memref<1x128xi32, #tpu.memory_space<hbm>>
        %dma_start3A_367 = tpu.memref_squeeze %dma_start3A_366 : memref<1x128xi32, #tpu.memory_space<hbm>> -> memref<128xi32, #tpu.memory_space<hbm>>
        tpu.enqueue_dma source(%dma_start3A_367 : memref<128xi32, #tpu.memory_space<hbm>>) target(%arg10 : memref<128xi32, #tpu.memory_space<vmem>>) target_semaphore(%arg22 : memref<!tpu.dma_semaphore, #tpu.memory_space<semaphore_mem>>)
        %dma_wait3A_368 = arith.constant 0 : i32
        %dma_wait3A_369 = arith.constant 0 : i32
        %dma_wait3A_370 = tpu.memref_slice %arg25[%dma_wait3A_368, %dma_wait3A_369] : memref<10000x64xf32, #tpu.memory_space<vmem_shared>> -> memref<10000x64xf32, #tpu.memory_space<vmem_shared>>
        tpu.wait_indirect_dma semaphore(%arg17 : memref<!tpu.dma_semaphore, #tpu.memory_space<semaphore_mem>>) src(%dma_wait3A_370 : memref<10000x64xf32, #tpu.memory_space<vmem_shared>>) dst(%arg14 : memref<128x64xf32, #tpu.memory_space<vmem>>)
        %dma_start3A_371 = arith.constant 0 : i32
        %dma_start3A_372 = tpu.memref_slice %arg9[%add3A_339, %dma_start3A_371] : memref<157x128xi32, #tpu.memory_space<vmem>> -> memref<1x128xi32, #tpu.memory_space<vmem>>
        %dma_start3A_373 = tpu.memref_squeeze %dma_start3A_372 : memref<1x128xi32, #tpu.memory_space<vmem>> -> memref<128xi32, #tpu.memory_space<vmem>>
        %dma_start3A_374 = arith.constant 0 : i32
        %dma_start3A_375 = arith.constant 0 : i32
        %dma_start3A_376 = tpu.memref_slice %arg26[%dma_start3A_374, %dma_start3A_375] : memref<10112x64xf32, #tpu.memory_space<vmem_shared>> -> memref<10112x64xf32, #tpu.memory_space<vmem_shared>>
        tpu.enqueue_indirect_dma source(%arg14 : memref<128x64xf32, #tpu.memory_space<vmem>>) target(%dma_start3A_376 : memref<10112x64xf32, #tpu.memory_space<vmem_shared>>) offsets(%dma_start3A_373 : memref<128xi32, #tpu.memory_space<vmem>>) semaphore(%arg20 : memref<!tpu.dma_semaphore, #tpu.memory_space<semaphore_mem>>) {add = true}
      }
      %scan3A_196 = arith.constant 50 : i32
      %dma_wait3A_197 = arith.constant 0 : i32
      %dma_wait3A_198 = arith.constant 0 : i32
      %dma_wait3A_199 = tpu.memref_slice %arg9[%dma_wait3A_197, %dma_wait3A_198] : memref<157x128xi32, #tpu.memory_space<vmem>> -> memref<1x128xi32, #tpu.memory_space<vmem>>
      %dma_wait3A_200 = tpu.memref_squeeze %dma_wait3A_199 : memref<1x128xi32, #tpu.memory_space<vmem>> -> memref<128xi32, #tpu.memory_space<vmem>>
      %dma_wait3A_201 = arith.constant 0 : i32
      %dma_wait3A_202 = arith.constant 0 : i32
      %dma_wait3A_203 = tpu.memref_slice %arg26[%dma_wait3A_201, %dma_wait3A_202] : memref<10112x64xf32, #tpu.memory_space<vmem_shared>> -> memref<10112x64xf32, #tpu.memory_space<vmem_shared>>
      tpu.wait_indirect_dma semaphore(%arg19 : memref<!tpu.dma_semaphore, #tpu.memory_space<semaphore_mem>>) src(%arg13 : memref<128x64xf32, #tpu.memory_space<vmem>>) dst(%dma_wait3A_203 : memref<10112x64xf32, #tpu.memory_space<vmem_shared>>)
      %dma_wait3A_204 = arith.constant 0 : i32
      %dma_wait3A_205 = arith.constant 0 : i32
      %dma_wait3A_206 = tpu.memref_slice %arg4[%dma_wait3A_204, %dma_wait3A_205] : memref<2500x128xi32, #tpu.memory_space<hbm>> -> memref<1x128xi32, #tpu.memory_space<hbm>>
      %dma_wait3A_207 = tpu.memref_squeeze %dma_wait3A_206 : memref<1x128xi32, #tpu.memory_space<hbm>> -> memref<128xi32, #tpu.memory_space<hbm>>
      %dma_wait3A_208 = arith.constant 0 : i32
      %dma_wait3A_209 = tpu.memref_slice %arg4[%dma_wait3A_204, %dma_wait3A_208] : memref<2500x128xi32, #tpu.memory_space<hbm>> -> memref<1x128xi32, #tpu.memory_space<hbm>>
      %dma_wait3A_210 = tpu.memref_squeeze %dma_wait3A_209 : memref<1x128xi32, #tpu.memory_space<hbm>> -> memref<128xi32, #tpu.memory_space<hbm>>
      tpu.wait_dma2 semaphore(%arg22 : memref<!tpu.dma_semaphore, #tpu.memory_space<semaphore_mem>>) src(%dma_wait3A_210 : memref<128xi32, #tpu.memory_space<hbm>>) dst(%arg10 : memref<128xi32, #tpu.memory_space<vmem>>)
      %dma_start3A_211 = arith.constant 0 : i32
      %dma_start3A_212 = arith.constant 0 : i32
      %dma_start3A_213 = tpu.memref_slice %arg25[%dma_start3A_211, %dma_start3A_212] : memref<10000x64xf32, #tpu.memory_space<vmem_shared>> -> memref<10000x64xf32, #tpu.memory_space<vmem_shared>>
      tpu.enqueue_indirect_dma source(%dma_start3A_213 : memref<10000x64xf32, #tpu.memory_space<vmem_shared>>) target(%arg13 : memref<128x64xf32, #tpu.memory_space<vmem>>) offsets(%arg10 : memref<128xi32, #tpu.memory_space<vmem>>) semaphore(%arg16 : memref<!tpu.dma_semaphore, #tpu.memory_space<semaphore_mem>>)
      %dma_wait3A_214 = arith.constant 0 : i32
      %dma_wait3A_215 = arith.constant 0 : i32
      %dma_wait3A_216 = tpu.memref_slice %arg25[%dma_wait3A_214, %dma_wait3A_215] : memref<10000x64xf32, #tpu.memory_space<vmem_shared>> -> memref<10000x64xf32, #tpu.memory_space<vmem_shared>>
      tpu.wait_indirect_dma semaphore(%arg18 : memref<!tpu.dma_semaphore, #tpu.memory_space<semaphore_mem>>) src(%dma_wait3A_216 : memref<10000x64xf32, #tpu.memory_space<vmem_shared>>) dst(%arg15 : memref<128x64xf32, #tpu.memory_space<vmem>>)
      %dma_start3A_217 = arith.constant 152 : i32
      %dma_start3A_218 = arith.constant 0 : i32
      %dma_start3A_219 = tpu.memref_slice %arg9[%dma_start3A_217, %dma_start3A_218] : memref<157x128xi32, #tpu.memory_space<vmem>> -> memref<1x128xi32, #tpu.memory_space<vmem>>
      %dma_start3A_220 = tpu.memref_squeeze %dma_start3A_219 : memref<1x128xi32, #tpu.memory_space<vmem>> -> memref<128xi32, #tpu.memory_space<vmem>>
      %dma_start3A_221 = arith.constant 0 : i32
      %dma_start3A_222 = arith.constant 0 : i32
      %dma_start3A_223 = tpu.memref_slice %arg26[%dma_start3A_221, %dma_start3A_222] : memref<10112x64xf32, #tpu.memory_space<vmem_shared>> -> memref<10112x64xf32, #tpu.memory_space<vmem_shared>>
      tpu.enqueue_indirect_dma source(%arg15 : memref<128x64xf32, #tpu.memory_space<vmem>>) target(%dma_start3A_223 : memref<10112x64xf32, #tpu.memory_space<vmem_shared>>) offsets(%dma_start3A_220 : memref<128xi32, #tpu.memory_space<vmem>>) semaphore(%arg21 : memref<!tpu.dma_semaphore, #tpu.memory_space<semaphore_mem>>) {add = true}
      %dma_wait3A_224 = arith.constant 0 : i32
      %dma_wait3A_225 = arith.constant 0 : i32
      %dma_wait3A_226 = tpu.memref_slice %arg9[%dma_wait3A_224, %dma_wait3A_225] : memref<157x128xi32, #tpu.memory_space<vmem>> -> memref<1x128xi32, #tpu.memory_space<vmem>>
      %dma_wait3A_227 = tpu.memref_squeeze %dma_wait3A_226 : memref<1x128xi32, #tpu.memory_space<vmem>> -> memref<128xi32, #tpu.memory_space<vmem>>
      %dma_wait3A_228 = arith.constant 0 : i32
      %dma_wait3A_229 = arith.constant 0 : i32
      %dma_wait3A_230 = tpu.memref_slice %arg26[%dma_wait3A_228, %dma_wait3A_229] : memref<10112x64xf32, #tpu.memory_space<vmem_shared>> -> memref<10112x64xf32, #tpu.memory_space<vmem_shared>>
      tpu.wait_indirect_dma semaphore(%arg20 : memref<!tpu.dma_semaphore, #tpu.memory_space<semaphore_mem>>) src(%arg14 : memref<128x64xf32, #tpu.memory_space<vmem>>) dst(%dma_wait3A_230 : memref<10112x64xf32, #tpu.memory_space<vmem_shared>>)
      %dma_wait3A_231 = arith.constant 0 : i32
      %dma_wait3A_232 = arith.constant 0 : i32
      %dma_wait3A_233 = tpu.memref_slice %arg25[%dma_wait3A_231, %dma_wait3A_232] : memref<10000x64xf32, #tpu.memory_space<vmem_shared>> -> memref<10000x64xf32, #tpu.memory_space<vmem_shared>>
      tpu.wait_indirect_dma semaphore(%arg16 : memref<!tpu.dma_semaphore, #tpu.memory_space<semaphore_mem>>) src(%dma_wait3A_233 : memref<10000x64xf32, #tpu.memory_space<vmem_shared>>) dst(%arg13 : memref<128x64xf32, #tpu.memory_space<vmem>>)
      %dma_start3A_234 = arith.constant 153 : i32
      %dma_start3A_235 = arith.constant 0 : i32
      %dma_start3A_236 = tpu.memref_slice %arg9[%dma_start3A_234, %dma_start3A_235] : memref<157x128xi32, #tpu.memory_space<vmem>> -> memref<1x128xi32, #tpu.memory_space<vmem>>
      %dma_start3A_237 = tpu.memref_squeeze %dma_start3A_236 : memref<1x128xi32, #tpu.memory_space<vmem>> -> memref<128xi32, #tpu.memory_space<vmem>>
      %dma_start3A_238 = arith.constant 0 : i32
      %dma_start3A_239 = arith.constant 0 : i32
      %dma_start3A_240 = tpu.memref_slice %arg26[%dma_start3A_238, %dma_start3A_239] : memref<10112x64xf32, #tpu.memory_space<vmem_shared>> -> memref<10112x64xf32, #tpu.memory_space<vmem_shared>>
      tpu.enqueue_indirect_dma source(%arg13 : memref<128x64xf32, #tpu.memory_space<vmem>>) target(%dma_start3A_240 : memref<10112x64xf32, #tpu.memory_space<vmem_shared>>) offsets(%dma_start3A_237 : memref<128xi32, #tpu.memory_space<vmem>>) semaphore(%arg19 : memref<!tpu.dma_semaphore, #tpu.memory_space<semaphore_mem>>) {add = true}
      %dma_wait3A_241 = arith.constant 0 : i32
      %dma_wait3A_242 = arith.constant 0 : i32
      %dma_wait3A_243 = tpu.memref_slice %arg9[%dma_wait3A_241, %dma_wait3A_242] : memref<157x128xi32, #tpu.memory_space<vmem>> -> memref<1x128xi32, #tpu.memory_space<vmem>>
      %dma_wait3A_244 = tpu.memref_squeeze %dma_wait3A_243 : memref<1x128xi32, #tpu.memory_space<vmem>> -> memref<128xi32, #tpu.memory_space<vmem>>
      %dma_wait3A_245 = arith.constant 0 : i32
      %dma_wait3A_246 = arith.constant 0 : i32
      %dma_wait3A_247 = tpu.memref_slice %arg26[%dma_wait3A_245, %dma_wait3A_246] : memref<10112x64xf32, #tpu.memory_space<vmem_shared>> -> memref<10112x64xf32, #tpu.memory_space<vmem_shared>>
      tpu.wait_indirect_dma semaphore(%arg21 : memref<!tpu.dma_semaphore, #tpu.memory_space<semaphore_mem>>) src(%arg15 : memref<128x64xf32, #tpu.memory_space<vmem>>) dst(%dma_wait3A_247 : memref<10112x64xf32, #tpu.memory_space<vmem_shared>>)
      %dma_wait3A_248 = arith.constant 0 : i32
      %dma_wait3A_249 = arith.constant 0 : i32
      %dma_wait3A_250 = tpu.memref_slice %arg9[%dma_wait3A_248, %dma_wait3A_249] : memref<157x128xi32, #tpu.memory_space<vmem>> -> memref<1x128xi32, #tpu.memory_space<vmem>>
      %dma_wait3A_251 = tpu.memref_squeeze %dma_wait3A_250 : memref<1x128xi32, #tpu.memory_space<vmem>> -> memref<128xi32, #tpu.memory_space<vmem>>
      %dma_wait3A_252 = arith.constant 0 : i32
      %dma_wait3A_253 = arith.constant 0 : i32
      %dma_wait3A_254 = tpu.memref_slice %arg26[%dma_wait3A_252, %dma_wait3A_253] : memref<10112x64xf32, #tpu.memory_space<vmem_shared>> -> memref<10112x64xf32, #tpu.memory_space<vmem_shared>>
      tpu.wait_indirect_dma semaphore(%arg19 : memref<!tpu.dma_semaphore, #tpu.memory_space<semaphore_mem>>) src(%arg13 : memref<128x64xf32, #tpu.memory_space<vmem>>) dst(%dma_wait3A_254 : memref<10112x64xf32, #tpu.memory_space<vmem_shared>>)
    } else {
    }
    %barrier3A_85 = arith.constant 0 : index
    tpu.barrier barrier_id(%barrier3A_85)
    %eq3A_86 = arith.constant 0 : i32
    %eq3A_87 = arith.cmpi eq, %arg0, %eq3A_86 : i32
    %lt3A_88 = arith.constant 15 : i32
    %lt3A_89 = arith.cmpi slt, %arg1, %lt3A_88 : i32
    %and3A_90 = arith.andi %eq3A_87, %lt3A_89 : i1
    %convert_element_type3A_91 = arith.extui %and3A_90 : i1 to i32
    %cond3A_92 = arith.constant 0 : i32
    %cond3A_93 = arith.cmpi ne, %convert_element_type3A_91, %cond3A_92 : i32
    scf.if %cond3A_93 {
      %mul3A_118 = arith.constant 632 : i32
      %mul3A_119 = arith.muli %arg1, %mul3A_118 : i32
      %mul3A_120 = arith.constant 632 : i32
      %mul3A_121 = arith.muli %arg1, %mul3A_120 : i32
      "tpu.region"() ({
        %run_scoped3A = tpu.sem_alloc : memref<!tpu.dma_semaphore, #tpu.memory_space<semaphore_mem>>
        %dma_start3A_122 = arith.constant 0 : i32
        %dma_start3A_123 = tpu.memref_slice %arg7[%mul3A_121, %dma_start3A_122] : memref<10000x64xf32, #tpu.memory_space<hbm>> -> memref<632x64xf32, #tpu.memory_space<hbm>>
        %dma_start3A_124 = arith.constant 0 : i32
        %dma_start3A_125 = tpu.memref_slice %arg26[%mul3A_119, %dma_start3A_124] : memref<10112x64xf32, #tpu.memory_space<vmem_shared>> -> memref<632x64xf32, #tpu.memory_space<vmem_shared>>
        tpu.enqueue_dma source(%dma_start3A_125 : memref<632x64xf32, #tpu.memory_space<vmem_shared>>) target(%dma_start3A_123 : memref<632x64xf32, #tpu.memory_space<hbm>>) target_semaphore(%run_scoped3A : memref<!tpu.dma_semaphore, #tpu.memory_space<semaphore_mem>>)
        %dma_wait3A_126 = arith.constant 0 : i32
        %dma_wait3A_127 = tpu.memref_slice %arg7[%mul3A_121, %dma_wait3A_126] : memref<10000x64xf32, #tpu.memory_space<hbm>> -> memref<632x64xf32, #tpu.memory_space<hbm>>
        %dma_wait3A_128 = arith.constant 0 : i32
        %dma_wait3A_129 = tpu.memref_slice %arg26[%mul3A_119, %dma_wait3A_128] : memref<10112x64xf32, #tpu.memory_space<vmem_shared>> -> memref<632x64xf32, #tpu.memory_space<vmem_shared>>
        tpu.wait_dma2 semaphore(%run_scoped3A : memref<!tpu.dma_semaphore, #tpu.memory_space<semaphore_mem>>) src(%dma_wait3A_129 : memref<632x64xf32, #tpu.memory_space<vmem_shared>>) dst(%dma_wait3A_127 : memref<632x64xf32, #tpu.memory_space<hbm>>)
        tpu.yield
      }) : () -> ()
    } else {
    }
    %eq3A_94 = arith.constant 0 : i32
    %eq3A_95 = arith.cmpi eq, %arg0, %eq3A_94 : i32
    %eq3A_96 = arith.constant 15 : i32
    %eq3A_97 = arith.cmpi eq, %arg1, %eq3A_96 : i32
    %and3A_98 = arith.andi %eq3A_95, %eq3A_97 : i1
    %convert_element_type3A_99 = arith.extui %and3A_98 : i1 to i32
    %cond3A_100 = arith.constant 0 : i32
    %cond3A_101 = arith.cmpi ne, %convert_element_type3A_99, %cond3A_100 : i32
    scf.if %cond3A_101 {
      "tpu.region"() ({
        %run_scoped3A = tpu.sem_alloc : memref<!tpu.dma_semaphore, #tpu.memory_space<semaphore_mem>>
        %dma_start3A_118 = arith.constant 9480 : i32
        %dma_start3A_119 = arith.constant 0 : i32
        %dma_start3A_120 = tpu.memref_slice %arg7[%dma_start3A_118, %dma_start3A_119] : memref<10000x64xf32, #tpu.memory_space<hbm>> -> memref<520x64xf32, #tpu.memory_space<hbm>>
        %dma_start3A_121 = arith.constant 9480 : i32
        %dma_start3A_122 = arith.constant 0 : i32
        %dma_start3A_123 = tpu.memref_slice %arg26[%dma_start3A_121, %dma_start3A_122] : memref<10112x64xf32, #tpu.memory_space<vmem_shared>> -> memref<520x64xf32, #tpu.memory_space<vmem_shared>>
        tpu.enqueue_dma source(%dma_start3A_123 : memref<520x64xf32, #tpu.memory_space<vmem_shared>>) target(%dma_start3A_120 : memref<520x64xf32, #tpu.memory_space<hbm>>) target_semaphore(%run_scoped3A : memref<!tpu.dma_semaphore, #tpu.memory_space<semaphore_mem>>)
        %dma_wait3A_124 = arith.constant 9480 : i32
        %dma_wait3A_125 = arith.constant 0 : i32
        %dma_wait3A_126 = tpu.memref_slice %arg7[%dma_wait3A_124, %dma_wait3A_125] : memref<10000x64xf32, #tpu.memory_space<hbm>> -> memref<520x64xf32, #tpu.memory_space<hbm>>
        %dma_wait3A_127 = arith.constant 9480 : i32
        %dma_wait3A_128 = arith.constant 0 : i32
        %dma_wait3A_129 = tpu.memref_slice %arg26[%dma_wait3A_127, %dma_wait3A_128] : memref<10112x64xf32, #tpu.memory_space<vmem_shared>> -> memref<520x64xf32, #tpu.memory_space<vmem_shared>>
        tpu.wait_dma2 semaphore(%run_scoped3A : memref<!tpu.dma_semaphore, #tpu.memory_space<semaphore_mem>>) src(%dma_wait3A_129 : memref<520x64xf32, #tpu.memory_space<vmem_shared>>) dst(%dma_wait3A_126 : memref<520x64xf32, #tpu.memory_space<hbm>>)
        tpu.yield
      }) : () -> ()
    } else {
    }
    %eq3A_102 = arith.constant 1 : i32
    %eq3A_103 = arith.cmpi eq, %arg0, %eq3A_102 : i32
    %lt3A_104 = arith.constant 15 : i32
    %lt3A_105 = arith.cmpi slt, %arg1, %lt3A_104 : i32
    %and3A_106 = arith.andi %eq3A_103, %lt3A_105 : i1
    %convert_element_type3A_107 = arith.extui %and3A_106 : i1 to i32
    %cond3A_108 = arith.constant 0 : i32
    %cond3A_109 = arith.cmpi ne, %convert_element_type3A_107, %cond3A_108 : i32
    scf.if %cond3A_109 {
      %mul3A_118 = arith.constant 632 : i32
      %mul3A_119 = arith.muli %arg1, %mul3A_118 : i32
      %mul3A_120 = arith.constant 632 : i32
      %mul3A_121 = arith.muli %arg1, %mul3A_120 : i32
      "tpu.region"() ({
        %run_scoped3A = tpu.sem_alloc : memref<!tpu.dma_semaphore, #tpu.memory_space<semaphore_mem>>
        %dma_start3A_122 = arith.constant 0 : i32
        %dma_start3A_123 = tpu.memref_slice %arg8[%mul3A_121, %dma_start3A_122] : memref<10000x64xf32, #tpu.memory_space<hbm>> -> memref<632x64xf32, #tpu.memory_space<hbm>>
        %dma_start3A_124 = arith.constant 0 : i32
        %dma_start3A_125 = tpu.memref_slice %arg26[%mul3A_119, %dma_start3A_124] : memref<10112x64xf32, #tpu.memory_space<vmem_shared>> -> memref<632x64xf32, #tpu.memory_space<vmem_shared>>
        tpu.enqueue_dma source(%dma_start3A_125 : memref<632x64xf32, #tpu.memory_space<vmem_shared>>) target(%dma_start3A_123 : memref<632x64xf32, #tpu.memory_space<hbm>>) target_semaphore(%run_scoped3A : memref<!tpu.dma_semaphore, #tpu.memory_space<semaphore_mem>>)
        %dma_wait3A_126 = arith.constant 0 : i32
        %dma_wait3A_127 = tpu.memref_slice %arg8[%mul3A_121, %dma_wait3A_126] : memref<10000x64xf32, #tpu.memory_space<hbm>> -> memref<632x64xf32, #tpu.memory_space<hbm>>
        %dma_wait3A_128 = arith.constant 0 : i32
        %dma_wait3A_129 = tpu.memref_slice %arg26[%mul3A_119, %dma_wait3A_128] : memref<10112x64xf32, #tpu.memory_space<vmem_shared>> -> memref<632x64xf32, #tpu.memory_space<vmem_shared>>
        tpu.wait_dma2 semaphore(%run_scoped3A : memref<!tpu.dma_semaphore, #tpu.memory_space<semaphore_mem>>) src(%dma_wait3A_129 : memref<632x64xf32, #tpu.memory_space<vmem_shared>>) dst(%dma_wait3A_127 : memref<632x64xf32, #tpu.memory_space<hbm>>)
        tpu.yield
      }) : () -> ()
    } else {
    }
    %eq3A_110 = arith.constant 1 : i32
    %eq3A_111 = arith.cmpi eq, %arg0, %eq3A_110 : i32
    %eq3A_112 = arith.constant 15 : i32
    %eq3A_113 = arith.cmpi eq, %arg1, %eq3A_112 : i32
    %and3A_114 = arith.andi %eq3A_111, %eq3A_113 : i1
    %convert_element_type3A_115 = arith.extui %and3A_114 : i1 to i32
    %cond3A_116 = arith.constant 0 : i32
    %cond3A_117 = arith.cmpi ne, %convert_element_type3A_115, %cond3A_116 : i32
    scf.if %cond3A_117 {
      "tpu.region"() ({
        %run_scoped3A = tpu.sem_alloc : memref<!tpu.dma_semaphore, #tpu.memory_space<semaphore_mem>>
        %dma_start3A_118 = arith.constant 9480 : i32
        %dma_start3A_119 = arith.constant 0 : i32
        %dma_start3A_120 = tpu.memref_slice %arg8[%dma_start3A_118, %dma_start3A_119] : memref<10000x64xf32, #tpu.memory_space<hbm>> -> memref<520x64xf32, #tpu.memory_space<hbm>>
        %dma_start3A_121 = arith.constant 9480 : i32
        %dma_start3A_122 = arith.constant 0 : i32
        %dma_start3A_123 = tpu.memref_slice %arg26[%dma_start3A_121, %dma_start3A_122] : memref<10112x64xf32, #tpu.memory_space<vmem_shared>> -> memref<520x64xf32, #tpu.memory_space<vmem_shared>>
        tpu.enqueue_dma source(%dma_start3A_123 : memref<520x64xf32, #tpu.memory_space<vmem_shared>>) target(%dma_start3A_120 : memref<520x64xf32, #tpu.memory_space<hbm>>) target_semaphore(%run_scoped3A : memref<!tpu.dma_semaphore, #tpu.memory_space<semaphore_mem>>)
        %dma_wait3A_124 = arith.constant 9480 : i32
        %dma_wait3A_125 = arith.constant 0 : i32
        %dma_wait3A_126 = tpu.memref_slice %arg8[%dma_wait3A_124, %dma_wait3A_125] : memref<10000x64xf32, #tpu.memory_space<hbm>> -> memref<520x64xf32, #tpu.memory_space<hbm>>
        %dma_wait3A_127 = arith.constant 9480 : i32
        %dma_wait3A_128 = arith.constant 0 : i32
        %dma_wait3A_129 = tpu.memref_slice %arg26[%dma_wait3A_127, %dma_wait3A_128] : memref<10112x64xf32, #tpu.memory_space<vmem_shared>> -> memref<520x64xf32, #tpu.memory_space<vmem_shared>>
        tpu.wait_dma2 semaphore(%run_scoped3A : memref<!tpu.dma_semaphore, #tpu.memory_space<semaphore_mem>>) src(%dma_wait3A_129 : memref<520x64xf32, #tpu.memory_space<vmem_shared>>) dst(%dma_wait3A_126 : memref<520x64xf32, #tpu.memory_space<hbm>>)
        tpu.yield
      }) : () -> ()
    } else {
    }
    return
  }
}

#map = affine_map<(d0, d1) -> (0, 0)>
module attributes {stable_mosaic.version = 14 : i64} {
  func.func @_seg_body(%arg0: i32, %arg1: i32, %arg2: memref<10000x64xf32, #tpu.memory_space<hbm>>, %arg3: memref<10000x64xf32, #tpu.memory_space<hbm>>, %arg4: memref<2500x128xi32, #tpu.memory_space<hbm>>, %arg5: memref<2500x128xi32, #tpu.memory_space<hbm>>, %arg6: memref<10112x64xf32, #tpu.memory_space<hbm>>, %arg7: memref<10000x64xf32, #tpu.memory_space<hbm>>, %arg8: memref<10000x64xf32, #tpu.memory_space<hbm>>, %arg9: memref<157x128xi32, #tpu.memory_space<vmem>>, %arg10: memref<128xi32, #tpu.memory_space<vmem>>, %arg11: memref<128xi32, #tpu.memory_space<vmem>>, %arg12: memref<128xi32, #tpu.memory_space<vmem>>, %arg13: memref<128x64xf32, #tpu.memory_space<vmem>>, %arg14: memref<128x64xf32, #tpu.memory_space<vmem>>, %arg15: memref<128x64xf32, #tpu.memory_space<vmem>>, %arg16: memref<!tpu.dma_semaphore, #tpu.memory_space<semaphore_mem>>, %arg17: memref<!tpu.dma_semaphore, #tpu.memory_space<semaphore_mem>>, %arg18: memref<!tpu.dma_semaphore, #tpu.memory_space<semaphore_mem>>, %arg19: memref<!tpu.dma_semaphore, #tpu.memory_space<semaphore_mem>>, %arg20: memref<!tpu.dma_semaphore, #tpu.memory_space<semaphore_mem>>, %arg21: memref<!tpu.dma_semaphore, #tpu.memory_space<semaphore_mem>>, %arg22: memref<!tpu.dma_semaphore, #tpu.memory_space<semaphore_mem>>, %arg23: memref<!tpu.dma_semaphore, #tpu.memory_space<semaphore_mem>>, %arg24: memref<!tpu.dma_semaphore, #tpu.memory_space<semaphore_mem>>, %arg25: memref<10000x64xf32, #tpu.memory_space<vmem_shared>>, %arg26: memref<10112x64xf32, #tpu.memory_space<vmem_shared>>) attributes {dimension_semantics = [#tpu.dimension_semantics<core_parallel>, #tpu.dimension_semantics<subcore_parallel>], iteration_bounds = array<i64: 2, 16>, scalar_prefetch = 0 : i64, scratch_operands = 18 : i64, tpu.core_type = #tpu.core_type<sc_vector_subcore>, window_params = [{transform_indices = #map}, {transform_indices = #map}, {transform_indices = #map}, {transform_indices = #map}, {transform_indices = #map}, {transform_indices = #map}, {transform_indices = #map}]} {
    %lt3A = arith.constant 12 : i32
    %lt3A_0 = arith.cmpi slt, %arg1, %lt3A : i32
    %mul3A = arith.constant 157 : i32
    %mul3A_1 = arith.muli %arg1, %mul3A : i32
    %sub3A = arith.constant 12 : i32
    %sub3A_2 = arith.subi %arg1, %sub3A : i32
    %mul3A_3 = arith.constant 154 : i32
    %mul3A_4 = arith.muli %sub3A_2, %mul3A_3 : i32
    %add3A = arith.constant 1884 : i32
    %add3A_5 = arith.addi %add3A, %mul3A_4 : i32
    %select_n3A = arith.select %lt3A_0, %mul3A_1, %add3A_5 : i32
    %mul3A_6 = arith.constant 632 : i32
    %mul3A_7 = arith.muli %arg1, %mul3A_6 : i32
    %mul3A_8 = arith.constant 632 : i32
    %mul3A_9 = arith.muli %arg1, %mul3A_8 : i32
    %dma_start3A = arith.constant 0 : i32
    %dma_start3A_10 = tpu.memref_slice %arg26[%mul3A_9, %dma_start3A] : memref<10112x64xf32, #tpu.memory_space<vmem_shared>> -> memref<632x64xf32, #tpu.memory_space<vmem_shared>>
    %dma_start3A_11 = arith.constant 0 : i32
    %dma_start3A_12 = tpu.memref_slice %arg6[%mul3A_7, %dma_start3A_11] : memref<10112x64xf32, #tpu.memory_space<hbm>> -> memref<632x64xf32, #tpu.memory_space<hbm>>
    tpu.enqueue_dma source(%dma_start3A_12 : memref<632x64xf32, #tpu.memory_space<hbm>>) target(%dma_start3A_10 : memref<632x64xf32, #tpu.memory_space<vmem_shared>>) target_semaphore(%arg16 : memref<!tpu.dma_semaphore, #tpu.memory_space<semaphore_mem>>)
    %add3A_13 = arith.constant 0 : i32
    %add3A_14 = arith.addi %select_n3A, %add3A_13 : i32
    %dma_start3A_15 = arith.constant 0 : i32
    %dma_start3A_16 = tpu.memref_slice %arg4[%add3A_14, %dma_start3A_15] : memref<2500x128xi32, #tpu.memory_space<hbm>> -> memref<1x128xi32, #tpu.memory_space<hbm>>
    %dma_start3A_17 = tpu.memref_squeeze %dma_start3A_16 : memref<1x128xi32, #tpu.memory_space<hbm>> -> memref<128xi32, #tpu.memory_space<hbm>>
    %dma_start3A_18 = arith.constant 0 : i32
    %dma_start3A_19 = tpu.memref_slice %arg4[%add3A_14, %dma_start3A_18] : memref<2500x128xi32, #tpu.memory_space<hbm>> -> memref<1x128xi32, #tpu.memory_space<hbm>>
    %dma_start3A_20 = tpu.memref_squeeze %dma_start3A_19 : memref<1x128xi32, #tpu.memory_space<hbm>> -> memref<128xi32, #tpu.memory_space<hbm>>
    tpu.enqueue_dma source(%dma_start3A_20 : memref<128xi32, #tpu.memory_space<hbm>>) target(%arg10 : memref<128xi32, #tpu.memory_space<vmem>>) target_semaphore(%arg22 : memref<!tpu.dma_semaphore, #tpu.memory_space<semaphore_mem>>)
    %lt3A_21 = arith.constant 12 : i32
    %lt3A_22 = arith.cmpi slt, %arg1, %lt3A_21 : i32
    %convert_element_type3A = arith.extui %lt3A_22 : i1 to i32
    %cond3A = arith.constant 0 : i32
    %cond3A_23 = arith.cmpi ne, %convert_element_type3A, %cond3A : i32
    scf.if %cond3A_23 {
      %dma_start3A_118 = arith.constant 0 : i32
      %dma_start3A_119 = tpu.memref_slice %arg5[%select_n3A, %dma_start3A_118] : memref<2500x128xi32, #tpu.memory_space<hbm>> -> memref<157x128xi32, #tpu.memory_space<hbm>>
      %dma_start3A_120 = arith.constant 0 : i32
      %dma_start3A_121 = tpu.memref_slice %arg5[%select_n3A, %dma_start3A_120] : memref<2500x128xi32, #tpu.memory_space<hbm>> -> memref<157x128xi32, #tpu.memory_space<hbm>>
      tpu.enqueue_dma source(%dma_start3A_121 : memref<157x128xi32, #tpu.memory_space<hbm>>) target(%arg9 : memref<157x128xi32, #tpu.memory_space<vmem>>) target_semaphore(%arg17 : memref<!tpu.dma_semaphore, #tpu.memory_space<semaphore_mem>>)
    } else {
    }
    %ge3A = arith.constant 12 : i32
    %ge3A_24 = arith.cmpi sge, %arg1, %ge3A : i32
    %convert_element_type3A_25 = arith.extui %ge3A_24 : i1 to i32
    %cond3A_26 = arith.constant 0 : i32
    %cond3A_27 = arith.cmpi ne, %convert_element_type3A_25, %cond3A_26 : i32
    scf.if %cond3A_27 {
      %dma_start3A_118 = arith.constant 0 : i32
      %dma_start3A_119 = arith.constant 0 : i32
      %dma_start3A_120 = tpu.memref_slice %arg9[%dma_start3A_118, %dma_start3A_119] : memref<157x128xi32, #tpu.memory_space<vmem>> -> memref<154x128xi32, #tpu.memory_space<vmem>>
      %dma_start3A_121 = arith.constant 0 : i32
      %dma_start3A_122 = tpu.memref_slice %arg5[%select_n3A, %dma_start3A_121] : memref<2500x128xi32, #tpu.memory_space<hbm>> -> memref<154x128xi32, #tpu.memory_space<hbm>>
      %dma_start3A_123 = arith.constant 0 : i32
      %dma_start3A_124 = arith.constant 0 : i32
      %dma_start3A_125 = tpu.memref_slice %arg9[%dma_start3A_123, %dma_start3A_124] : memref<157x128xi32, #tpu.memory_space<vmem>> -> memref<154x128xi32, #tpu.memory_space<vmem>>
      %dma_start3A_126 = arith.constant 0 : i32
      %dma_start3A_127 = tpu.memref_slice %arg5[%select_n3A, %dma_start3A_126] : memref<2500x128xi32, #tpu.memory_space<hbm>> -> memref<154x128xi32, #tpu.memory_space<hbm>>
      tpu.enqueue_dma source(%dma_start3A_127 : memref<154x128xi32, #tpu.memory_space<hbm>>) target(%dma_start3A_125 : memref<154x128xi32, #tpu.memory_space<vmem>>) target_semaphore(%arg17 : memref<!tpu.dma_semaphore, #tpu.memory_space<semaphore_mem>>)
    } else {
    }
    %eq3A = arith.constant 0 : i32
    %eq3A_28 = arith.cmpi eq, %arg0, %eq3A : i32
    %lt3A_29 = arith.constant 15 : i32
    %lt3A_30 = arith.cmpi slt, %arg1, %lt3A_29 : i32
    %and3A = arith.andi %eq3A_28, %lt3A_30 : i1
    %convert_element_type3A_31 = arith.extui %and3A : i1 to i32
    %cond3A_32 = arith.constant 0 : i32
    %cond3A_33 = arith.cmpi ne, %convert_element_type3A_31, %cond3A_32 : i32
    scf.if %cond3A_33 {
      %mul3A_118 = arith.constant 632 : i32
      %mul3A_119 = arith.muli %arg1, %mul3A_118 : i32
      %mul3A_120 = arith.constant 632 : i32
      %mul3A_121 = arith.muli %arg1, %mul3A_120 : i32
      "tpu.region"() ({
        %run_scoped3A = tpu.sem_alloc : memref<!tpu.dma_semaphore, #tpu.memory_space<semaphore_mem>>
        %dma_start3A_122 = arith.constant 0 : i32
        %dma_start3A_123 = tpu.memref_slice %arg25[%mul3A_121, %dma_start3A_122] : memref<10000x64xf32, #tpu.memory_space<vmem_shared>> -> memref<632x64xf32, #tpu.memory_space<vmem_shared>>
        %dma_start3A_124 = arith.constant 0 : i32
        %dma_start3A_125 = tpu.memref_slice %arg2[%mul3A_119, %dma_start3A_124] : memref<10000x64xf32, #tpu.memory_space<hbm>> -> memref<632x64xf32, #tpu.memory_space<hbm>>
        tpu.enqueue_dma source(%dma_start3A_125 : memref<632x64xf32, #tpu.memory_space<hbm>>) target(%dma_start3A_123 : memref<632x64xf32, #tpu.memory_space<vmem_shared>>) target_semaphore(%run_scoped3A : memref<!tpu.dma_semaphore, #tpu.memory_space<semaphore_mem>>)
        %dma_wait3A_126 = arith.constant 0 : i32
        %dma_wait3A_127 = tpu.memref_slice %arg25[%mul3A_121, %dma_wait3A_126] : memref<10000x64xf32, #tpu.memory_space<vmem_shared>> -> memref<632x64xf32, #tpu.memory_space<vmem_shared>>
        %dma_wait3A_128 = arith.constant 0 : i32
        %dma_wait3A_129 = tpu.memref_slice %arg2[%mul3A_119, %dma_wait3A_128] : memref<10000x64xf32, #tpu.memory_space<hbm>> -> memref<632x64xf32, #tpu.memory_space<hbm>>
        tpu.wait_dma2 semaphore(%run_scoped3A : memref<!tpu.dma_semaphore, #tpu.memory_space<semaphore_mem>>) src(%dma_wait3A_129 : memref<632x64xf32, #tpu.memory_space<hbm>>) dst(%dma_wait3A_127 : memref<632x64xf32, #tpu.memory_space<vmem_shared>>)
        tpu.yield
      }) : () -> ()
    } else {
    }
    %eq3A_34 = arith.constant 0 : i32
    %eq3A_35 = arith.cmpi eq, %arg0, %eq3A_34 : i32
    %eq3A_36 = arith.constant 15 : i32
    %eq3A_37 = arith.cmpi eq, %arg1, %eq3A_36 : i32
    %and3A_38 = arith.andi %eq3A_35, %eq3A_37 : i1
    %convert_element_type3A_39 = arith.extui %and3A_38 : i1 to i32
    %cond3A_40 = arith.constant 0 : i32
    %cond3A_41 = arith.cmpi ne, %convert_element_type3A_39, %cond3A_40 : i32
    scf.if %cond3A_41 {
      "tpu.region"() ({
        %run_scoped3A = tpu.sem_alloc : memref<!tpu.dma_semaphore, #tpu.memory_space<semaphore_mem>>
        %dma_start3A_118 = arith.constant 9480 : i32
        %dma_start3A_119 = arith.constant 0 : i32
        %dma_start3A_120 = tpu.memref_slice %arg25[%dma_start3A_118, %dma_start3A_119] : memref<10000x64xf32, #tpu.memory_space<vmem_shared>> -> memref<520x64xf32, #tpu.memory_space<vmem_shared>>
        %dma_start3A_121 = arith.constant 9480 : i32
        %dma_start3A_122 = arith.constant 0 : i32
        %dma_start3A_123 = tpu.memref_slice %arg2[%dma_start3A_121, %dma_start3A_122] : memref<10000x64xf32, #tpu.memory_space<hbm>> -> memref<520x64xf32, #tpu.memory_space<hbm>>
        tpu.enqueue_dma source(%dma_start3A_123 : memref<520x64xf32, #tpu.memory_space<hbm>>) target(%dma_start3A_120 : memref<520x64xf32, #tpu.memory_space<vmem_shared>>) target_semaphore(%run_scoped3A : memref<!tpu.dma_semaphore, #tpu.memory_space<semaphore_mem>>)
        %dma_wait3A_124 = arith.constant 9480 : i32
        %dma_wait3A_125 = arith.constant 0 : i32
        %dma_wait3A_126 = tpu.memref_slice %arg25[%dma_wait3A_124, %dma_wait3A_125] : memref<10000x64xf32, #tpu.memory_space<vmem_shared>> -> memref<520x64xf32, #tpu.memory_space<vmem_shared>>
        %dma_wait3A_127 = arith.constant 9480 : i32
        %dma_wait3A_128 = arith.constant 0 : i32
        %dma_wait3A_129 = tpu.memref_slice %arg2[%dma_wait3A_127, %dma_wait3A_128] : memref<10000x64xf32, #tpu.memory_space<hbm>> -> memref<520x64xf32, #tpu.memory_space<hbm>>
        tpu.wait_dma2 semaphore(%run_scoped3A : memref<!tpu.dma_semaphore, #tpu.memory_space<semaphore_mem>>) src(%dma_wait3A_129 : memref<520x64xf32, #tpu.memory_space<hbm>>) dst(%dma_wait3A_126 : memref<520x64xf32, #tpu.memory_space<vmem_shared>>)
        tpu.yield
      }) : () -> ()
    } else {
    }
    %eq3A_42 = arith.constant 1 : i32
    %eq3A_43 = arith.cmpi eq, %arg0, %eq3A_42 : i32
    %lt3A_44 = arith.constant 15 : i32
    %lt3A_45 = arith.cmpi slt, %arg1, %lt3A_44 : i32
    %and3A_46 = arith.andi %eq3A_43, %lt3A_45 : i1
    %convert_element_type3A_47 = arith.extui %and3A_46 : i1 to i32
    %cond3A_48 = arith.constant 0 : i32
    %cond3A_49 = arith.cmpi ne, %convert_element_type3A_47, %cond3A_48 : i32
    scf.if %cond3A_49 {
      %mul3A_118 = arith.constant 632 : i32
      %mul3A_119 = arith.muli %arg1, %mul3A_118 : i32
      %mul3A_120 = arith.constant 632 : i32
      %mul3A_121 = arith.muli %arg1, %mul3A_120 : i32
      "tpu.region"() ({
        %run_scoped3A = tpu.sem_alloc : memref<!tpu.dma_semaphore, #tpu.memory_space<semaphore_mem>>
        %dma_start3A_122 = arith.constant 0 : i32
        %dma_start3A_123 = tpu.memref_slice %arg25[%mul3A_121, %dma_start3A_122] : memref<10000x64xf32, #tpu.memory_space<vmem_shared>> -> memref<632x64xf32, #tpu.memory_space<vmem_shared>>
        %dma_start3A_124 = arith.constant 0 : i32
        %dma_start3A_125 = tpu.memref_slice %arg3[%mul3A_119, %dma_start3A_124] : memref<10000x64xf32, #tpu.memory_space<hbm>> -> memref<632x64xf32, #tpu.memory_space<hbm>>
        tpu.enqueue_dma source(%dma_start3A_125 : memref<632x64xf32, #tpu.memory_space<hbm>>) target(%dma_start3A_123 : memref<632x64xf32, #tpu.memory_space<vmem_shared>>) target_semaphore(%run_scoped3A : memref<!tpu.dma_semaphore, #tpu.memory_space<semaphore_mem>>)
        %dma_wait3A_126 = arith.constant 0 : i32
        %dma_wait3A_127 = tpu.memref_slice %arg25[%mul3A_121, %dma_wait3A_126] : memref<10000x64xf32, #tpu.memory_space<vmem_shared>> -> memref<632x64xf32, #tpu.memory_space<vmem_shared>>
        %dma_wait3A_128 = arith.constant 0 : i32
        %dma_wait3A_129 = tpu.memref_slice %arg3[%mul3A_119, %dma_wait3A_128] : memref<10000x64xf32, #tpu.memory_space<hbm>> -> memref<632x64xf32, #tpu.memory_space<hbm>>
        tpu.wait_dma2 semaphore(%run_scoped3A : memref<!tpu.dma_semaphore, #tpu.memory_space<semaphore_mem>>) src(%dma_wait3A_129 : memref<632x64xf32, #tpu.memory_space<hbm>>) dst(%dma_wait3A_127 : memref<632x64xf32, #tpu.memory_space<vmem_shared>>)
        tpu.yield
      }) : () -> ()
    } else {
    }
    %eq3A_50 = arith.constant 1 : i32
    %eq3A_51 = arith.cmpi eq, %arg0, %eq3A_50 : i32
    %eq3A_52 = arith.constant 15 : i32
    %eq3A_53 = arith.cmpi eq, %arg1, %eq3A_52 : i32
    %and3A_54 = arith.andi %eq3A_51, %eq3A_53 : i1
    %convert_element_type3A_55 = arith.extui %and3A_54 : i1 to i32
    %cond3A_56 = arith.constant 0 : i32
    %cond3A_57 = arith.cmpi ne, %convert_element_type3A_55, %cond3A_56 : i32
    scf.if %cond3A_57 {
      "tpu.region"() ({
        %run_scoped3A = tpu.sem_alloc : memref<!tpu.dma_semaphore, #tpu.memory_space<semaphore_mem>>
        %dma_start3A_118 = arith.constant 9480 : i32
        %dma_start3A_119 = arith.constant 0 : i32
        %dma_start3A_120 = tpu.memref_slice %arg25[%dma_start3A_118, %dma_start3A_119] : memref<10000x64xf32, #tpu.memory_space<vmem_shared>> -> memref<520x64xf32, #tpu.memory_space<vmem_shared>>
        %dma_start3A_121 = arith.constant 9480 : i32
        %dma_start3A_122 = arith.constant 0 : i32
        %dma_start3A_123 = tpu.memref_slice %arg3[%dma_start3A_121, %dma_start3A_122] : memref<10000x64xf32, #tpu.memory_space<hbm>> -> memref<520x64xf32, #tpu.memory_space<hbm>>
        tpu.enqueue_dma source(%dma_start3A_123 : memref<520x64xf32, #tpu.memory_space<hbm>>) target(%dma_start3A_120 : memref<520x64xf32, #tpu.memory_space<vmem_shared>>) target_semaphore(%run_scoped3A : memref<!tpu.dma_semaphore, #tpu.memory_space<semaphore_mem>>)
        %dma_wait3A_124 = arith.constant 9480 : i32
        %dma_wait3A_125 = arith.constant 0 : i32
        %dma_wait3A_126 = tpu.memref_slice %arg25[%dma_wait3A_124, %dma_wait3A_125] : memref<10000x64xf32, #tpu.memory_space<vmem_shared>> -> memref<520x64xf32, #tpu.memory_space<vmem_shared>>
        %dma_wait3A_127 = arith.constant 9480 : i32
        %dma_wait3A_128 = arith.constant 0 : i32
        %dma_wait3A_129 = tpu.memref_slice %arg3[%dma_wait3A_127, %dma_wait3A_128] : memref<10000x64xf32, #tpu.memory_space<hbm>> -> memref<520x64xf32, #tpu.memory_space<hbm>>
        tpu.wait_dma2 semaphore(%run_scoped3A : memref<!tpu.dma_semaphore, #tpu.memory_space<semaphore_mem>>) src(%dma_wait3A_129 : memref<520x64xf32, #tpu.memory_space<hbm>>) dst(%dma_wait3A_126 : memref<520x64xf32, #tpu.memory_space<vmem_shared>>)
        tpu.yield
      }) : () -> ()
    } else {
    }
    %mul3A_58 = arith.constant 632 : i32
    %mul3A_59 = arith.muli %arg1, %mul3A_58 : i32
    %mul3A_60 = arith.constant 632 : i32
    %mul3A_61 = arith.muli %arg1, %mul3A_60 : i32
    %dma_wait3A = arith.constant 0 : i32
    %dma_wait3A_62 = tpu.memref_slice %arg26[%mul3A_61, %dma_wait3A] : memref<10112x64xf32, #tpu.memory_space<vmem_shared>> -> memref<632x64xf32, #tpu.memory_space<vmem_shared>>
    %dma_wait3A_63 = arith.constant 0 : i32
    %dma_wait3A_64 = tpu.memref_slice %arg6[%mul3A_59, %dma_wait3A_63] : memref<10112x64xf32, #tpu.memory_space<hbm>> -> memref<632x64xf32, #tpu.memory_space<hbm>>
    tpu.wait_dma2 semaphore(%arg16 : memref<!tpu.dma_semaphore, #tpu.memory_space<semaphore_mem>>) src(%dma_wait3A_64 : memref<632x64xf32, #tpu.memory_space<hbm>>) dst(%dma_wait3A_62 : memref<632x64xf32, #tpu.memory_space<vmem_shared>>)
    %lt3A_65 = arith.constant 12 : i32
    %lt3A_66 = arith.cmpi slt, %arg1, %lt3A_65 : i32
    %convert_element_type3A_67 = arith.extui %lt3A_66 : i1 to i32
    %cond3A_68 = arith.constant 0 : i32
    %cond3A_69 = arith.cmpi ne, %convert_element_type3A_67, %cond3A_68 : i32
    scf.if %cond3A_69 {
      %dma_wait3A_118 = arith.constant 0 : i32
      %dma_wait3A_119 = arith.constant 0 : i32
      %dma_wait3A_120 = tpu.memref_slice %arg5[%dma_wait3A_118, %dma_wait3A_119] : memref<2500x128xi32, #tpu.memory_space<hbm>> -> memref<157x128xi32, #tpu.memory_space<hbm>>
      %dma_wait3A_121 = arith.constant 0 : i32
      %dma_wait3A_122 = arith.constant 0 : i32
      %dma_wait3A_123 = tpu.memref_slice %arg5[%dma_wait3A_121, %dma_wait3A_122] : memref<2500x128xi32, #tpu.memory_space<hbm>> -> memref<157x128xi32, #tpu.memory_space<hbm>>
      tpu.wait_dma2 semaphore(%arg17 : memref<!tpu.dma_semaphore, #tpu.memory_space<semaphore_mem>>) src(%dma_wait3A_123 : memref<157x128xi32, #tpu.memory_space<hbm>>) dst(%arg9 : memref<157x128xi32, #tpu.memory_space<vmem>>)
    } else {
    }
    %ge3A_70 = arith.constant 12 : i32
    %ge3A_71 = arith.cmpi sge, %arg1, %ge3A_70 : i32
    %convert_element_type3A_72 = arith.extui %ge3A_71 : i1 to i32
    %cond3A_73 = arith.constant 0 : i32
    %cond3A_74 = arith.cmpi ne, %convert_element_type3A_72, %cond3A_73 : i32
    scf.if %cond3A_74 {
      %dma_wait3A_118 = arith.constant 0 : i32
      %dma_wait3A_119 = arith.constant 0 : i32
      %dma_wait3A_120 = tpu.memref_slice %arg9[%dma_wait3A_118, %dma_wait3A_119] : memref<157x128xi32, #tpu.memory_space<vmem>> -> memref<154x128xi32, #tpu.memory_space<vmem>>
      %dma_wait3A_121 = arith.constant 0 : i32
      %dma_wait3A_122 = arith.constant 0 : i32
      %dma_wait3A_123 = tpu.memref_slice %arg5[%dma_wait3A_121, %dma_wait3A_122] : memref<2500x128xi32, #tpu.memory_space<hbm>> -> memref<154x128xi32, #tpu.memory_space<hbm>>
      %dma_wait3A_124 = arith.constant 0 : i32
      %dma_wait3A_125 = arith.constant 0 : i32
      %dma_wait3A_126 = tpu.memref_slice %arg9[%dma_wait3A_124, %dma_wait3A_125] : memref<157x128xi32, #tpu.memory_space<vmem>> -> memref<154x128xi32, #tpu.memory_space<vmem>>
      %dma_wait3A_127 = arith.constant 0 : i32
      %dma_wait3A_128 = arith.constant 0 : i32
      %dma_wait3A_129 = tpu.memref_slice %arg5[%dma_wait3A_127, %dma_wait3A_128] : memref<2500x128xi32, #tpu.memory_space<hbm>> -> memref<154x128xi32, #tpu.memory_space<hbm>>
      tpu.wait_dma2 semaphore(%arg17 : memref<!tpu.dma_semaphore, #tpu.memory_space<semaphore_mem>>) src(%dma_wait3A_129 : memref<154x128xi32, #tpu.memory_space<hbm>>) dst(%dma_wait3A_126 : memref<154x128xi32, #tpu.memory_space<vmem>>)
    } else {
    }
    %barrier3A = arith.constant 0 : index
    tpu.barrier barrier_id(%barrier3A)
    %lt3A_75 = arith.constant 12 : i32
    %lt3A_76 = arith.cmpi slt, %arg1, %lt3A_75 : i32
    %convert_element_type3A_77 = arith.extui %lt3A_76 : i1 to i32
    %cond3A_78 = arith.constant 0 : i32
    %cond3A_79 = arith.cmpi ne, %convert_element_type3A_77, %cond3A_78 : i32
    scf.if %cond3A_79 {
      %dma_wait3A_118 = arith.constant 0 : i32
      %dma_wait3A_119 = arith.constant 0 : i32
      %dma_wait3A_120 = tpu.memref_slice %arg4[%dma_wait3A_118, %dma_wait3A_119] : memref<2500x128xi32, #tpu.memory_space<hbm>> -> memref<1x128xi32, #tpu.memory_space<hbm>>
      %dma_wait3A_121 = tpu.memref_squeeze %dma_wait3A_120 : memref<1x128xi32, #tpu.memory_space<hbm>> -> memref<128xi32, #tpu.memory_space<hbm>>
      %dma_wait3A_122 = arith.constant 0 : i32
      %dma_wait3A_123 = tpu.memref_slice %arg4[%dma_wait3A_118, %dma_wait3A_122] : memref<2500x128xi32, #tpu.memory_space<hbm>> -> memref<1x128xi32, #tpu.memory_space<hbm>>
      %dma_wait3A_124 = tpu.memref_squeeze %dma_wait3A_123 : memref<1x128xi32, #tpu.memory_space<hbm>> -> memref<128xi32, #tpu.memory_space<hbm>>
      tpu.wait_dma2 semaphore(%arg22 : memref<!tpu.dma_semaphore, #tpu.memory_space<semaphore_mem>>) src(%dma_wait3A_124 : memref<128xi32, #tpu.memory_space<hbm>>) dst(%arg10 : memref<128xi32, #tpu.memory_space<vmem>>)
      %dma_start3A_125 = arith.constant 0 : i32
      %dma_start3A_126 = arith.constant 0 : i32
      %dma_start3A_127 = tpu.memref_slice %arg25[%dma_start3A_125, %dma_start3A_126] : memref<10000x64xf32, #tpu.memory_space<vmem_shared>> -> memref<10000x64xf32, #tpu.memory_space<vmem_shared>>
      tpu.enqueue_indirect_dma source(%dma_start3A_127 : memref<10000x64xf32, #tpu.memory_space<vmem_shared>>) target(%arg13 : memref<128x64xf32, #tpu.memory_space<vmem>>) offsets(%arg10 : memref<128xi32, #tpu.memory_space<vmem>>) semaphore(%arg16 : memref<!tpu.dma_semaphore, #tpu.memory_space<semaphore_mem>>)
      %add3A_128 = arith.constant 1 : i32
      %add3A_129 = arith.addi %select_n3A, %add3A_128 : i32
      %dma_start3A_130 = arith.constant 0 : i32
      %dma_start3A_131 = tpu.memref_slice %arg4[%add3A_129, %dma_start3A_130] : memref<2500x128xi32, #tpu.memory_space<hbm>> -> memref<1x128xi32, #tpu.memory_space<hbm>>
      %dma_start3A_132 = tpu.memref_squeeze %dma_start3A_131 : memref<1x128xi32, #tpu.memory_space<hbm>> -> memref<128xi32, #tpu.memory_space<hbm>>
      %dma_start3A_133 = arith.constant 0 : i32
      %dma_start3A_134 = tpu.memref_slice %arg4[%add3A_129, %dma_start3A_133] : memref<2500x128xi32, #tpu.memory_space<hbm>> -> memref<1x128xi32, #tpu.memory_space<hbm>>
      %dma_start3A_135 = tpu.memref_squeeze %dma_start3A_134 : memref<1x128xi32, #tpu.memory_space<hbm>> -> memref<128xi32, #tpu.memory_space<hbm>>
      tpu.enqueue_dma source(%dma_start3A_135 : memref<128xi32, #tpu.memory_space<hbm>>) target(%arg11 : memref<128xi32, #tpu.memory_space<vmem>>) target_semaphore(%arg23 : memref<!tpu.dma_semaphore, #tpu.memory_space<semaphore_mem>>)
      %dma_wait3A_136 = arith.constant 0 : i32
      %dma_wait3A_137 = arith.constant 0 : i32
      %dma_wait3A_138 = tpu.memref_slice %arg4[%dma_wait3A_136, %dma_wait3A_137] : memref<2500x128xi32, #tpu.memory_space<hbm>> -> memref<1x128xi32, #tpu.memory_space<hbm>>
      %dma_wait3A_139 = tpu.memref_squeeze %dma_wait3A_138 : memref<1x128xi32, #tpu.memory_space<hbm>> -> memref<128xi32, #tpu.memory_space<hbm>>
      %dma_wait3A_140 = arith.constant 0 : i32
      %dma_wait3A_141 = tpu.memref_slice %arg4[%dma_wait3A_136, %dma_wait3A_140] : memref<2500x128xi32, #tpu.memory_space<hbm>> -> memref<1x128xi32, #tpu.memory_space<hbm>>
      %dma_wait3A_142 = tpu.memref_squeeze %dma_wait3A_141 : memref<1x128xi32, #tpu.memory_space<hbm>> -> memref<128xi32, #tpu.memory_space<hbm>>
      tpu.wait_dma2 semaphore(%arg23 : memref<!tpu.dma_semaphore, #tpu.memory_space<semaphore_mem>>) src(%dma_wait3A_142 : memref<128xi32, #tpu.memory_space<hbm>>) dst(%arg11 : memref<128xi32, #tpu.memory_space<vmem>>)
      %dma_start3A_143 = arith.constant 0 : i32
      %dma_start3A_144 = arith.constant 0 : i32
      %dma_start3A_145 = tpu.memref_slice %arg25[%dma_start3A_143, %dma_start3A_144] : memref<10000x64xf32, #tpu.memory_space<vmem_shared>> -> memref<10000x64xf32, #tpu.memory_space<vmem_shared>>
      tpu.enqueue_indirect_dma source(%dma_start3A_145 : memref<10000x64xf32, #tpu.memory_space<vmem_shared>>) target(%arg14 : memref<128x64xf32, #tpu.memory_space<vmem>>) offsets(%arg11 : memref<128xi32, #tpu.memory_space<vmem>>) semaphore(%arg17 : memref<!tpu.dma_semaphore, #tpu.memory_space<semaphore_mem>>)
      %add3A_146 = arith.constant 2 : i32
      %add3A_147 = arith.addi %select_n3A, %add3A_146 : i32
      %dma_start3A_148 = arith.constant 0 : i32
      %dma_start3A_149 = tpu.memref_slice %arg4[%add3A_147, %dma_start3A_148] : memref<2500x128xi32, #tpu.memory_space<hbm>> -> memref<1x128xi32, #tpu.memory_space<hbm>>
      %dma_start3A_150 = tpu.memref_squeeze %dma_start3A_149 : memref<1x128xi32, #tpu.memory_space<hbm>> -> memref<128xi32, #tpu.memory_space<hbm>>
      %dma_start3A_151 = arith.constant 0 : i32
      %dma_start3A_152 = tpu.memref_slice %arg4[%add3A_147, %dma_start3A_151] : memref<2500x128xi32, #tpu.memory_space<hbm>> -> memref<1x128xi32, #tpu.memory_space<hbm>>
      %dma_start3A_153 = tpu.memref_squeeze %dma_start3A_152 : memref<1x128xi32, #tpu.memory_space<hbm>> -> memref<128xi32, #tpu.memory_space<hbm>>
      tpu.enqueue_dma source(%dma_start3A_153 : memref<128xi32, #tpu.memory_space<hbm>>) target(%arg12 : memref<128xi32, #tpu.memory_space<vmem>>) target_semaphore(%arg24 : memref<!tpu.dma_semaphore, #tpu.memory_space<semaphore_mem>>)
      %dma_wait3A_154 = arith.constant 0 : i32
      %dma_wait3A_155 = arith.constant 0 : i32
      %dma_wait3A_156 = tpu.memref_slice %arg25[%dma_wait3A_154, %dma_wait3A_155] : memref<10000x64xf32, #tpu.memory_space<vmem_shared>> -> memref<10000x64xf32, #tpu.memory_space<vmem_shared>>
      tpu.wait_indirect_dma semaphore(%arg16 : memref<!tpu.dma_semaphore, #tpu.memory_space<semaphore_mem>>) src(%dma_wait3A_156 : memref<10000x64xf32, #tpu.memory_space<vmem_shared>>) dst(%arg13 : memref<128x64xf32, #tpu.memory_space<vmem>>)
      %dma_start3A_157 = arith.constant 0 : i32
      %dma_start3A_158 = arith.constant 0 : i32
      %dma_start3A_159 = tpu.memref_slice %arg9[%dma_start3A_157, %dma_start3A_158] : memref<157x128xi32, #tpu.memory_space<vmem>> -> memref<1x128xi32, #tpu.memory_space<vmem>>
      %dma_start3A_160 = tpu.memref_squeeze %dma_start3A_159 : memref<1x128xi32, #tpu.memory_space<vmem>> -> memref<128xi32, #tpu.memory_space<vmem>>
      %dma_start3A_161 = arith.constant 0 : i32
      %dma_start3A_162 = arith.constant 0 : i32
      %dma_start3A_163 = tpu.memref_slice %arg26[%dma_start3A_161, %dma_start3A_162] : memref<10112x64xf32, #tpu.memory_space<vmem_shared>> -> memref<10112x64xf32, #tpu.memory_space<vmem_shared>>
      tpu.enqueue_indirect_dma source(%arg13 : memref<128x64xf32, #tpu.memory_space<vmem>>) target(%dma_start3A_163 : memref<10112x64xf32, #tpu.memory_space<vmem_shared>>) offsets(%dma_start3A_160 : memref<128xi32, #tpu.memory_space<vmem>>) semaphore(%arg19 : memref<!tpu.dma_semaphore, #tpu.memory_space<semaphore_mem>>) {add = true}
      %dma_wait3A_164 = arith.constant 0 : i32
      %dma_wait3A_165 = arith.constant 0 : i32
      %dma_wait3A_166 = tpu.memref_slice %arg4[%dma_wait3A_164, %dma_wait3A_165] : memref<2500x128xi32, #tpu.memory_space<hbm>> -> memref<1x128xi32, #tpu.memory_space<hbm>>
      %dma_wait3A_167 = tpu.memref_squeeze %dma_wait3A_166 : memref<1x128xi32, #tpu.memory_space<hbm>> -> memref<128xi32, #tpu.memory_space<hbm>>
      %dma_wait3A_168 = arith.constant 0 : i32
      %dma_wait3A_169 = tpu.memref_slice %arg4[%dma_wait3A_164, %dma_wait3A_168] : memref<2500x128xi32, #tpu.memory_space<hbm>> -> memref<1x128xi32, #tpu.memory_space<hbm>>
      %dma_wait3A_170 = tpu.memref_squeeze %dma_wait3A_169 : memref<1x128xi32, #tpu.memory_space<hbm>> -> memref<128xi32, #tpu.memory_space<hbm>>
      tpu.wait_dma2 semaphore(%arg24 : memref<!tpu.dma_semaphore, #tpu.memory_space<semaphore_mem>>) src(%dma_wait3A_170 : memref<128xi32, #tpu.memory_space<hbm>>) dst(%arg12 : memref<128xi32, #tpu.memory_space<vmem>>)
      %dma_start3A_171 = arith.constant 0 : i32
      %dma_start3A_172 = arith.constant 0 : i32
      %dma_start3A_173 = tpu.memref_slice %arg25[%dma_start3A_171, %dma_start3A_172] : memref<10000x64xf32, #tpu.memory_space<vmem_shared>> -> memref<10000x64xf32, #tpu.memory_space<vmem_shared>>
      tpu.enqueue_indirect_dma source(%dma_start3A_173 : memref<10000x64xf32, #tpu.memory_space<vmem_shared>>) target(%arg15 : memref<128x64xf32, #tpu.memory_space<vmem>>) offsets(%arg12 : memref<128xi32, #tpu.memory_space<vmem>>) semaphore(%arg18 : memref<!tpu.dma_semaphore, #tpu.memory_space<semaphore_mem>>)
      %add3A_174 = arith.constant 3 : i32
      %add3A_175 = arith.addi %select_n3A, %add3A_174 : i32
      %dma_start3A_176 = arith.constant 0 : i32
      %dma_start3A_177 = tpu.memref_slice %arg4[%add3A_175, %dma_start3A_176] : memref<2500x128xi32, #tpu.memory_space<hbm>> -> memref<1x128xi32, #tpu.memory_space<hbm>>
      %dma_start3A_178 = tpu.memref_squeeze %dma_start3A_177 : memref<1x128xi32, #tpu.memory_space<hbm>> -> memref<128xi32, #tpu.memory_space<hbm>>
      %dma_start3A_179 = arith.constant 0 : i32
      %dma_start3A_180 = tpu.memref_slice %arg4[%add3A_175, %dma_start3A_179] : memref<2500x128xi32, #tpu.memory_space<hbm>> -> memref<1x128xi32, #tpu.memory_space<hbm>>
      %dma_start3A_181 = tpu.memref_squeeze %dma_start3A_180 : memref<1x128xi32, #tpu.memory_space<hbm>> -> memref<128xi32, #tpu.memory_space<hbm>>
      tpu.enqueue_dma source(%dma_start3A_181 : memref<128xi32, #tpu.memory_space<hbm>>) target(%arg10 : memref<128xi32, #tpu.memory_space<vmem>>) target_semaphore(%arg22 : memref<!tpu.dma_semaphore, #tpu.memory_space<semaphore_mem>>)
      %dma_wait3A_182 = arith.constant 0 : i32
      %dma_wait3A_183 = arith.constant 0 : i32
      %dma_wait3A_184 = tpu.memref_slice %arg25[%dma_wait3A_182, %dma_wait3A_183] : memref<10000x64xf32, #tpu.memory_space<vmem_shared>> -> memref<10000x64xf32, #tpu.memory_space<vmem_shared>>
      tpu.wait_indirect_dma semaphore(%arg17 : memref<!tpu.dma_semaphore, #tpu.memory_space<semaphore_mem>>) src(%dma_wait3A_184 : memref<10000x64xf32, #tpu.memory_space<vmem_shared>>) dst(%arg14 : memref<128x64xf32, #tpu.memory_space<vmem>>)
      %dma_start3A_185 = arith.constant 1 : i32
      %dma_start3A_186 = arith.constant 0 : i32
      %dma_start3A_187 = tpu.memref_slice %arg9[%dma_start3A_185, %dma_start3A_186] : memref<157x128xi32, #tpu.memory_space<vmem>> -> memref<1x128xi32, #tpu.memory_space<vmem>>
      %dma_start3A_188 = tpu.memref_squeeze %dma_start3A_187 : memref<1x128xi32, #tpu.memory_space<vmem>> -> memref<128xi32, #tpu.memory_space<vmem>>
      %dma_start3A_189 = arith.constant 0 : i32
      %dma_start3A_190 = arith.constant 0 : i32
      %dma_start3A_191 = tpu.memref_slice %arg26[%dma_start3A_189, %dma_start3A_190] : memref<10112x64xf32, #tpu.memory_space<vmem_shared>> -> memref<10112x64xf32, #tpu.memory_space<vmem_shared>>
      tpu.enqueue_indirect_dma source(%arg14 : memref<128x64xf32, #tpu.memory_space<vmem>>) target(%dma_start3A_191 : memref<10112x64xf32, #tpu.memory_space<vmem_shared>>) offsets(%dma_start3A_188 : memref<128xi32, #tpu.memory_space<vmem>>) semaphore(%arg20 : memref<!tpu.dma_semaphore, #tpu.memory_space<semaphore_mem>>) {add = true}
      %scan3A = arith.constant 0 : i32
      %scan3A_192 = arith.constant 0 : i32
      %scan3A_193 = arith.constant 51 : i32
      %scan3A_194 = arith.addi %scan3A_192, %scan3A_193 : i32
      %scan3A_195 = arith.constant 1 : i32
      scf.for %scan3A_255 = %scan3A_192 to %scan3A_194 step %scan3A_195  : i32 {
        %mul3A_256 = arith.constant 3 : i32
        %mul3A_257 = arith.muli %scan3A_255, %mul3A_256 : i32
        %add3A_258 = arith.constant 2 : i32
        %add3A_259 = arith.addi %add3A_258, %mul3A_257 : i32
        %add3A_260 = arith.constant 0 : i32
        %add3A_261 = arith.addi %add3A_259, %add3A_260 : i32
        %dma_wait3A_262 = arith.constant 0 : i32
        %dma_wait3A_263 = arith.constant 0 : i32
        %dma_wait3A_264 = tpu.memref_slice %arg9[%dma_wait3A_262, %dma_wait3A_263] : memref<157x128xi32, #tpu.memory_space<vmem>> -> memref<1x128xi32, #tpu.memory_space<vmem>>
        %dma_wait3A_265 = tpu.memref_squeeze %dma_wait3A_264 : memref<1x128xi32, #tpu.memory_space<vmem>> -> memref<128xi32, #tpu.memory_space<vmem>>
        %dma_wait3A_266 = arith.constant 0 : i32
        %dma_wait3A_267 = arith.constant 0 : i32
        %dma_wait3A_268 = tpu.memref_slice %arg26[%dma_wait3A_266, %dma_wait3A_267] : memref<10112x64xf32, #tpu.memory_space<vmem_shared>> -> memref<10112x64xf32, #tpu.memory_space<vmem_shared>>
        tpu.wait_indirect_dma semaphore(%arg19 : memref<!tpu.dma_semaphore, #tpu.memory_space<semaphore_mem>>) src(%arg13 : memref<128x64xf32, #tpu.memory_space<vmem>>) dst(%dma_wait3A_268 : memref<10112x64xf32, #tpu.memory_space<vmem_shared>>)
        %dma_wait3A_269 = arith.constant 0 : i32
        %dma_wait3A_270 = arith.constant 0 : i32
        %dma_wait3A_271 = tpu.memref_slice %arg4[%dma_wait3A_269, %dma_wait3A_270] : memref<2500x128xi32, #tpu.memory_space<hbm>> -> memref<1x128xi32, #tpu.memory_space<hbm>>
        %dma_wait3A_272 = tpu.memref_squeeze %dma_wait3A_271 : memref<1x128xi32, #tpu.memory_space<hbm>> -> memref<128xi32, #tpu.memory_space<hbm>>
        %dma_wait3A_273 = arith.constant 0 : i32
        %dma_wait3A_274 = tpu.memref_slice %arg4[%dma_wait3A_269, %dma_wait3A_273] : memref<2500x128xi32, #tpu.memory_space<hbm>> -> memref<1x128xi32, #tpu.memory_space<hbm>>
        %dma_wait3A_275 = tpu.memref_squeeze %dma_wait3A_274 : memref<1x128xi32, #tpu.memory_space<hbm>> -> memref<128xi32, #tpu.memory_space<hbm>>
        tpu.wait_dma2 semaphore(%arg22 : memref<!tpu.dma_semaphore, #tpu.memory_space<semaphore_mem>>) src(%dma_wait3A_275 : memref<128xi32, #tpu.memory_space<hbm>>) dst(%arg10 : memref<128xi32, #tpu.memory_space<vmem>>)
        %add3A_276 = arith.constant 1 : i32
        %add3A_277 = arith.addi %add3A_261, %add3A_276 : i32
        %dma_start3A_278 = arith.constant 0 : i32
        %dma_start3A_279 = arith.constant 0 : i32
        %dma_start3A_280 = tpu.memref_slice %arg25[%dma_start3A_278, %dma_start3A_279] : memref<10000x64xf32, #tpu.memory_space<vmem_shared>> -> memref<10000x64xf32, #tpu.memory_space<vmem_shared>>
        tpu.enqueue_indirect_dma source(%dma_start3A_280 : memref<10000x64xf32, #tpu.memory_space<vmem_shared>>) target(%arg13 : memref<128x64xf32, #tpu.memory_space<vmem>>) offsets(%arg10 : memref<128xi32, #tpu.memory_space<vmem>>) semaphore(%arg16 : memref<!tpu.dma_semaphore, #tpu.memory_space<semaphore_mem>>)
        %add3A_281 = arith.constant 2 : i32
        %add3A_282 = arith.addi %add3A_261, %add3A_281 : i32
        %add3A_283 = arith.addi %select_n3A, %add3A_282 : i32
        %dma_start3A_284 = arith.constant 0 : i32
        %dma_start3A_285 = tpu.memref_slice %arg4[%add3A_283, %dma_start3A_284] : memref<2500x128xi32, #tpu.memory_space<hbm>> -> memref<1x128xi32, #tpu.memory_space<hbm>>
        %dma_start3A_286 = tpu.memref_squeeze %dma_start3A_285 : memref<1x128xi32, #tpu.memory_space<hbm>> -> memref<128xi32, #tpu.memory_space<hbm>>
        %dma_start3A_287 = arith.constant 0 : i32
        %dma_start3A_288 = tpu.memref_slice %arg4[%add3A_283, %dma_start3A_287] : memref<2500x128xi32, #tpu.memory_space<hbm>> -> memref<1x128xi32, #tpu.memory_space<hbm>>
        %dma_start3A_289 = tpu.memref_squeeze %dma_start3A_288 : memref<1x128xi32, #tpu.memory_space<hbm>> -> memref<128xi32, #tpu.memory_space<hbm>>
        tpu.enqueue_dma source(%dma_start3A_289 : memref<128xi32, #tpu.memory_space<hbm>>) target(%arg11 : memref<128xi32, #tpu.memory_space<vmem>>) target_semaphore(%arg23 : memref<!tpu.dma_semaphore, #tpu.memory_space<semaphore_mem>>)
        %dma_wait3A_290 = arith.constant 0 : i32
        %dma_wait3A_291 = arith.constant 0 : i32
        %dma_wait3A_292 = tpu.memref_slice %arg25[%dma_wait3A_290, %dma_wait3A_291] : memref<10000x64xf32, #tpu.memory_space<vmem_shared>> -> memref<10000x64xf32, #tpu.memory_space<vmem_shared>>
        tpu.wait_indirect_dma semaphore(%arg18 : memref<!tpu.dma_semaphore, #tpu.memory_space<semaphore_mem>>) src(%dma_wait3A_292 : memref<10000x64xf32, #tpu.memory_space<vmem_shared>>) dst(%arg15 : memref<128x64xf32, #tpu.memory_space<vmem>>)
        %dma_start3A_293 = arith.constant 0 : i32
        %dma_start3A_294 = tpu.memref_slice %arg9[%add3A_261, %dma_start3A_293] : memref<157x128xi32, #tpu.memory_space<vmem>> -> memref<1x128xi32, #tpu.memory_space<vmem>>
        %dma_start3A_295 = tpu.memref_squeeze %dma_start3A_294 : memref<1x128xi32, #tpu.memory_space<vmem>> -> memref<128xi32, #tpu.memory_space<vmem>>
        %dma_start3A_296 = arith.constant 0 : i32
        %dma_start3A_297 = arith.constant 0 : i32
        %dma_start3A_298 = tpu.memref_slice %arg26[%dma_start3A_296, %dma_start3A_297] : memref<10112x64xf32, #tpu.memory_space<vmem_shared>> -> memref<10112x64xf32, #tpu.memory_space<vmem_shared>>
        tpu.enqueue_indirect_dma source(%arg15 : memref<128x64xf32, #tpu.memory_space<vmem>>) target(%dma_start3A_298 : memref<10112x64xf32, #tpu.memory_space<vmem_shared>>) offsets(%dma_start3A_295 : memref<128xi32, #tpu.memory_space<vmem>>) semaphore(%arg21 : memref<!tpu.dma_semaphore, #tpu.memory_space<semaphore_mem>>) {add = true}
        %add3A_299 = arith.constant 1 : i32
        %add3A_300 = arith.addi %add3A_259, %add3A_299 : i32
        %dma_wait3A_301 = arith.constant 0 : i32
        %dma_wait3A_302 = arith.constant 0 : i32
        %dma_wait3A_303 = tpu.memref_slice %arg9[%dma_wait3A_301, %dma_wait3A_302] : memref<157x128xi32, #tpu.memory_space<vmem>> -> memref<1x128xi32, #tpu.memory_space<vmem>>
        %dma_wait3A_304 = tpu.memref_squeeze %dma_wait3A_303 : memref<1x128xi32, #tpu.memory_space<vmem>> -> memref<128xi32, #tpu.memory_space<vmem>>
        %dma_wait3A_305 = arith.constant 0 : i32
        %dma_wait3A_306 = arith.constant 0 : i32
        %dma_wait3A_307 = tpu.memref_slice %arg26[%dma_wait3A_305, %dma_wait3A_306] : memref<10112x64xf32, #tpu.memory_space<vmem_shared>> -> memref<10112x64xf32, #tpu.memory_space<vmem_shared>>
        tpu.wait_indirect_dma semaphore(%arg20 : memref<!tpu.dma_semaphore, #tpu.memory_space<semaphore_mem>>) src(%arg14 : memref<128x64xf32, #tpu.memory_space<vmem>>) dst(%dma_wait3A_307 : memref<10112x64xf32, #tpu.memory_space<vmem_shared>>)
        %dma_wait3A_308 = arith.constant 0 : i32
        %dma_wait3A_309 = arith.constant 0 : i32
        %dma_wait3A_310 = tpu.memref_slice %arg4[%dma_wait3A_308, %dma_wait3A_309] : memref<2500x128xi32, #tpu.memory_space<hbm>> -> memref<1x128xi32, #tpu.memory_space<hbm>>
        %dma_wait3A_311 = tpu.memref_squeeze %dma_wait3A_310 : memref<1x128xi32, #tpu.memory_space<hbm>> -> memref<128xi32, #tpu.memory_space<hbm>>
        %dma_wait3A_312 = arith.constant 0 : i32
        %dma_wait3A_313 = tpu.memref_slice %arg4[%dma_wait3A_308, %dma_wait3A_312] : memref<2500x128xi32, #tpu.memory_space<hbm>> -> memref<1x128xi32, #tpu.memory_space<hbm>>
        %dma_wait3A_314 = tpu.memref_squeeze %dma_wait3A_313 : memref<1x128xi32, #tpu.memory_space<hbm>> -> memref<128xi32, #tpu.memory_space<hbm>>
        tpu.wait_dma2 semaphore(%arg23 : memref<!tpu.dma_semaphore, #tpu.memory_space<semaphore_mem>>) src(%dma_wait3A_314 : memref<128xi32, #tpu.memory_space<hbm>>) dst(%arg11 : memref<128xi32, #tpu.memory_space<vmem>>)
        %add3A_315 = arith.constant 1 : i32
        %add3A_316 = arith.addi %add3A_300, %add3A_315 : i32
        %dma_start3A_317 = arith.constant 0 : i32
        %dma_start3A_318 = arith.constant 0 : i32
        %dma_start3A_319 = tpu.memref_slice %arg25[%dma_start3A_317, %dma_start3A_318] : memref<10000x64xf32, #tpu.memory_space<vmem_shared>> -> memref<10000x64xf32, #tpu.memory_space<vmem_shared>>
        tpu.enqueue_indirect_dma source(%dma_start3A_319 : memref<10000x64xf32, #tpu.memory_space<vmem_shared>>) target(%arg14 : memref<128x64xf32, #tpu.memory_space<vmem>>) offsets(%arg11 : memref<128xi32, #tpu.memory_space<vmem>>) semaphore(%arg17 : memref<!tpu.dma_semaphore, #tpu.memory_space<semaphore_mem>>)
        %add3A_320 = arith.constant 2 : i32
        %add3A_321 = arith.addi %add3A_300, %add3A_320 : i32
        %add3A_322 = arith.addi %select_n3A, %add3A_321 : i32
        %dma_start3A_323 = arith.constant 0 : i32
        %dma_start3A_324 = tpu.memref_slice %arg4[%add3A_322, %dma_start3A_323] : memref<2500x128xi32, #tpu.memory_space<hbm>> -> memref<1x128xi32, #tpu.memory_space<hbm>>
        %dma_start3A_325 = tpu.memref_squeeze %dma_start3A_324 : memref<1x128xi32, #tpu.memory_space<hbm>> -> memref<128xi32, #tpu.memory_space<hbm>>
        %dma_start3A_326 = arith.constant 0 : i32
        %dma_start3A_327 = tpu.memref_slice %arg4[%add3A_322, %dma_start3A_326] : memref<2500x128xi32, #tpu.memory_space<hbm>> -> memref<1x128xi32, #tpu.memory_space<hbm>>
        %dma_start3A_328 = tpu.memref_squeeze %dma_start3A_327 : memref<1x128xi32, #tpu.memory_space<hbm>> -> memref<128xi32, #tpu.memory_space<hbm>>
        tpu.enqueue_dma source(%dma_start3A_328 : memref<128xi32, #tpu.memory_space<hbm>>) target(%arg12 : memref<128xi32, #tpu.memory_space<vmem>>) target_semaphore(%arg24 : memref<!tpu.dma_semaphore, #tpu.memory_space<semaphore_mem>>)
        %dma_wait3A_329 = arith.constant 0 : i32
        %dma_wait3A_330 = arith.constant 0 : i32
        %dma_wait3A_331 = tpu.memref_slice %arg25[%dma_wait3A_329, %dma_wait3A_330] : memref<10000x64xf32, #tpu.memory_space<vmem_shared>> -> memref<10000x64xf32, #tpu.memory_space<vmem_shared>>
        tpu.wait_indirect_dma semaphore(%arg16 : memref<!tpu.dma_semaphore, #tpu.memory_space<semaphore_mem>>) src(%dma_wait3A_331 : memref<10000x64xf32, #tpu.memory_space<vmem_shared>>) dst(%arg13 : memref<128x64xf32, #tpu.memory_space<vmem>>)
        %dma_start3A_332 = arith.constant 0 : i32
        %dma_start3A_333 = tpu.memref_slice %arg9[%add3A_300, %dma_start3A_332] : memref<157x128xi32, #tpu.memory_space<vmem>> -> memref<1x128xi32, #tpu.memory_space<vmem>>
        %dma_start3A_334 = tpu.memref_squeeze %dma_start3A_333 : memref<1x128xi32, #tpu.memory_space<vmem>> -> memref<128xi32, #tpu.memory_space<vmem>>
        %dma_start3A_335 = arith.constant 0 : i32
        %dma_start3A_336 = arith.constant 0 : i32
        %dma_start3A_337 = tpu.memref_slice %arg26[%dma_start3A_335, %dma_start3A_336] : memref<10112x64xf32, #tpu.memory_space<vmem_shared>> -> memref<10112x64xf32, #tpu.memory_space<vmem_shared>>
        tpu.enqueue_indirect_dma source(%arg13 : memref<128x64xf32, #tpu.memory_space<vmem>>) target(%dma_start3A_337 : memref<10112x64xf32, #tpu.memory_space<vmem_shared>>) offsets(%dma_start3A_334 : memref<128xi32, #tpu.memory_space<vmem>>) semaphore(%arg19 : memref<!tpu.dma_semaphore, #tpu.memory_space<semaphore_mem>>) {add = true}
        %add3A_338 = arith.constant 2 : i32
        %add3A_339 = arith.addi %add3A_259, %add3A_338 : i32
        %dma_wait3A_340 = arith.constant 0 : i32
        %dma_wait3A_341 = arith.constant 0 : i32
        %dma_wait3A_342 = tpu.memref_slice %arg9[%dma_wait3A_340, %dma_wait3A_341] : memref<157x128xi32, #tpu.memory_space<vmem>> -> memref<1x128xi32, #tpu.memory_space<vmem>>
        %dma_wait3A_343 = tpu.memref_squeeze %dma_wait3A_342 : memref<1x128xi32, #tpu.memory_space<vmem>> -> memref<128xi32, #tpu.memory_space<vmem>>
        %dma_wait3A_344 = arith.constant 0 : i32
        %dma_wait3A_345 = arith.constant 0 : i32
        %dma_wait3A_346 = tpu.memref_slice %arg26[%dma_wait3A_344, %dma_wait3A_345] : memref<10112x64xf32, #tpu.memory_space<vmem_shared>> -> memref<10112x64xf32, #tpu.memory_space<vmem_shared>>
        tpu.wait_indirect_dma semaphore(%arg21 : memref<!tpu.dma_semaphore, #tpu.memory_space<semaphore_mem>>) src(%arg15 : memref<128x64xf32, #tpu.memory_space<vmem>>) dst(%dma_wait3A_346 : memref<10112x64xf32, #tpu.memory_space<vmem_shared>>)
        %dma_wait3A_347 = arith.constant 0 : i32
        %dma_wait3A_348 = arith.constant 0 : i32
        %dma_wait3A_349 = tpu.memref_slice %arg4[%dma_wait3A_347, %dma_wait3A_348] : memref<2500x128xi32, #tpu.memory_space<hbm>> -> memref<1x128xi32, #tpu.memory_space<hbm>>
        %dma_wait3A_350 = tpu.memref_squeeze %dma_wait3A_349 : memref<1x128xi32, #tpu.memory_space<hbm>> -> memref<128xi32, #tpu.memory_space<hbm>>
        %dma_wait3A_351 = arith.constant 0 : i32
        %dma_wait3A_352 = tpu.memref_slice %arg4[%dma_wait3A_347, %dma_wait3A_351] : memref<2500x128xi32, #tpu.memory_space<hbm>> -> memref<1x128xi32, #tpu.memory_space<hbm>>
        %dma_wait3A_353 = tpu.memref_squeeze %dma_wait3A_352 : memref<1x128xi32, #tpu.memory_space<hbm>> -> memref<128xi32, #tpu.memory_space<hbm>>
        tpu.wait_dma2 semaphore(%arg24 : memref<!tpu.dma_semaphore, #tpu.memory_space<semaphore_mem>>) src(%dma_wait3A_353 : memref<128xi32, #tpu.memory_space<hbm>>) dst(%arg12 : memref<128xi32, #tpu.memory_space<vmem>>)
        %add3A_354 = arith.constant 1 : i32
        %add3A_355 = arith.addi %add3A_339, %add3A_354 : i32
        %dma_start3A_356 = arith.constant 0 : i32
        %dma_start3A_357 = arith.constant 0 : i32
        %dma_start3A_358 = tpu.memref_slice %arg25[%dma_start3A_356, %dma_start3A_357] : memref<10000x64xf32, #tpu.memory_space<vmem_shared>> -> memref<10000x64xf32, #tpu.memory_space<vmem_shared>>
        tpu.enqueue_indirect_dma source(%dma_start3A_358 : memref<10000x64xf32, #tpu.memory_space<vmem_shared>>) target(%arg15 : memref<128x64xf32, #tpu.memory_space<vmem>>) offsets(%arg12 : memref<128xi32, #tpu.memory_space<vmem>>) semaphore(%arg18 : memref<!tpu.dma_semaphore, #tpu.memory_space<semaphore_mem>>)
        %add3A_359 = arith.constant 2 : i32
        %add3A_360 = arith.addi %add3A_339, %add3A_359 : i32
        %add3A_361 = arith.addi %select_n3A, %add3A_360 : i32
        %dma_start3A_362 = arith.constant 0 : i32
        %dma_start3A_363 = tpu.memref_slice %arg4[%add3A_361, %dma_start3A_362] : memref<2500x128xi32, #tpu.memory_space<hbm>> -> memref<1x128xi32, #tpu.memory_space<hbm>>
        %dma_start3A_364 = tpu.memref_squeeze %dma_start3A_363 : memref<1x128xi32, #tpu.memory_space<hbm>> -> memref<128xi32, #tpu.memory_space<hbm>>
        %dma_start3A_365 = arith.constant 0 : i32
        %dma_start3A_366 = tpu.memref_slice %arg4[%add3A_361, %dma_start3A_365] : memref<2500x128xi32, #tpu.memory_space<hbm>> -> memref<1x128xi32, #tpu.memory_space<hbm>>
        %dma_start3A_367 = tpu.memref_squeeze %dma_start3A_366 : memref<1x128xi32, #tpu.memory_space<hbm>> -> memref<128xi32, #tpu.memory_space<hbm>>
        tpu.enqueue_dma source(%dma_start3A_367 : memref<128xi32, #tpu.memory_space<hbm>>) target(%arg10 : memref<128xi32, #tpu.memory_space<vmem>>) target_semaphore(%arg22 : memref<!tpu.dma_semaphore, #tpu.memory_space<semaphore_mem>>)
        %dma_wait3A_368 = arith.constant 0 : i32
        %dma_wait3A_369 = arith.constant 0 : i32
        %dma_wait3A_370 = tpu.memref_slice %arg25[%dma_wait3A_368, %dma_wait3A_369] : memref<10000x64xf32, #tpu.memory_space<vmem_shared>> -> memref<10000x64xf32, #tpu.memory_space<vmem_shared>>
        tpu.wait_indirect_dma semaphore(%arg17 : memref<!tpu.dma_semaphore, #tpu.memory_space<semaphore_mem>>) src(%dma_wait3A_370 : memref<10000x64xf32, #tpu.memory_space<vmem_shared>>) dst(%arg14 : memref<128x64xf32, #tpu.memory_space<vmem>>)
        %dma_start3A_371 = arith.constant 0 : i32
        %dma_start3A_372 = tpu.memref_slice %arg9[%add3A_339, %dma_start3A_371] : memref<157x128xi32, #tpu.memory_space<vmem>> -> memref<1x128xi32, #tpu.memory_space<vmem>>
        %dma_start3A_373 = tpu.memref_squeeze %dma_start3A_372 : memref<1x128xi32, #tpu.memory_space<vmem>> -> memref<128xi32, #tpu.memory_space<vmem>>
        %dma_start3A_374 = arith.constant 0 : i32
        %dma_start3A_375 = arith.constant 0 : i32
        %dma_start3A_376 = tpu.memref_slice %arg26[%dma_start3A_374, %dma_start3A_375] : memref<10112x64xf32, #tpu.memory_space<vmem_shared>> -> memref<10112x64xf32, #tpu.memory_space<vmem_shared>>
        tpu.enqueue_indirect_dma source(%arg14 : memref<128x64xf32, #tpu.memory_space<vmem>>) target(%dma_start3A_376 : memref<10112x64xf32, #tpu.memory_space<vmem_shared>>) offsets(%dma_start3A_373 : memref<128xi32, #tpu.memory_space<vmem>>) semaphore(%arg20 : memref<!tpu.dma_semaphore, #tpu.memory_space<semaphore_mem>>) {add = true}
      }
      %scan3A_196 = arith.constant 51 : i32
      %dma_wait3A_197 = arith.constant 0 : i32
      %dma_wait3A_198 = arith.constant 0 : i32
      %dma_wait3A_199 = tpu.memref_slice %arg9[%dma_wait3A_197, %dma_wait3A_198] : memref<157x128xi32, #tpu.memory_space<vmem>> -> memref<1x128xi32, #tpu.memory_space<vmem>>
      %dma_wait3A_200 = tpu.memref_squeeze %dma_wait3A_199 : memref<1x128xi32, #tpu.memory_space<vmem>> -> memref<128xi32, #tpu.memory_space<vmem>>
      %dma_wait3A_201 = arith.constant 0 : i32
      %dma_wait3A_202 = arith.constant 0 : i32
      %dma_wait3A_203 = tpu.memref_slice %arg26[%dma_wait3A_201, %dma_wait3A_202] : memref<10112x64xf32, #tpu.memory_space<vmem_shared>> -> memref<10112x64xf32, #tpu.memory_space<vmem_shared>>
      tpu.wait_indirect_dma semaphore(%arg19 : memref<!tpu.dma_semaphore, #tpu.memory_space<semaphore_mem>>) src(%arg13 : memref<128x64xf32, #tpu.memory_space<vmem>>) dst(%dma_wait3A_203 : memref<10112x64xf32, #tpu.memory_space<vmem_shared>>)
      %dma_wait3A_204 = arith.constant 0 : i32
      %dma_wait3A_205 = arith.constant 0 : i32
      %dma_wait3A_206 = tpu.memref_slice %arg4[%dma_wait3A_204, %dma_wait3A_205] : memref<2500x128xi32, #tpu.memory_space<hbm>> -> memref<1x128xi32, #tpu.memory_space<hbm>>
      %dma_wait3A_207 = tpu.memref_squeeze %dma_wait3A_206 : memref<1x128xi32, #tpu.memory_space<hbm>> -> memref<128xi32, #tpu.memory_space<hbm>>
      %dma_wait3A_208 = arith.constant 0 : i32
      %dma_wait3A_209 = tpu.memref_slice %arg4[%dma_wait3A_204, %dma_wait3A_208] : memref<2500x128xi32, #tpu.memory_space<hbm>> -> memref<1x128xi32, #tpu.memory_space<hbm>>
      %dma_wait3A_210 = tpu.memref_squeeze %dma_wait3A_209 : memref<1x128xi32, #tpu.memory_space<hbm>> -> memref<128xi32, #tpu.memory_space<hbm>>
      tpu.wait_dma2 semaphore(%arg22 : memref<!tpu.dma_semaphore, #tpu.memory_space<semaphore_mem>>) src(%dma_wait3A_210 : memref<128xi32, #tpu.memory_space<hbm>>) dst(%arg10 : memref<128xi32, #tpu.memory_space<vmem>>)
      %dma_start3A_211 = arith.constant 0 : i32
      %dma_start3A_212 = arith.constant 0 : i32
      %dma_start3A_213 = tpu.memref_slice %arg25[%dma_start3A_211, %dma_start3A_212] : memref<10000x64xf32, #tpu.memory_space<vmem_shared>> -> memref<10000x64xf32, #tpu.memory_space<vmem_shared>>
      tpu.enqueue_indirect_dma source(%dma_start3A_213 : memref<10000x64xf32, #tpu.memory_space<vmem_shared>>) target(%arg13 : memref<128x64xf32, #tpu.memory_space<vmem>>) offsets(%arg10 : memref<128xi32, #tpu.memory_space<vmem>>) semaphore(%arg16 : memref<!tpu.dma_semaphore, #tpu.memory_space<semaphore_mem>>)
      %dma_wait3A_214 = arith.constant 0 : i32
      %dma_wait3A_215 = arith.constant 0 : i32
      %dma_wait3A_216 = tpu.memref_slice %arg25[%dma_wait3A_214, %dma_wait3A_215] : memref<10000x64xf32, #tpu.memory_space<vmem_shared>> -> memref<10000x64xf32, #tpu.memory_space<vmem_shared>>
      tpu.wait_indirect_dma semaphore(%arg18 : memref<!tpu.dma_semaphore, #tpu.memory_space<semaphore_mem>>) src(%dma_wait3A_216 : memref<10000x64xf32, #tpu.memory_space<vmem_shared>>) dst(%arg15 : memref<128x64xf32, #tpu.memory_space<vmem>>)
      %dma_start3A_217 = arith.constant 155 : i32
      %dma_start3A_218 = arith.constant 0 : i32
      %dma_start3A_219 = tpu.memref_slice %arg9[%dma_start3A_217, %dma_start3A_218] : memref<157x128xi32, #tpu.memory_space<vmem>> -> memref<1x128xi32, #tpu.memory_space<vmem>>
      %dma_start3A_220 = tpu.memref_squeeze %dma_start3A_219 : memref<1x128xi32, #tpu.memory_space<vmem>> -> memref<128xi32, #tpu.memory_space<vmem>>
      %dma_start3A_221 = arith.constant 0 : i32
      %dma_start3A_222 = arith.constant 0 : i32
      %dma_start3A_223 = tpu.memref_slice %arg26[%dma_start3A_221, %dma_start3A_222] : memref<10112x64xf32, #tpu.memory_space<vmem_shared>> -> memref<10112x64xf32, #tpu.memory_space<vmem_shared>>
      tpu.enqueue_indirect_dma source(%arg15 : memref<128x64xf32, #tpu.memory_space<vmem>>) target(%dma_start3A_223 : memref<10112x64xf32, #tpu.memory_space<vmem_shared>>) offsets(%dma_start3A_220 : memref<128xi32, #tpu.memory_space<vmem>>) semaphore(%arg21 : memref<!tpu.dma_semaphore, #tpu.memory_space<semaphore_mem>>) {add = true}
      %dma_wait3A_224 = arith.constant 0 : i32
      %dma_wait3A_225 = arith.constant 0 : i32
      %dma_wait3A_226 = tpu.memref_slice %arg9[%dma_wait3A_224, %dma_wait3A_225] : memref<157x128xi32, #tpu.memory_space<vmem>> -> memref<1x128xi32, #tpu.memory_space<vmem>>
      %dma_wait3A_227 = tpu.memref_squeeze %dma_wait3A_226 : memref<1x128xi32, #tpu.memory_space<vmem>> -> memref<128xi32, #tpu.memory_space<vmem>>
      %dma_wait3A_228 = arith.constant 0 : i32
      %dma_wait3A_229 = arith.constant 0 : i32
      %dma_wait3A_230 = tpu.memref_slice %arg26[%dma_wait3A_228, %dma_wait3A_229] : memref<10112x64xf32, #tpu.memory_space<vmem_shared>> -> memref<10112x64xf32, #tpu.memory_space<vmem_shared>>
      tpu.wait_indirect_dma semaphore(%arg20 : memref<!tpu.dma_semaphore, #tpu.memory_space<semaphore_mem>>) src(%arg14 : memref<128x64xf32, #tpu.memory_space<vmem>>) dst(%dma_wait3A_230 : memref<10112x64xf32, #tpu.memory_space<vmem_shared>>)
      %dma_wait3A_231 = arith.constant 0 : i32
      %dma_wait3A_232 = arith.constant 0 : i32
      %dma_wait3A_233 = tpu.memref_slice %arg25[%dma_wait3A_231, %dma_wait3A_232] : memref<10000x64xf32, #tpu.memory_space<vmem_shared>> -> memref<10000x64xf32, #tpu.memory_space<vmem_shared>>
      tpu.wait_indirect_dma semaphore(%arg16 : memref<!tpu.dma_semaphore, #tpu.memory_space<semaphore_mem>>) src(%dma_wait3A_233 : memref<10000x64xf32, #tpu.memory_space<vmem_shared>>) dst(%arg13 : memref<128x64xf32, #tpu.memory_space<vmem>>)
      %dma_start3A_234 = arith.constant 156 : i32
      %dma_start3A_235 = arith.constant 0 : i32
      %dma_start3A_236 = tpu.memref_slice %arg9[%dma_start3A_234, %dma_start3A_235] : memref<157x128xi32, #tpu.memory_space<vmem>> -> memref<1x128xi32, #tpu.memory_space<vmem>>
      %dma_start3A_237 = tpu.memref_squeeze %dma_start3A_236 : memref<1x128xi32, #tpu.memory_space<vmem>> -> memref<128xi32, #tpu.memory_space<vmem>>
      %dma_start3A_238 = arith.constant 0 : i32
      %dma_start3A_239 = arith.constant 0 : i32
      %dma_start3A_240 = tpu.memref_slice %arg26[%dma_start3A_238, %dma_start3A_239] : memref<10112x64xf32, #tpu.memory_space<vmem_shared>> -> memref<10112x64xf32, #tpu.memory_space<vmem_shared>>
      tpu.enqueue_indirect_dma source(%arg13 : memref<128x64xf32, #tpu.memory_space<vmem>>) target(%dma_start3A_240 : memref<10112x64xf32, #tpu.memory_space<vmem_shared>>) offsets(%dma_start3A_237 : memref<128xi32, #tpu.memory_space<vmem>>) semaphore(%arg19 : memref<!tpu.dma_semaphore, #tpu.memory_space<semaphore_mem>>) {add = true}
      %dma_wait3A_241 = arith.constant 0 : i32
      %dma_wait3A_242 = arith.constant 0 : i32
      %dma_wait3A_243 = tpu.memref_slice %arg9[%dma_wait3A_241, %dma_wait3A_242] : memref<157x128xi32, #tpu.memory_space<vmem>> -> memref<1x128xi32, #tpu.memory_space<vmem>>
      %dma_wait3A_244 = tpu.memref_squeeze %dma_wait3A_243 : memref<1x128xi32, #tpu.memory_space<vmem>> -> memref<128xi32, #tpu.memory_space<vmem>>
      %dma_wait3A_245 = arith.constant 0 : i32
      %dma_wait3A_246 = arith.constant 0 : i32
      %dma_wait3A_247 = tpu.memref_slice %arg26[%dma_wait3A_245, %dma_wait3A_246] : memref<10112x64xf32, #tpu.memory_space<vmem_shared>> -> memref<10112x64xf32, #tpu.memory_space<vmem_shared>>
      tpu.wait_indirect_dma semaphore(%arg21 : memref<!tpu.dma_semaphore, #tpu.memory_space<semaphore_mem>>) src(%arg15 : memref<128x64xf32, #tpu.memory_space<vmem>>) dst(%dma_wait3A_247 : memref<10112x64xf32, #tpu.memory_space<vmem_shared>>)
      %dma_wait3A_248 = arith.constant 0 : i32
      %dma_wait3A_249 = arith.constant 0 : i32
      %dma_wait3A_250 = tpu.memref_slice %arg9[%dma_wait3A_248, %dma_wait3A_249] : memref<157x128xi32, #tpu.memory_space<vmem>> -> memref<1x128xi32, #tpu.memory_space<vmem>>
      %dma_wait3A_251 = tpu.memref_squeeze %dma_wait3A_250 : memref<1x128xi32, #tpu.memory_space<vmem>> -> memref<128xi32, #tpu.memory_space<vmem>>
      %dma_wait3A_252 = arith.constant 0 : i32
      %dma_wait3A_253 = arith.constant 0 : i32
      %dma_wait3A_254 = tpu.memref_slice %arg26[%dma_wait3A_252, %dma_wait3A_253] : memref<10112x64xf32, #tpu.memory_space<vmem_shared>> -> memref<10112x64xf32, #tpu.memory_space<vmem_shared>>
      tpu.wait_indirect_dma semaphore(%arg19 : memref<!tpu.dma_semaphore, #tpu.memory_space<semaphore_mem>>) src(%arg13 : memref<128x64xf32, #tpu.memory_space<vmem>>) dst(%dma_wait3A_254 : memref<10112x64xf32, #tpu.memory_space<vmem_shared>>)
    } else {
    }
    %ge3A_80 = arith.constant 12 : i32
    %ge3A_81 = arith.cmpi sge, %arg1, %ge3A_80 : i32
    %convert_element_type3A_82 = arith.extui %ge3A_81 : i1 to i32
    %cond3A_83 = arith.constant 0 : i32
    %cond3A_84 = arith.cmpi ne, %convert_element_type3A_82, %cond3A_83 : i32
    scf.if %cond3A_84 {
      %dma_wait3A_118 = arith.constant 0 : i32
      %dma_wait3A_119 = arith.constant 0 : i32
      %dma_wait3A_120 = tpu.memref_slice %arg4[%dma_wait3A_118, %dma_wait3A_119] : memref<2500x128xi32, #tpu.memory_space<hbm>> -> memref<1x128xi32, #tpu.memory_space<hbm>>
      %dma_wait3A_121 = tpu.memref_squeeze %dma_wait3A_120 : memref<1x128xi32, #tpu.memory_space<hbm>> -> memref<128xi32, #tpu.memory_space<hbm>>
      %dma_wait3A_122 = arith.constant 0 : i32
      %dma_wait3A_123 = tpu.memref_slice %arg4[%dma_wait3A_118, %dma_wait3A_122] : memref<2500x128xi32, #tpu.memory_space<hbm>> -> memref<1x128xi32, #tpu.memory_space<hbm>>
      %dma_wait3A_124 = tpu.memref_squeeze %dma_wait3A_123 : memref<1x128xi32, #tpu.memory_space<hbm>> -> memref<128xi32, #tpu.memory_space<hbm>>
      tpu.wait_dma2 semaphore(%arg22 : memref<!tpu.dma_semaphore, #tpu.memory_space<semaphore_mem>>) src(%dma_wait3A_124 : memref<128xi32, #tpu.memory_space<hbm>>) dst(%arg10 : memref<128xi32, #tpu.memory_space<vmem>>)
      %dma_start3A_125 = arith.constant 0 : i32
      %dma_start3A_126 = arith.constant 0 : i32
      %dma_start3A_127 = tpu.memref_slice %arg25[%dma_start3A_125, %dma_start3A_126] : memref<10000x64xf32, #tpu.memory_space<vmem_shared>> -> memref<10000x64xf32, #tpu.memory_space<vmem_shared>>
      tpu.enqueue_indirect_dma source(%dma_start3A_127 : memref<10000x64xf32, #tpu.memory_space<vmem_shared>>) target(%arg13 : memref<128x64xf32, #tpu.memory_space<vmem>>) offsets(%arg10 : memref<128xi32, #tpu.memory_space<vmem>>) semaphore(%arg16 : memref<!tpu.dma_semaphore, #tpu.memory_space<semaphore_mem>>)
      %add3A_128 = arith.constant 1 : i32
      %add3A_129 = arith.addi %select_n3A, %add3A_128 : i32
      %dma_start3A_130 = arith.constant 0 : i32
      %dma_start3A_131 = tpu.memref_slice %arg4[%add3A_129, %dma_start3A_130] : memref<2500x128xi32, #tpu.memory_space<hbm>> -> memref<1x128xi32, #tpu.memory_space<hbm>>
      %dma_start3A_132 = tpu.memref_squeeze %dma_start3A_131 : memref<1x128xi32, #tpu.memory_space<hbm>> -> memref<128xi32, #tpu.memory_space<hbm>>
      %dma_start3A_133 = arith.constant 0 : i32
      %dma_start3A_134 = tpu.memref_slice %arg4[%add3A_129, %dma_start3A_133] : memref<2500x128xi32, #tpu.memory_space<hbm>> -> memref<1x128xi32, #tpu.memory_space<hbm>>
      %dma_start3A_135 = tpu.memref_squeeze %dma_start3A_134 : memref<1x128xi32, #tpu.memory_space<hbm>> -> memref<128xi32, #tpu.memory_space<hbm>>
      tpu.enqueue_dma source(%dma_start3A_135 : memref<128xi32, #tpu.memory_space<hbm>>) target(%arg11 : memref<128xi32, #tpu.memory_space<vmem>>) target_semaphore(%arg23 : memref<!tpu.dma_semaphore, #tpu.memory_space<semaphore_mem>>)
      %dma_wait3A_136 = arith.constant 0 : i32
      %dma_wait3A_137 = arith.constant 0 : i32
      %dma_wait3A_138 = tpu.memref_slice %arg4[%dma_wait3A_136, %dma_wait3A_137] : memref<2500x128xi32, #tpu.memory_space<hbm>> -> memref<1x128xi32, #tpu.memory_space<hbm>>
      %dma_wait3A_139 = tpu.memref_squeeze %dma_wait3A_138 : memref<1x128xi32, #tpu.memory_space<hbm>> -> memref<128xi32, #tpu.memory_space<hbm>>
      %dma_wait3A_140 = arith.constant 0 : i32
      %dma_wait3A_141 = tpu.memref_slice %arg4[%dma_wait3A_136, %dma_wait3A_140] : memref<2500x128xi32, #tpu.memory_space<hbm>> -> memref<1x128xi32, #tpu.memory_space<hbm>>
      %dma_wait3A_142 = tpu.memref_squeeze %dma_wait3A_141 : memref<1x128xi32, #tpu.memory_space<hbm>> -> memref<128xi32, #tpu.memory_space<hbm>>
      tpu.wait_dma2 semaphore(%arg23 : memref<!tpu.dma_semaphore, #tpu.memory_space<semaphore_mem>>) src(%dma_wait3A_142 : memref<128xi32, #tpu.memory_space<hbm>>) dst(%arg11 : memref<128xi32, #tpu.memory_space<vmem>>)
      %dma_start3A_143 = arith.constant 0 : i32
      %dma_start3A_144 = arith.constant 0 : i32
      %dma_start3A_145 = tpu.memref_slice %arg25[%dma_start3A_143, %dma_start3A_144] : memref<10000x64xf32, #tpu.memory_space<vmem_shared>> -> memref<10000x64xf32, #tpu.memory_space<vmem_shared>>
      tpu.enqueue_indirect_dma source(%dma_start3A_145 : memref<10000x64xf32, #tpu.memory_space<vmem_shared>>) target(%arg14 : memref<128x64xf32, #tpu.memory_space<vmem>>) offsets(%arg11 : memref<128xi32, #tpu.memory_space<vmem>>) semaphore(%arg17 : memref<!tpu.dma_semaphore, #tpu.memory_space<semaphore_mem>>)
      %add3A_146 = arith.constant 2 : i32
      %add3A_147 = arith.addi %select_n3A, %add3A_146 : i32
      %dma_start3A_148 = arith.constant 0 : i32
      %dma_start3A_149 = tpu.memref_slice %arg4[%add3A_147, %dma_start3A_148] : memref<2500x128xi32, #tpu.memory_space<hbm>> -> memref<1x128xi32, #tpu.memory_space<hbm>>
      %dma_start3A_150 = tpu.memref_squeeze %dma_start3A_149 : memref<1x128xi32, #tpu.memory_space<hbm>> -> memref<128xi32, #tpu.memory_space<hbm>>
      %dma_start3A_151 = arith.constant 0 : i32
      %dma_start3A_152 = tpu.memref_slice %arg4[%add3A_147, %dma_start3A_151] : memref<2500x128xi32, #tpu.memory_space<hbm>> -> memref<1x128xi32, #tpu.memory_space<hbm>>
      %dma_start3A_153 = tpu.memref_squeeze %dma_start3A_152 : memref<1x128xi32, #tpu.memory_space<hbm>> -> memref<128xi32, #tpu.memory_space<hbm>>
      tpu.enqueue_dma source(%dma_start3A_153 : memref<128xi32, #tpu.memory_space<hbm>>) target(%arg12 : memref<128xi32, #tpu.memory_space<vmem>>) target_semaphore(%arg24 : memref<!tpu.dma_semaphore, #tpu.memory_space<semaphore_mem>>)
      %dma_wait3A_154 = arith.constant 0 : i32
      %dma_wait3A_155 = arith.constant 0 : i32
      %dma_wait3A_156 = tpu.memref_slice %arg25[%dma_wait3A_154, %dma_wait3A_155] : memref<10000x64xf32, #tpu.memory_space<vmem_shared>> -> memref<10000x64xf32, #tpu.memory_space<vmem_shared>>
      tpu.wait_indirect_dma semaphore(%arg16 : memref<!tpu.dma_semaphore, #tpu.memory_space<semaphore_mem>>) src(%dma_wait3A_156 : memref<10000x64xf32, #tpu.memory_space<vmem_shared>>) dst(%arg13 : memref<128x64xf32, #tpu.memory_space<vmem>>)
      %dma_start3A_157 = arith.constant 0 : i32
      %dma_start3A_158 = arith.constant 0 : i32
      %dma_start3A_159 = tpu.memref_slice %arg9[%dma_start3A_157, %dma_start3A_158] : memref<157x128xi32, #tpu.memory_space<vmem>> -> memref<1x128xi32, #tpu.memory_space<vmem>>
      %dma_start3A_160 = tpu.memref_squeeze %dma_start3A_159 : memref<1x128xi32, #tpu.memory_space<vmem>> -> memref<128xi32, #tpu.memory_space<vmem>>
      %dma_start3A_161 = arith.constant 0 : i32
      %dma_start3A_162 = arith.constant 0 : i32
      %dma_start3A_163 = tpu.memref_slice %arg26[%dma_start3A_161, %dma_start3A_162] : memref<10112x64xf32, #tpu.memory_space<vmem_shared>> -> memref<10112x64xf32, #tpu.memory_space<vmem_shared>>
      tpu.enqueue_indirect_dma source(%arg13 : memref<128x64xf32, #tpu.memory_space<vmem>>) target(%dma_start3A_163 : memref<10112x64xf32, #tpu.memory_space<vmem_shared>>) offsets(%dma_start3A_160 : memref<128xi32, #tpu.memory_space<vmem>>) semaphore(%arg19 : memref<!tpu.dma_semaphore, #tpu.memory_space<semaphore_mem>>) {add = true}
      %dma_wait3A_164 = arith.constant 0 : i32
      %dma_wait3A_165 = arith.constant 0 : i32
      %dma_wait3A_166 = tpu.memref_slice %arg4[%dma_wait3A_164, %dma_wait3A_165] : memref<2500x128xi32, #tpu.memory_space<hbm>> -> memref<1x128xi32, #tpu.memory_space<hbm>>
      %dma_wait3A_167 = tpu.memref_squeeze %dma_wait3A_166 : memref<1x128xi32, #tpu.memory_space<hbm>> -> memref<128xi32, #tpu.memory_space<hbm>>
      %dma_wait3A_168 = arith.constant 0 : i32
      %dma_wait3A_169 = tpu.memref_slice %arg4[%dma_wait3A_164, %dma_wait3A_168] : memref<2500x128xi32, #tpu.memory_space<hbm>> -> memref<1x128xi32, #tpu.memory_space<hbm>>
      %dma_wait3A_170 = tpu.memref_squeeze %dma_wait3A_169 : memref<1x128xi32, #tpu.memory_space<hbm>> -> memref<128xi32, #tpu.memory_space<hbm>>
      tpu.wait_dma2 semaphore(%arg24 : memref<!tpu.dma_semaphore, #tpu.memory_space<semaphore_mem>>) src(%dma_wait3A_170 : memref<128xi32, #tpu.memory_space<hbm>>) dst(%arg12 : memref<128xi32, #tpu.memory_space<vmem>>)
      %dma_start3A_171 = arith.constant 0 : i32
      %dma_start3A_172 = arith.constant 0 : i32
      %dma_start3A_173 = tpu.memref_slice %arg25[%dma_start3A_171, %dma_start3A_172] : memref<10000x64xf32, #tpu.memory_space<vmem_shared>> -> memref<10000x64xf32, #tpu.memory_space<vmem_shared>>
      tpu.enqueue_indirect_dma source(%dma_start3A_173 : memref<10000x64xf32, #tpu.memory_space<vmem_shared>>) target(%arg15 : memref<128x64xf32, #tpu.memory_space<vmem>>) offsets(%arg12 : memref<128xi32, #tpu.memory_space<vmem>>) semaphore(%arg18 : memref<!tpu.dma_semaphore, #tpu.memory_space<semaphore_mem>>)
      %add3A_174 = arith.constant 3 : i32
      %add3A_175 = arith.addi %select_n3A, %add3A_174 : i32
      %dma_start3A_176 = arith.constant 0 : i32
      %dma_start3A_177 = tpu.memref_slice %arg4[%add3A_175, %dma_start3A_176] : memref<2500x128xi32, #tpu.memory_space<hbm>> -> memref<1x128xi32, #tpu.memory_space<hbm>>
      %dma_start3A_178 = tpu.memref_squeeze %dma_start3A_177 : memref<1x128xi32, #tpu.memory_space<hbm>> -> memref<128xi32, #tpu.memory_space<hbm>>
      %dma_start3A_179 = arith.constant 0 : i32
      %dma_start3A_180 = tpu.memref_slice %arg4[%add3A_175, %dma_start3A_179] : memref<2500x128xi32, #tpu.memory_space<hbm>> -> memref<1x128xi32, #tpu.memory_space<hbm>>
      %dma_start3A_181 = tpu.memref_squeeze %dma_start3A_180 : memref<1x128xi32, #tpu.memory_space<hbm>> -> memref<128xi32, #tpu.memory_space<hbm>>
      tpu.enqueue_dma source(%dma_start3A_181 : memref<128xi32, #tpu.memory_space<hbm>>) target(%arg10 : memref<128xi32, #tpu.memory_space<vmem>>) target_semaphore(%arg22 : memref<!tpu.dma_semaphore, #tpu.memory_space<semaphore_mem>>)
      %dma_wait3A_182 = arith.constant 0 : i32
      %dma_wait3A_183 = arith.constant 0 : i32
      %dma_wait3A_184 = tpu.memref_slice %arg25[%dma_wait3A_182, %dma_wait3A_183] : memref<10000x64xf32, #tpu.memory_space<vmem_shared>> -> memref<10000x64xf32, #tpu.memory_space<vmem_shared>>
      tpu.wait_indirect_dma semaphore(%arg17 : memref<!tpu.dma_semaphore, #tpu.memory_space<semaphore_mem>>) src(%dma_wait3A_184 : memref<10000x64xf32, #tpu.memory_space<vmem_shared>>) dst(%arg14 : memref<128x64xf32, #tpu.memory_space<vmem>>)
      %dma_start3A_185 = arith.constant 1 : i32
      %dma_start3A_186 = arith.constant 0 : i32
      %dma_start3A_187 = tpu.memref_slice %arg9[%dma_start3A_185, %dma_start3A_186] : memref<157x128xi32, #tpu.memory_space<vmem>> -> memref<1x128xi32, #tpu.memory_space<vmem>>
      %dma_start3A_188 = tpu.memref_squeeze %dma_start3A_187 : memref<1x128xi32, #tpu.memory_space<vmem>> -> memref<128xi32, #tpu.memory_space<vmem>>
      %dma_start3A_189 = arith.constant 0 : i32
      %dma_start3A_190 = arith.constant 0 : i32
      %dma_start3A_191 = tpu.memref_slice %arg26[%dma_start3A_189, %dma_start3A_190] : memref<10112x64xf32, #tpu.memory_space<vmem_shared>> -> memref<10112x64xf32, #tpu.memory_space<vmem_shared>>
      tpu.enqueue_indirect_dma source(%arg14 : memref<128x64xf32, #tpu.memory_space<vmem>>) target(%dma_start3A_191 : memref<10112x64xf32, #tpu.memory_space<vmem_shared>>) offsets(%dma_start3A_188 : memref<128xi32, #tpu.memory_space<vmem>>) semaphore(%arg20 : memref<!tpu.dma_semaphore, #tpu.memory_space<semaphore_mem>>) {add = true}
      %scan3A = arith.constant 0 : i32
      %scan3A_192 = arith.constant 0 : i32
      %scan3A_193 = arith.constant 50 : i32
      %scan3A_194 = arith.addi %scan3A_192, %scan3A_193 : i32
      %scan3A_195 = arith.constant 1 : i32
      scf.for %scan3A_255 = %scan3A_192 to %scan3A_194 step %scan3A_195  : i32 {
        %mul3A_256 = arith.constant 3 : i32
        %mul3A_257 = arith.muli %scan3A_255, %mul3A_256 : i32
        %add3A_258 = arith.constant 2 : i32
        %add3A_259 = arith.addi %add3A_258, %mul3A_257 : i32
        %add3A_260 = arith.constant 0 : i32
        %add3A_261 = arith.addi %add3A_259, %add3A_260 : i32
        %dma_wait3A_262 = arith.constant 0 : i32
        %dma_wait3A_263 = arith.constant 0 : i32
        %dma_wait3A_264 = tpu.memref_slice %arg9[%dma_wait3A_262, %dma_wait3A_263] : memref<157x128xi32, #tpu.memory_space<vmem>> -> memref<1x128xi32, #tpu.memory_space<vmem>>
        %dma_wait3A_265 = tpu.memref_squeeze %dma_wait3A_264 : memref<1x128xi32, #tpu.memory_space<vmem>> -> memref<128xi32, #tpu.memory_space<vmem>>
        %dma_wait3A_266 = arith.constant 0 : i32
        %dma_wait3A_267 = arith.constant 0 : i32
        %dma_wait3A_268 = tpu.memref_slice %arg26[%dma_wait3A_266, %dma_wait3A_267] : memref<10112x64xf32, #tpu.memory_space<vmem_shared>> -> memref<10112x64xf32, #tpu.memory_space<vmem_shared>>
        tpu.wait_indirect_dma semaphore(%arg19 : memref<!tpu.dma_semaphore, #tpu.memory_space<semaphore_mem>>) src(%arg13 : memref<128x64xf32, #tpu.memory_space<vmem>>) dst(%dma_wait3A_268 : memref<10112x64xf32, #tpu.memory_space<vmem_shared>>)
        %dma_wait3A_269 = arith.constant 0 : i32
        %dma_wait3A_270 = arith.constant 0 : i32
        %dma_wait3A_271 = tpu.memref_slice %arg4[%dma_wait3A_269, %dma_wait3A_270] : memref<2500x128xi32, #tpu.memory_space<hbm>> -> memref<1x128xi32, #tpu.memory_space<hbm>>
        %dma_wait3A_272 = tpu.memref_squeeze %dma_wait3A_271 : memref<1x128xi32, #tpu.memory_space<hbm>> -> memref<128xi32, #tpu.memory_space<hbm>>
        %dma_wait3A_273 = arith.constant 0 : i32
        %dma_wait3A_274 = tpu.memref_slice %arg4[%dma_wait3A_269, %dma_wait3A_273] : memref<2500x128xi32, #tpu.memory_space<hbm>> -> memref<1x128xi32, #tpu.memory_space<hbm>>
        %dma_wait3A_275 = tpu.memref_squeeze %dma_wait3A_274 : memref<1x128xi32, #tpu.memory_space<hbm>> -> memref<128xi32, #tpu.memory_space<hbm>>
        tpu.wait_dma2 semaphore(%arg22 : memref<!tpu.dma_semaphore, #tpu.memory_space<semaphore_mem>>) src(%dma_wait3A_275 : memref<128xi32, #tpu.memory_space<hbm>>) dst(%arg10 : memref<128xi32, #tpu.memory_space<vmem>>)
        %add3A_276 = arith.constant 1 : i32
        %add3A_277 = arith.addi %add3A_261, %add3A_276 : i32
        %dma_start3A_278 = arith.constant 0 : i32
        %dma_start3A_279 = arith.constant 0 : i32
        %dma_start3A_280 = tpu.memref_slice %arg25[%dma_start3A_278, %dma_start3A_279] : memref<10000x64xf32, #tpu.memory_space<vmem_shared>> -> memref<10000x64xf32, #tpu.memory_space<vmem_shared>>
        tpu.enqueue_indirect_dma source(%dma_start3A_280 : memref<10000x64xf32, #tpu.memory_space<vmem_shared>>) target(%arg13 : memref<128x64xf32, #tpu.memory_space<vmem>>) offsets(%arg10 : memref<128xi32, #tpu.memory_space<vmem>>) semaphore(%arg16 : memref<!tpu.dma_semaphore, #tpu.memory_space<semaphore_mem>>)
        %add3A_281 = arith.constant 2 : i32
        %add3A_282 = arith.addi %add3A_261, %add3A_281 : i32
        %add3A_283 = arith.addi %select_n3A, %add3A_282 : i32
        %dma_start3A_284 = arith.constant 0 : i32
        %dma_start3A_285 = tpu.memref_slice %arg4[%add3A_283, %dma_start3A_284] : memref<2500x128xi32, #tpu.memory_space<hbm>> -> memref<1x128xi32, #tpu.memory_space<hbm>>
        %dma_start3A_286 = tpu.memref_squeeze %dma_start3A_285 : memref<1x128xi32, #tpu.memory_space<hbm>> -> memref<128xi32, #tpu.memory_space<hbm>>
        %dma_start3A_287 = arith.constant 0 : i32
        %dma_start3A_288 = tpu.memref_slice %arg4[%add3A_283, %dma_start3A_287] : memref<2500x128xi32, #tpu.memory_space<hbm>> -> memref<1x128xi32, #tpu.memory_space<hbm>>
        %dma_start3A_289 = tpu.memref_squeeze %dma_start3A_288 : memref<1x128xi32, #tpu.memory_space<hbm>> -> memref<128xi32, #tpu.memory_space<hbm>>
        tpu.enqueue_dma source(%dma_start3A_289 : memref<128xi32, #tpu.memory_space<hbm>>) target(%arg11 : memref<128xi32, #tpu.memory_space<vmem>>) target_semaphore(%arg23 : memref<!tpu.dma_semaphore, #tpu.memory_space<semaphore_mem>>)
        %dma_wait3A_290 = arith.constant 0 : i32
        %dma_wait3A_291 = arith.constant 0 : i32
        %dma_wait3A_292 = tpu.memref_slice %arg25[%dma_wait3A_290, %dma_wait3A_291] : memref<10000x64xf32, #tpu.memory_space<vmem_shared>> -> memref<10000x64xf32, #tpu.memory_space<vmem_shared>>
        tpu.wait_indirect_dma semaphore(%arg18 : memref<!tpu.dma_semaphore, #tpu.memory_space<semaphore_mem>>) src(%dma_wait3A_292 : memref<10000x64xf32, #tpu.memory_space<vmem_shared>>) dst(%arg15 : memref<128x64xf32, #tpu.memory_space<vmem>>)
        %dma_start3A_293 = arith.constant 0 : i32
        %dma_start3A_294 = tpu.memref_slice %arg9[%add3A_261, %dma_start3A_293] : memref<157x128xi32, #tpu.memory_space<vmem>> -> memref<1x128xi32, #tpu.memory_space<vmem>>
        %dma_start3A_295 = tpu.memref_squeeze %dma_start3A_294 : memref<1x128xi32, #tpu.memory_space<vmem>> -> memref<128xi32, #tpu.memory_space<vmem>>
        %dma_start3A_296 = arith.constant 0 : i32
        %dma_start3A_297 = arith.constant 0 : i32
        %dma_start3A_298 = tpu.memref_slice %arg26[%dma_start3A_296, %dma_start3A_297] : memref<10112x64xf32, #tpu.memory_space<vmem_shared>> -> memref<10112x64xf32, #tpu.memory_space<vmem_shared>>
        tpu.enqueue_indirect_dma source(%arg15 : memref<128x64xf32, #tpu.memory_space<vmem>>) target(%dma_start3A_298 : memref<10112x64xf32, #tpu.memory_space<vmem_shared>>) offsets(%dma_start3A_295 : memref<128xi32, #tpu.memory_space<vmem>>) semaphore(%arg21 : memref<!tpu.dma_semaphore, #tpu.memory_space<semaphore_mem>>) {add = true}
        %add3A_299 = arith.constant 1 : i32
        %add3A_300 = arith.addi %add3A_259, %add3A_299 : i32
        %dma_wait3A_301 = arith.constant 0 : i32
        %dma_wait3A_302 = arith.constant 0 : i32
        %dma_wait3A_303 = tpu.memref_slice %arg9[%dma_wait3A_301, %dma_wait3A_302] : memref<157x128xi32, #tpu.memory_space<vmem>> -> memref<1x128xi32, #tpu.memory_space<vmem>>
        %dma_wait3A_304 = tpu.memref_squeeze %dma_wait3A_303 : memref<1x128xi32, #tpu.memory_space<vmem>> -> memref<128xi32, #tpu.memory_space<vmem>>
        %dma_wait3A_305 = arith.constant 0 : i32
        %dma_wait3A_306 = arith.constant 0 : i32
        %dma_wait3A_307 = tpu.memref_slice %arg26[%dma_wait3A_305, %dma_wait3A_306] : memref<10112x64xf32, #tpu.memory_space<vmem_shared>> -> memref<10112x64xf32, #tpu.memory_space<vmem_shared>>
        tpu.wait_indirect_dma semaphore(%arg20 : memref<!tpu.dma_semaphore, #tpu.memory_space<semaphore_mem>>) src(%arg14 : memref<128x64xf32, #tpu.memory_space<vmem>>) dst(%dma_wait3A_307 : memref<10112x64xf32, #tpu.memory_space<vmem_shared>>)
        %dma_wait3A_308 = arith.constant 0 : i32
        %dma_wait3A_309 = arith.constant 0 : i32
        %dma_wait3A_310 = tpu.memref_slice %arg4[%dma_wait3A_308, %dma_wait3A_309] : memref<2500x128xi32, #tpu.memory_space<hbm>> -> memref<1x128xi32, #tpu.memory_space<hbm>>
        %dma_wait3A_311 = tpu.memref_squeeze %dma_wait3A_310 : memref<1x128xi32, #tpu.memory_space<hbm>> -> memref<128xi32, #tpu.memory_space<hbm>>
        %dma_wait3A_312 = arith.constant 0 : i32
        %dma_wait3A_313 = tpu.memref_slice %arg4[%dma_wait3A_308, %dma_wait3A_312] : memref<2500x128xi32, #tpu.memory_space<hbm>> -> memref<1x128xi32, #tpu.memory_space<hbm>>
        %dma_wait3A_314 = tpu.memref_squeeze %dma_wait3A_313 : memref<1x128xi32, #tpu.memory_space<hbm>> -> memref<128xi32, #tpu.memory_space<hbm>>
        tpu.wait_dma2 semaphore(%arg23 : memref<!tpu.dma_semaphore, #tpu.memory_space<semaphore_mem>>) src(%dma_wait3A_314 : memref<128xi32, #tpu.memory_space<hbm>>) dst(%arg11 : memref<128xi32, #tpu.memory_space<vmem>>)
        %add3A_315 = arith.constant 1 : i32
        %add3A_316 = arith.addi %add3A_300, %add3A_315 : i32
        %dma_start3A_317 = arith.constant 0 : i32
        %dma_start3A_318 = arith.constant 0 : i32
        %dma_start3A_319 = tpu.memref_slice %arg25[%dma_start3A_317, %dma_start3A_318] : memref<10000x64xf32, #tpu.memory_space<vmem_shared>> -> memref<10000x64xf32, #tpu.memory_space<vmem_shared>>
        tpu.enqueue_indirect_dma source(%dma_start3A_319 : memref<10000x64xf32, #tpu.memory_space<vmem_shared>>) target(%arg14 : memref<128x64xf32, #tpu.memory_space<vmem>>) offsets(%arg11 : memref<128xi32, #tpu.memory_space<vmem>>) semaphore(%arg17 : memref<!tpu.dma_semaphore, #tpu.memory_space<semaphore_mem>>)
        %add3A_320 = arith.constant 2 : i32
        %add3A_321 = arith.addi %add3A_300, %add3A_320 : i32
        %add3A_322 = arith.addi %select_n3A, %add3A_321 : i32
        %dma_start3A_323 = arith.constant 0 : i32
        %dma_start3A_324 = tpu.memref_slice %arg4[%add3A_322, %dma_start3A_323] : memref<2500x128xi32, #tpu.memory_space<hbm>> -> memref<1x128xi32, #tpu.memory_space<hbm>>
        %dma_start3A_325 = tpu.memref_squeeze %dma_start3A_324 : memref<1x128xi32, #tpu.memory_space<hbm>> -> memref<128xi32, #tpu.memory_space<hbm>>
        %dma_start3A_326 = arith.constant 0 : i32
        %dma_start3A_327 = tpu.memref_slice %arg4[%add3A_322, %dma_start3A_326] : memref<2500x128xi32, #tpu.memory_space<hbm>> -> memref<1x128xi32, #tpu.memory_space<hbm>>
        %dma_start3A_328 = tpu.memref_squeeze %dma_start3A_327 : memref<1x128xi32, #tpu.memory_space<hbm>> -> memref<128xi32, #tpu.memory_space<hbm>>
        tpu.enqueue_dma source(%dma_start3A_328 : memref<128xi32, #tpu.memory_space<hbm>>) target(%arg12 : memref<128xi32, #tpu.memory_space<vmem>>) target_semaphore(%arg24 : memref<!tpu.dma_semaphore, #tpu.memory_space<semaphore_mem>>)
        %dma_wait3A_329 = arith.constant 0 : i32
        %dma_wait3A_330 = arith.constant 0 : i32
        %dma_wait3A_331 = tpu.memref_slice %arg25[%dma_wait3A_329, %dma_wait3A_330] : memref<10000x64xf32, #tpu.memory_space<vmem_shared>> -> memref<10000x64xf32, #tpu.memory_space<vmem_shared>>
        tpu.wait_indirect_dma semaphore(%arg16 : memref<!tpu.dma_semaphore, #tpu.memory_space<semaphore_mem>>) src(%dma_wait3A_331 : memref<10000x64xf32, #tpu.memory_space<vmem_shared>>) dst(%arg13 : memref<128x64xf32, #tpu.memory_space<vmem>>)
        %dma_start3A_332 = arith.constant 0 : i32
        %dma_start3A_333 = tpu.memref_slice %arg9[%add3A_300, %dma_start3A_332] : memref<157x128xi32, #tpu.memory_space<vmem>> -> memref<1x128xi32, #tpu.memory_space<vmem>>
        %dma_start3A_334 = tpu.memref_squeeze %dma_start3A_333 : memref<1x128xi32, #tpu.memory_space<vmem>> -> memref<128xi32, #tpu.memory_space<vmem>>
        %dma_start3A_335 = arith.constant 0 : i32
        %dma_start3A_336 = arith.constant 0 : i32
        %dma_start3A_337 = tpu.memref_slice %arg26[%dma_start3A_335, %dma_start3A_336] : memref<10112x64xf32, #tpu.memory_space<vmem_shared>> -> memref<10112x64xf32, #tpu.memory_space<vmem_shared>>
        tpu.enqueue_indirect_dma source(%arg13 : memref<128x64xf32, #tpu.memory_space<vmem>>) target(%dma_start3A_337 : memref<10112x64xf32, #tpu.memory_space<vmem_shared>>) offsets(%dma_start3A_334 : memref<128xi32, #tpu.memory_space<vmem>>) semaphore(%arg19 : memref<!tpu.dma_semaphore, #tpu.memory_space<semaphore_mem>>) {add = true}
        %add3A_338 = arith.constant 2 : i32
        %add3A_339 = arith.addi %add3A_259, %add3A_338 : i32
        %dma_wait3A_340 = arith.constant 0 : i32
        %dma_wait3A_341 = arith.constant 0 : i32
        %dma_wait3A_342 = tpu.memref_slice %arg9[%dma_wait3A_340, %dma_wait3A_341] : memref<157x128xi32, #tpu.memory_space<vmem>> -> memref<1x128xi32, #tpu.memory_space<vmem>>
        %dma_wait3A_343 = tpu.memref_squeeze %dma_wait3A_342 : memref<1x128xi32, #tpu.memory_space<vmem>> -> memref<128xi32, #tpu.memory_space<vmem>>
        %dma_wait3A_344 = arith.constant 0 : i32
        %dma_wait3A_345 = arith.constant 0 : i32
        %dma_wait3A_346 = tpu.memref_slice %arg26[%dma_wait3A_344, %dma_wait3A_345] : memref<10112x64xf32, #tpu.memory_space<vmem_shared>> -> memref<10112x64xf32, #tpu.memory_space<vmem_shared>>
        tpu.wait_indirect_dma semaphore(%arg21 : memref<!tpu.dma_semaphore, #tpu.memory_space<semaphore_mem>>) src(%arg15 : memref<128x64xf32, #tpu.memory_space<vmem>>) dst(%dma_wait3A_346 : memref<10112x64xf32, #tpu.memory_space<vmem_shared>>)
        %dma_wait3A_347 = arith.constant 0 : i32
        %dma_wait3A_348 = arith.constant 0 : i32
        %dma_wait3A_349 = tpu.memref_slice %arg4[%dma_wait3A_347, %dma_wait3A_348] : memref<2500x128xi32, #tpu.memory_space<hbm>> -> memref<1x128xi32, #tpu.memory_space<hbm>>
        %dma_wait3A_350 = tpu.memref_squeeze %dma_wait3A_349 : memref<1x128xi32, #tpu.memory_space<hbm>> -> memref<128xi32, #tpu.memory_space<hbm>>
        %dma_wait3A_351 = arith.constant 0 : i32
        %dma_wait3A_352 = tpu.memref_slice %arg4[%dma_wait3A_347, %dma_wait3A_351] : memref<2500x128xi32, #tpu.memory_space<hbm>> -> memref<1x128xi32, #tpu.memory_space<hbm>>
        %dma_wait3A_353 = tpu.memref_squeeze %dma_wait3A_352 : memref<1x128xi32, #tpu.memory_space<hbm>> -> memref<128xi32, #tpu.memory_space<hbm>>
        tpu.wait_dma2 semaphore(%arg24 : memref<!tpu.dma_semaphore, #tpu.memory_space<semaphore_mem>>) src(%dma_wait3A_353 : memref<128xi32, #tpu.memory_space<hbm>>) dst(%arg12 : memref<128xi32, #tpu.memory_space<vmem>>)
        %add3A_354 = arith.constant 1 : i32
        %add3A_355 = arith.addi %add3A_339, %add3A_354 : i32
        %dma_start3A_356 = arith.constant 0 : i32
        %dma_start3A_357 = arith.constant 0 : i32
        %dma_start3A_358 = tpu.memref_slice %arg25[%dma_start3A_356, %dma_start3A_357] : memref<10000x64xf32, #tpu.memory_space<vmem_shared>> -> memref<10000x64xf32, #tpu.memory_space<vmem_shared>>
        tpu.enqueue_indirect_dma source(%dma_start3A_358 : memref<10000x64xf32, #tpu.memory_space<vmem_shared>>) target(%arg15 : memref<128x64xf32, #tpu.memory_space<vmem>>) offsets(%arg12 : memref<128xi32, #tpu.memory_space<vmem>>) semaphore(%arg18 : memref<!tpu.dma_semaphore, #tpu.memory_space<semaphore_mem>>)
        %add3A_359 = arith.constant 2 : i32
        %add3A_360 = arith.addi %add3A_339, %add3A_359 : i32
        %add3A_361 = arith.addi %select_n3A, %add3A_360 : i32
        %dma_start3A_362 = arith.constant 0 : i32
        %dma_start3A_363 = tpu.memref_slice %arg4[%add3A_361, %dma_start3A_362] : memref<2500x128xi32, #tpu.memory_space<hbm>> -> memref<1x128xi32, #tpu.memory_space<hbm>>
        %dma_start3A_364 = tpu.memref_squeeze %dma_start3A_363 : memref<1x128xi32, #tpu.memory_space<hbm>> -> memref<128xi32, #tpu.memory_space<hbm>>
        %dma_start3A_365 = arith.constant 0 : i32
        %dma_start3A_366 = tpu.memref_slice %arg4[%add3A_361, %dma_start3A_365] : memref<2500x128xi32, #tpu.memory_space<hbm>> -> memref<1x128xi32, #tpu.memory_space<hbm>>
        %dma_start3A_367 = tpu.memref_squeeze %dma_start3A_366 : memref<1x128xi32, #tpu.memory_space<hbm>> -> memref<128xi32, #tpu.memory_space<hbm>>
        tpu.enqueue_dma source(%dma_start3A_367 : memref<128xi32, #tpu.memory_space<hbm>>) target(%arg10 : memref<128xi32, #tpu.memory_space<vmem>>) target_semaphore(%arg22 : memref<!tpu.dma_semaphore, #tpu.memory_space<semaphore_mem>>)
        %dma_wait3A_368 = arith.constant 0 : i32
        %dma_wait3A_369 = arith.constant 0 : i32
        %dma_wait3A_370 = tpu.memref_slice %arg25[%dma_wait3A_368, %dma_wait3A_369] : memref<10000x64xf32, #tpu.memory_space<vmem_shared>> -> memref<10000x64xf32, #tpu.memory_space<vmem_shared>>
        tpu.wait_indirect_dma semaphore(%arg17 : memref<!tpu.dma_semaphore, #tpu.memory_space<semaphore_mem>>) src(%dma_wait3A_370 : memref<10000x64xf32, #tpu.memory_space<vmem_shared>>) dst(%arg14 : memref<128x64xf32, #tpu.memory_space<vmem>>)
        %dma_start3A_371 = arith.constant 0 : i32
        %dma_start3A_372 = tpu.memref_slice %arg9[%add3A_339, %dma_start3A_371] : memref<157x128xi32, #tpu.memory_space<vmem>> -> memref<1x128xi32, #tpu.memory_space<vmem>>
        %dma_start3A_373 = tpu.memref_squeeze %dma_start3A_372 : memref<1x128xi32, #tpu.memory_space<vmem>> -> memref<128xi32, #tpu.memory_space<vmem>>
        %dma_start3A_374 = arith.constant 0 : i32
        %dma_start3A_375 = arith.constant 0 : i32
        %dma_start3A_376 = tpu.memref_slice %arg26[%dma_start3A_374, %dma_start3A_375] : memref<10112x64xf32, #tpu.memory_space<vmem_shared>> -> memref<10112x64xf32, #tpu.memory_space<vmem_shared>>
        tpu.enqueue_indirect_dma source(%arg14 : memref<128x64xf32, #tpu.memory_space<vmem>>) target(%dma_start3A_376 : memref<10112x64xf32, #tpu.memory_space<vmem_shared>>) offsets(%dma_start3A_373 : memref<128xi32, #tpu.memory_space<vmem>>) semaphore(%arg20 : memref<!tpu.dma_semaphore, #tpu.memory_space<semaphore_mem>>) {add = true}
      }
      %scan3A_196 = arith.constant 50 : i32
      %dma_wait3A_197 = arith.constant 0 : i32
      %dma_wait3A_198 = arith.constant 0 : i32
      %dma_wait3A_199 = tpu.memref_slice %arg9[%dma_wait3A_197, %dma_wait3A_198] : memref<157x128xi32, #tpu.memory_space<vmem>> -> memref<1x128xi32, #tpu.memory_space<vmem>>
      %dma_wait3A_200 = tpu.memref_squeeze %dma_wait3A_199 : memref<1x128xi32, #tpu.memory_space<vmem>> -> memref<128xi32, #tpu.memory_space<vmem>>
      %dma_wait3A_201 = arith.constant 0 : i32
      %dma_wait3A_202 = arith.constant 0 : i32
      %dma_wait3A_203 = tpu.memref_slice %arg26[%dma_wait3A_201, %dma_wait3A_202] : memref<10112x64xf32, #tpu.memory_space<vmem_shared>> -> memref<10112x64xf32, #tpu.memory_space<vmem_shared>>
      tpu.wait_indirect_dma semaphore(%arg19 : memref<!tpu.dma_semaphore, #tpu.memory_space<semaphore_mem>>) src(%arg13 : memref<128x64xf32, #tpu.memory_space<vmem>>) dst(%dma_wait3A_203 : memref<10112x64xf32, #tpu.memory_space<vmem_shared>>)
      %dma_wait3A_204 = arith.constant 0 : i32
      %dma_wait3A_205 = arith.constant 0 : i32
      %dma_wait3A_206 = tpu.memref_slice %arg4[%dma_wait3A_204, %dma_wait3A_205] : memref<2500x128xi32, #tpu.memory_space<hbm>> -> memref<1x128xi32, #tpu.memory_space<hbm>>
      %dma_wait3A_207 = tpu.memref_squeeze %dma_wait3A_206 : memref<1x128xi32, #tpu.memory_space<hbm>> -> memref<128xi32, #tpu.memory_space<hbm>>
      %dma_wait3A_208 = arith.constant 0 : i32
      %dma_wait3A_209 = tpu.memref_slice %arg4[%dma_wait3A_204, %dma_wait3A_208] : memref<2500x128xi32, #tpu.memory_space<hbm>> -> memref<1x128xi32, #tpu.memory_space<hbm>>
      %dma_wait3A_210 = tpu.memref_squeeze %dma_wait3A_209 : memref<1x128xi32, #tpu.memory_space<hbm>> -> memref<128xi32, #tpu.memory_space<hbm>>
      tpu.wait_dma2 semaphore(%arg22 : memref<!tpu.dma_semaphore, #tpu.memory_space<semaphore_mem>>) src(%dma_wait3A_210 : memref<128xi32, #tpu.memory_space<hbm>>) dst(%arg10 : memref<128xi32, #tpu.memory_space<vmem>>)
      %dma_start3A_211 = arith.constant 0 : i32
      %dma_start3A_212 = arith.constant 0 : i32
      %dma_start3A_213 = tpu.memref_slice %arg25[%dma_start3A_211, %dma_start3A_212] : memref<10000x64xf32, #tpu.memory_space<vmem_shared>> -> memref<10000x64xf32, #tpu.memory_space<vmem_shared>>
      tpu.enqueue_indirect_dma source(%dma_start3A_213 : memref<10000x64xf32, #tpu.memory_space<vmem_shared>>) target(%arg13 : memref<128x64xf32, #tpu.memory_space<vmem>>) offsets(%arg10 : memref<128xi32, #tpu.memory_space<vmem>>) semaphore(%arg16 : memref<!tpu.dma_semaphore, #tpu.memory_space<semaphore_mem>>)
      %dma_wait3A_214 = arith.constant 0 : i32
      %dma_wait3A_215 = arith.constant 0 : i32
      %dma_wait3A_216 = tpu.memref_slice %arg25[%dma_wait3A_214, %dma_wait3A_215] : memref<10000x64xf32, #tpu.memory_space<vmem_shared>> -> memref<10000x64xf32, #tpu.memory_space<vmem_shared>>
      tpu.wait_indirect_dma semaphore(%arg18 : memref<!tpu.dma_semaphore, #tpu.memory_space<semaphore_mem>>) src(%dma_wait3A_216 : memref<10000x64xf32, #tpu.memory_space<vmem_shared>>) dst(%arg15 : memref<128x64xf32, #tpu.memory_space<vmem>>)
      %dma_start3A_217 = arith.constant 152 : i32
      %dma_start3A_218 = arith.constant 0 : i32
      %dma_start3A_219 = tpu.memref_slice %arg9[%dma_start3A_217, %dma_start3A_218] : memref<157x128xi32, #tpu.memory_space<vmem>> -> memref<1x128xi32, #tpu.memory_space<vmem>>
      %dma_start3A_220 = tpu.memref_squeeze %dma_start3A_219 : memref<1x128xi32, #tpu.memory_space<vmem>> -> memref<128xi32, #tpu.memory_space<vmem>>
      %dma_start3A_221 = arith.constant 0 : i32
      %dma_start3A_222 = arith.constant 0 : i32
      %dma_start3A_223 = tpu.memref_slice %arg26[%dma_start3A_221, %dma_start3A_222] : memref<10112x64xf32, #tpu.memory_space<vmem_shared>> -> memref<10112x64xf32, #tpu.memory_space<vmem_shared>>
      tpu.enqueue_indirect_dma source(%arg15 : memref<128x64xf32, #tpu.memory_space<vmem>>) target(%dma_start3A_223 : memref<10112x64xf32, #tpu.memory_space<vmem_shared>>) offsets(%dma_start3A_220 : memref<128xi32, #tpu.memory_space<vmem>>) semaphore(%arg21 : memref<!tpu.dma_semaphore, #tpu.memory_space<semaphore_mem>>) {add = true}
      %dma_wait3A_224 = arith.constant 0 : i32
      %dma_wait3A_225 = arith.constant 0 : i32
      %dma_wait3A_226 = tpu.memref_slice %arg9[%dma_wait3A_224, %dma_wait3A_225] : memref<157x128xi32, #tpu.memory_space<vmem>> -> memref<1x128xi32, #tpu.memory_space<vmem>>
      %dma_wait3A_227 = tpu.memref_squeeze %dma_wait3A_226 : memref<1x128xi32, #tpu.memory_space<vmem>> -> memref<128xi32, #tpu.memory_space<vmem>>
      %dma_wait3A_228 = arith.constant 0 : i32
      %dma_wait3A_229 = arith.constant 0 : i32
      %dma_wait3A_230 = tpu.memref_slice %arg26[%dma_wait3A_228, %dma_wait3A_229] : memref<10112x64xf32, #tpu.memory_space<vmem_shared>> -> memref<10112x64xf32, #tpu.memory_space<vmem_shared>>
      tpu.wait_indirect_dma semaphore(%arg20 : memref<!tpu.dma_semaphore, #tpu.memory_space<semaphore_mem>>) src(%arg14 : memref<128x64xf32, #tpu.memory_space<vmem>>) dst(%dma_wait3A_230 : memref<10112x64xf32, #tpu.memory_space<vmem_shared>>)
      %dma_wait3A_231 = arith.constant 0 : i32
      %dma_wait3A_232 = arith.constant 0 : i32
      %dma_wait3A_233 = tpu.memref_slice %arg25[%dma_wait3A_231, %dma_wait3A_232] : memref<10000x64xf32, #tpu.memory_space<vmem_shared>> -> memref<10000x64xf32, #tpu.memory_space<vmem_shared>>
      tpu.wait_indirect_dma semaphore(%arg16 : memref<!tpu.dma_semaphore, #tpu.memory_space<semaphore_mem>>) src(%dma_wait3A_233 : memref<10000x64xf32, #tpu.memory_space<vmem_shared>>) dst(%arg13 : memref<128x64xf32, #tpu.memory_space<vmem>>)
      %dma_start3A_234 = arith.constant 153 : i32
      %dma_start3A_235 = arith.constant 0 : i32
      %dma_start3A_236 = tpu.memref_slice %arg9[%dma_start3A_234, %dma_start3A_235] : memref<157x128xi32, #tpu.memory_space<vmem>> -> memref<1x128xi32, #tpu.memory_space<vmem>>
      %dma_start3A_237 = tpu.memref_squeeze %dma_start3A_236 : memref<1x128xi32, #tpu.memory_space<vmem>> -> memref<128xi32, #tpu.memory_space<vmem>>
      %dma_start3A_238 = arith.constant 0 : i32
      %dma_start3A_239 = arith.constant 0 : i32
      %dma_start3A_240 = tpu.memref_slice %arg26[%dma_start3A_238, %dma_start3A_239] : memref<10112x64xf32, #tpu.memory_space<vmem_shared>> -> memref<10112x64xf32, #tpu.memory_space<vmem_shared>>
      tpu.enqueue_indirect_dma source(%arg13 : memref<128x64xf32, #tpu.memory_space<vmem>>) target(%dma_start3A_240 : memref<10112x64xf32, #tpu.memory_space<vmem_shared>>) offsets(%dma_start3A_237 : memref<128xi32, #tpu.memory_space<vmem>>) semaphore(%arg19 : memref<!tpu.dma_semaphore, #tpu.memory_space<semaphore_mem>>) {add = true}
      %dma_wait3A_241 = arith.constant 0 : i32
      %dma_wait3A_242 = arith.constant 0 : i32
      %dma_wait3A_243 = tpu.memref_slice %arg9[%dma_wait3A_241, %dma_wait3A_242] : memref<157x128xi32, #tpu.memory_space<vmem>> -> memref<1x128xi32, #tpu.memory_space<vmem>>
      %dma_wait3A_244 = tpu.memref_squeeze %dma_wait3A_243 : memref<1x128xi32, #tpu.memory_space<vmem>> -> memref<128xi32, #tpu.memory_space<vmem>>
      %dma_wait3A_245 = arith.constant 0 : i32
      %dma_wait3A_246 = arith.constant 0 : i32
      %dma_wait3A_247 = tpu.memref_slice %arg26[%dma_wait3A_245, %dma_wait3A_246] : memref<10112x64xf32, #tpu.memory_space<vmem_shared>> -> memref<10112x64xf32, #tpu.memory_space<vmem_shared>>
      tpu.wait_indirect_dma semaphore(%arg21 : memref<!tpu.dma_semaphore, #tpu.memory_space<semaphore_mem>>) src(%arg15 : memref<128x64xf32, #tpu.memory_space<vmem>>) dst(%dma_wait3A_247 : memref<10112x64xf32, #tpu.memory_space<vmem_shared>>)
      %dma_wait3A_248 = arith.constant 0 : i32
      %dma_wait3A_249 = arith.constant 0 : i32
      %dma_wait3A_250 = tpu.memref_slice %arg9[%dma_wait3A_248, %dma_wait3A_249] : memref<157x128xi32, #tpu.memory_space<vmem>> -> memref<1x128xi32, #tpu.memory_space<vmem>>
      %dma_wait3A_251 = tpu.memref_squeeze %dma_wait3A_250 : memref<1x128xi32, #tpu.memory_space<vmem>> -> memref<128xi32, #tpu.memory_space<vmem>>
      %dma_wait3A_252 = arith.constant 0 : i32
      %dma_wait3A_253 = arith.constant 0 : i32
      %dma_wait3A_254 = tpu.memref_slice %arg26[%dma_wait3A_252, %dma_wait3A_253] : memref<10112x64xf32, #tpu.memory_space<vmem_shared>> -> memref<10112x64xf32, #tpu.memory_space<vmem_shared>>
      tpu.wait_indirect_dma semaphore(%arg19 : memref<!tpu.dma_semaphore, #tpu.memory_space<semaphore_mem>>) src(%arg13 : memref<128x64xf32, #tpu.memory_space<vmem>>) dst(%dma_wait3A_254 : memref<10112x64xf32, #tpu.memory_space<vmem_shared>>)
    } else {
    }
    %barrier3A_85 = arith.constant 0 : index
    tpu.barrier barrier_id(%barrier3A_85)
    %eq3A_86 = arith.constant 0 : i32
    %eq3A_87 = arith.cmpi eq, %arg0, %eq3A_86 : i32
    %lt3A_88 = arith.constant 15 : i32
    %lt3A_89 = arith.cmpi slt, %arg1, %lt3A_88 : i32
    %and3A_90 = arith.andi %eq3A_87, %lt3A_89 : i1
    %convert_element_type3A_91 = arith.extui %and3A_90 : i1 to i32
    %cond3A_92 = arith.constant 0 : i32
    %cond3A_93 = arith.cmpi ne, %convert_element_type3A_91, %cond3A_92 : i32
    scf.if %cond3A_93 {
      %mul3A_118 = arith.constant 632 : i32
      %mul3A_119 = arith.muli %arg1, %mul3A_118 : i32
      %mul3A_120 = arith.constant 632 : i32
      %mul3A_121 = arith.muli %arg1, %mul3A_120 : i32
      "tpu.region"() ({
        %run_scoped3A = tpu.sem_alloc : memref<!tpu.dma_semaphore, #tpu.memory_space<semaphore_mem>>
        %dma_start3A_122 = arith.constant 0 : i32
        %dma_start3A_123 = tpu.memref_slice %arg7[%mul3A_121, %dma_start3A_122] : memref<10000x64xf32, #tpu.memory_space<hbm>> -> memref<632x64xf32, #tpu.memory_space<hbm>>
        %dma_start3A_124 = arith.constant 0 : i32
        %dma_start3A_125 = tpu.memref_slice %arg26[%mul3A_119, %dma_start3A_124] : memref<10112x64xf32, #tpu.memory_space<vmem_shared>> -> memref<632x64xf32, #tpu.memory_space<vmem_shared>>
        tpu.enqueue_dma source(%dma_start3A_125 : memref<632x64xf32, #tpu.memory_space<vmem_shared>>) target(%dma_start3A_123 : memref<632x64xf32, #tpu.memory_space<hbm>>) target_semaphore(%run_scoped3A : memref<!tpu.dma_semaphore, #tpu.memory_space<semaphore_mem>>)
        %dma_wait3A_126 = arith.constant 0 : i32
        %dma_wait3A_127 = tpu.memref_slice %arg7[%mul3A_121, %dma_wait3A_126] : memref<10000x64xf32, #tpu.memory_space<hbm>> -> memref<632x64xf32, #tpu.memory_space<hbm>>
        %dma_wait3A_128 = arith.constant 0 : i32
        %dma_wait3A_129 = tpu.memref_slice %arg26[%mul3A_119, %dma_wait3A_128] : memref<10112x64xf32, #tpu.memory_space<vmem_shared>> -> memref<632x64xf32, #tpu.memory_space<vmem_shared>>
        tpu.wait_dma2 semaphore(%run_scoped3A : memref<!tpu.dma_semaphore, #tpu.memory_space<semaphore_mem>>) src(%dma_wait3A_129 : memref<632x64xf32, #tpu.memory_space<vmem_shared>>) dst(%dma_wait3A_127 : memref<632x64xf32, #tpu.memory_space<hbm>>)
        tpu.yield
      }) : () -> ()
    } else {
    }
    %eq3A_94 = arith.constant 0 : i32
    %eq3A_95 = arith.cmpi eq, %arg0, %eq3A_94 : i32
    %eq3A_96 = arith.constant 15 : i32
    %eq3A_97 = arith.cmpi eq, %arg1, %eq3A_96 : i32
    %and3A_98 = arith.andi %eq3A_95, %eq3A_97 : i1
    %convert_element_type3A_99 = arith.extui %and3A_98 : i1 to i32
    %cond3A_100 = arith.constant 0 : i32
    %cond3A_101 = arith.cmpi ne, %convert_element_type3A_99, %cond3A_100 : i32
    scf.if %cond3A_101 {
      "tpu.region"() ({
        %run_scoped3A = tpu.sem_alloc : memref<!tpu.dma_semaphore, #tpu.memory_space<semaphore_mem>>
        %dma_start3A_118 = arith.constant 9480 : i32
        %dma_start3A_119 = arith.constant 0 : i32
        %dma_start3A_120 = tpu.memref_slice %arg7[%dma_start3A_118, %dma_start3A_119] : memref<10000x64xf32, #tpu.memory_space<hbm>> -> memref<520x64xf32, #tpu.memory_space<hbm>>
        %dma_start3A_121 = arith.constant 9480 : i32
        %dma_start3A_122 = arith.constant 0 : i32
        %dma_start3A_123 = tpu.memref_slice %arg26[%dma_start3A_121, %dma_start3A_122] : memref<10112x64xf32, #tpu.memory_space<vmem_shared>> -> memref<520x64xf32, #tpu.memory_space<vmem_shared>>
        tpu.enqueue_dma source(%dma_start3A_123 : memref<520x64xf32, #tpu.memory_space<vmem_shared>>) target(%dma_start3A_120 : memref<520x64xf32, #tpu.memory_space<hbm>>) target_semaphore(%run_scoped3A : memref<!tpu.dma_semaphore, #tpu.memory_space<semaphore_mem>>)
        %dma_wait3A_124 = arith.constant 9480 : i32
        %dma_wait3A_125 = arith.constant 0 : i32
        %dma_wait3A_126 = tpu.memref_slice %arg7[%dma_wait3A_124, %dma_wait3A_125] : memref<10000x64xf32, #tpu.memory_space<hbm>> -> memref<520x64xf32, #tpu.memory_space<hbm>>
        %dma_wait3A_127 = arith.constant 9480 : i32
        %dma_wait3A_128 = arith.constant 0 : i32
        %dma_wait3A_129 = tpu.memref_slice %arg26[%dma_wait3A_127, %dma_wait3A_128] : memref<10112x64xf32, #tpu.memory_space<vmem_shared>> -> memref<520x64xf32, #tpu.memory_space<vmem_shared>>
        tpu.wait_dma2 semaphore(%run_scoped3A : memref<!tpu.dma_semaphore, #tpu.memory_space<semaphore_mem>>) src(%dma_wait3A_129 : memref<520x64xf32, #tpu.memory_space<vmem_shared>>) dst(%dma_wait3A_126 : memref<520x64xf32, #tpu.memory_space<hbm>>)
        tpu.yield
      }) : () -> ()
    } else {
    }
    %eq3A_102 = arith.constant 1 : i32
    %eq3A_103 = arith.cmpi eq, %arg0, %eq3A_102 : i32
    %lt3A_104 = arith.constant 15 : i32
    %lt3A_105 = arith.cmpi slt, %arg1, %lt3A_104 : i32
    %and3A_106 = arith.andi %eq3A_103, %lt3A_105 : i1
    %convert_element_type3A_107 = arith.extui %and3A_106 : i1 to i32
    %cond3A_108 = arith.constant 0 : i32
    %cond3A_109 = arith.cmpi ne, %convert_element_type3A_107, %cond3A_108 : i32
    scf.if %cond3A_109 {
      %mul3A_118 = arith.constant 632 : i32
      %mul3A_119 = arith.muli %arg1, %mul3A_118 : i32
      %mul3A_120 = arith.constant 632 : i32
      %mul3A_121 = arith.muli %arg1, %mul3A_120 : i32
      "tpu.region"() ({
        %run_scoped3A = tpu.sem_alloc : memref<!tpu.dma_semaphore, #tpu.memory_space<semaphore_mem>>
        %dma_start3A_122 = arith.constant 0 : i32
        %dma_start3A_123 = tpu.memref_slice %arg8[%mul3A_121, %dma_start3A_122] : memref<10000x64xf32, #tpu.memory_space<hbm>> -> memref<632x64xf32, #tpu.memory_space<hbm>>
        %dma_start3A_124 = arith.constant 0 : i32
        %dma_start3A_125 = tpu.memref_slice %arg26[%mul3A_119, %dma_start3A_124] : memref<10112x64xf32, #tpu.memory_space<vmem_shared>> -> memref<632x64xf32, #tpu.memory_space<vmem_shared>>
        tpu.enqueue_dma source(%dma_start3A_125 : memref<632x64xf32, #tpu.memory_space<vmem_shared>>) target(%dma_start3A_123 : memref<632x64xf32, #tpu.memory_space<hbm>>) target_semaphore(%run_scoped3A : memref<!tpu.dma_semaphore, #tpu.memory_space<semaphore_mem>>)
        %dma_wait3A_126 = arith.constant 0 : i32
        %dma_wait3A_127 = tpu.memref_slice %arg8[%mul3A_121, %dma_wait3A_126] : memref<10000x64xf32, #tpu.memory_space<hbm>> -> memref<632x64xf32, #tpu.memory_space<hbm>>
        %dma_wait3A_128 = arith.constant 0 : i32
        %dma_wait3A_129 = tpu.memref_slice %arg26[%mul3A_119, %dma_wait3A_128] : memref<10112x64xf32, #tpu.memory_space<vmem_shared>> -> memref<632x64xf32, #tpu.memory_space<vmem_shared>>
        tpu.wait_dma2 semaphore(%run_scoped3A : memref<!tpu.dma_semaphore, #tpu.memory_space<semaphore_mem>>) src(%dma_wait3A_129 : memref<632x64xf32, #tpu.memory_space<vmem_shared>>) dst(%dma_wait3A_127 : memref<632x64xf32, #tpu.memory_space<hbm>>)
        tpu.yield
      }) : () -> ()
    } else {
    }
    %eq3A_110 = arith.constant 1 : i32
    %eq3A_111 = arith.cmpi eq, %arg0, %eq3A_110 : i32
    %eq3A_112 = arith.constant 15 : i32
    %eq3A_113 = arith.cmpi eq, %arg1, %eq3A_112 : i32
    %and3A_114 = arith.andi %eq3A_111, %eq3A_113 : i1
    %convert_element_type3A_115 = arith.extui %and3A_114 : i1 to i32
    %cond3A_116 = arith.constant 0 : i32
    %cond3A_117 = arith.cmpi ne, %convert_element_type3A_115, %cond3A_116 : i32
    scf.if %cond3A_117 {
      "tpu.region"() ({
        %run_scoped3A = tpu.sem_alloc : memref<!tpu.dma_semaphore, #tpu.memory_space<semaphore_mem>>
        %dma_start3A_118 = arith.constant 9480 : i32
        %dma_start3A_119 = arith.constant 0 : i32
        %dma_start3A_120 = tpu.memref_slice %arg8[%dma_start3A_118, %dma_start3A_119] : memref<10000x64xf32, #tpu.memory_space<hbm>> -> memref<520x64xf32, #tpu.memory_space<hbm>>
        %dma_start3A_121 = arith.constant 9480 : i32
        %dma_start3A_122 = arith.constant 0 : i32
        %dma_start3A_123 = tpu.memref_slice %arg26[%dma_start3A_121, %dma_start3A_122] : memref<10112x64xf32, #tpu.memory_space<vmem_shared>> -> memref<520x64xf32, #tpu.memory_space<vmem_shared>>
        tpu.enqueue_dma source(%dma_start3A_123 : memref<520x64xf32, #tpu.memory_space<vmem_shared>>) target(%dma_start3A_120 : memref<520x64xf32, #tpu.memory_space<hbm>>) target_semaphore(%run_scoped3A : memref<!tpu.dma_semaphore, #tpu.memory_space<semaphore_mem>>)
        %dma_wait3A_124 = arith.constant 9480 : i32
        %dma_wait3A_125 = arith.constant 0 : i32
        %dma_wait3A_126 = tpu.memref_slice %arg8[%dma_wait3A_124, %dma_wait3A_125] : memref<10000x64xf32, #tpu.memory_space<hbm>> -> memref<520x64xf32, #tpu.memory_space<hbm>>
        %dma_wait3A_127 = arith.constant 9480 : i32
        %dma_wait3A_128 = arith.constant 0 : i32
        %dma_wait3A_129 = tpu.memref_slice %arg26[%dma_wait3A_127, %dma_wait3A_128] : memref<10112x64xf32, #tpu.memory_space<vmem_shared>> -> memref<520x64xf32, #tpu.memory_space<vmem_shared>>
        tpu.wait_dma2 semaphore(%run_scoped3A : memref<!tpu.dma_semaphore, #tpu.memory_space<semaphore_mem>>) src(%dma_wait3A_129 : memref<520x64xf32, #tpu.memory_space<vmem_shared>>) dst(%dma_wait3A_126 : memref<520x64xf32, #tpu.memory_space<hbm>>)
        tpu.yield
      }) : () -> ()
    } else {
    }
    return
  }
}

module attributes {stable_mosaic.version = 14 : i64} {
  func.func @_mm_body(%arg0: i32, %arg1: memref<2000x128xf32, #tpu.memory_space<vmem>>, %arg2: memref<128x128xf32, #tpu.memory_space<vmem>>, %arg3: memref<2000x64xf32, #tpu.memory_space<vmem>>, %arg4: memref<2000x64xf32, #tpu.memory_space<vmem>>) attributes {dimension_semantics = [#tpu.dimension_semantics<arbitrary>], iteration_bounds = array<i64: 5>, scalar_prefetch = 0 : i64, scratch_operands = 0 : i64, tpu.core_type = #tpu.core_type<tc>, window_params = [{transform_indices = @transform_0, window_bounds = array<i64: 2000, 128>}, {pipeline_mode = #tpu.pipeline_mode<synchronous>, transform_indices = @transform_1, window_bounds = array<i64: 128, 128>}, {transform_indices = @transform_2, window_bounds = array<i64: 2000, 64>}, {transform_indices = @transform_3, window_bounds = array<i64: 2000, 64>}]} {
    %get3A = arith.constant 0 : index
    %get3A_0 = arith.constant 0 : index
    %get3A_1 = vector.load %arg1[%get3A, %get3A_0] : memref<2000x128xf32, #tpu.memory_space<vmem>>, vector<2000x128xf32>
    %get3A_2 = arith.constant 0 : index
    %get3A_3 = arith.constant 0 : index
    %get3A_4 = vector.load %arg2[%get3A_2, %get3A_3] : memref<128x128xf32, #tpu.memory_space<vmem>>, vector<128x128xf32>
    %dot_general3A = arith.constant dense<0.000000e+00> : vector<2000x128xf32>
    %dot_general3A_5 = tpu.matmul %get3A_1, %get3A_4, %dot_general3A {dimension_numbers = #tpu.dot_dimension_numbers<[1], [0], [0], [1], [0, 0, 1, 1], [], []>, transpose_lhs_hint = false} : vector<2000x128xf32>, vector<128x128xf32>, vector<2000x128xf32> -> vector<2000x128xf32>
    %slice3A = vector.extract_strided_slice %dot_general3A_5 {offsets = [0, 0], sizes = [2000, 64], strides = [1, 1]} : vector<2000x128xf32> to vector<2000x64xf32>
    %swap3A = arith.constant 0 : index
    %swap3A_6 = arith.constant 0 : index
    %swap3A_7 = vector.load %arg3[%swap3A, %swap3A_6] : memref<2000x64xf32, #tpu.memory_space<vmem>>, vector<2000x64xf32>
    tpu.vector_store %arg3[%swap3A, %swap3A_6], %slice3A {strides = array<i32>} : memref<2000x64xf32, #tpu.memory_space<vmem>>, vector<2000x64xf32>,
    %slice3A_8 = vector.extract_strided_slice %dot_general3A_5 {offsets = [0, 64], sizes = [2000, 64], strides = [1, 1]} : vector<2000x128xf32> to vector<2000x64xf32>
    %swap3A_9 = arith.constant 0 : index
    %swap3A_10 = arith.constant 0 : index
    %swap3A_11 = vector.load %arg4[%swap3A_9, %swap3A_10] : memref<2000x64xf32, #tpu.memory_space<vmem>>, vector<2000x64xf32>
    tpu.vector_store %arg4[%swap3A_9, %swap3A_10], %slice3A_8 {strides = array<i32>} : memref<2000x64xf32, #tpu.memory_space<vmem>>, vector<2000x64xf32>,
    return
  }
  func.func @transform_0(%arg0: i32) -> (i32, i32) {
    %c0_i32 = arith.constant 0 : i32
    %c0_i32_0 = arith.constant 0 : i32
    return %arg0, %c0_i32 : i32, i32
  }
  func.func @transform_1(%arg0: i32) -> (i32, i32) {
    %c0_i32 = arith.constant 0 : i32
    %c0_i32_0 = arith.constant 0 : i32
    %c0_i32_1 = arith.constant 0 : i32
    return %c0_i32, %c0_i32_0 : i32, i32
  }
  func.func @transform_2(%arg0: i32) -> (i32, i32) {
    %c0_i32 = arith.constant 0 : i32
    %c0_i32_0 = arith.constant 0 : i32
    return %arg0, %c0_i32 : i32, i32
  }
  func.func @transform_3(%arg0: i32) -> (i32, i32) {
    %c0_i32 = arith.constant 0 : i32
    %c0_i32_0 = arith.constant 0 : i32
    return %arg0, %c0_i32 : i32, i32
  }
}

module attributes {stable_mosaic.version = 14 : i64} {
  func.func @_mm_relu_body(%arg0: i32, %arg1: memref<2000x64xf32, #tpu.memory_space<vmem>>, %arg2: memref<2000x64xf32, #tpu.memory_space<vmem>>, %arg3: memref<128x128xf32, #tpu.memory_space<vmem>>, %arg4: memref<2000x64xf32, #tpu.memory_space<vmem>>, %arg5: memref<2000x64xf32, #tpu.memory_space<vmem>>) attributes {dimension_semantics = [#tpu.dimension_semantics<arbitrary>], iteration_bounds = array<i64: 5>, scalar_prefetch = 0 : i64, scratch_operands = 0 : i64, tpu.core_type = #tpu.core_type<tc>, window_params = [{transform_indices = @transform_0, window_bounds = array<i64: 2000, 64>}, {transform_indices = @transform_1, window_bounds = array<i64: 2000, 64>}, {pipeline_mode = #tpu.pipeline_mode<synchronous>, transform_indices = @transform_2, window_bounds = array<i64: 128, 128>}, {transform_indices = @transform_3, window_bounds = array<i64: 2000, 64>}, {transform_indices = @transform_4, window_bounds = array<i64: 2000, 64>}]} {
    %get3A = arith.constant 0 : index
    %get3A_0 = arith.constant 0 : index
    %get3A_1 = vector.load %arg1[%get3A, %get3A_0] : memref<2000x64xf32, #tpu.memory_space<vmem>>, vector<2000x64xf32>
    %get3A_2 = arith.constant 0 : index
    %get3A_3 = arith.constant 0 : index
    %get3A_4 = vector.load %arg2[%get3A_2, %get3A_3] : memref<2000x64xf32, #tpu.memory_space<vmem>>, vector<2000x64xf32>
    %concatenate3A = tpu.concatenate %get3A_1, %get3A_4 in 1 : vector<2000x64xf32>, vector<2000x64xf32> -> vector<2000x128xf32>
    %max3A = arith.constant 0.000000e+00 : f32
    %max3A_5 = vector.broadcast %max3A : f32 to vector<2000x128xf32>
    %max3A_6 = arith.maximumf %concatenate3A, %max3A_5 : vector<2000x128xf32>
    %get3A_7 = arith.constant 0 : index
    %get3A_8 = arith.constant 0 : index
    %get3A_9 = vector.load %arg3[%get3A_7, %get3A_8] : memref<128x128xf32, #tpu.memory_space<vmem>>, vector<128x128xf32>
    %dot_general3A = arith.constant dense<0.000000e+00> : vector<2000x128xf32>
    %dot_general3A_10 = tpu.matmul %max3A_6, %get3A_9, %dot_general3A {dimension_numbers = #tpu.dot_dimension_numbers<[1], [0], [0], [1], [0, 0, 1, 1], [], []>, transpose_lhs_hint = false} : vector<2000x128xf32>, vector<128x128xf32>, vector<2000x128xf32> -> vector<2000x128xf32>
    %slice3A = vector.extract_strided_slice %dot_general3A_10 {offsets = [0, 0], sizes = [2000, 64], strides = [1, 1]} : vector<2000x128xf32> to vector<2000x64xf32>
    %swap3A = arith.constant 0 : index
    %swap3A_11 = arith.constant 0 : index
    %swap3A_12 = vector.load %arg4[%swap3A, %swap3A_11] : memref<2000x64xf32, #tpu.memory_space<vmem>>, vector<2000x64xf32>
    tpu.vector_store %arg4[%swap3A, %swap3A_11], %slice3A {strides = array<i32>} : memref<2000x64xf32, #tpu.memory_space<vmem>>, vector<2000x64xf32>,
    %slice3A_13 = vector.extract_strided_slice %dot_general3A_10 {offsets = [0, 64], sizes = [2000, 64], strides = [1, 1]} : vector<2000x128xf32> to vector<2000x64xf32>
    %swap3A_14 = arith.constant 0 : index
    %swap3A_15 = arith.constant 0 : index
    %swap3A_16 = vector.load %arg5[%swap3A_14, %swap3A_15] : memref<2000x64xf32, #tpu.memory_space<vmem>>, vector<2000x64xf32>
    tpu.vector_store %arg5[%swap3A_14, %swap3A_15], %slice3A_13 {strides = array<i32>} : memref<2000x64xf32, #tpu.memory_space<vmem>>, vector<2000x64xf32>,
    return
  }
  func.func @transform_0(%arg0: i32) -> (i32, i32) {
    %c0_i32 = arith.constant 0 : i32
    %c0_i32_0 = arith.constant 0 : i32
    return %arg0, %c0_i32 : i32, i32
  }
  func.func @transform_1(%arg0: i32) -> (i32, i32) {
    %c0_i32 = arith.constant 0 : i32
    %c0_i32_0 = arith.constant 0 : i32
    return %arg0, %c0_i32 : i32, i32
  }
  func.func @transform_2(%arg0: i32) -> (i32, i32) {
    %c0_i32 = arith.constant 0 : i32
    %c0_i32_0 = arith.constant 0 : i32
    %c0_i32_1 = arith.constant 0 : i32
    return %c0_i32, %c0_i32_0 : i32, i32
  }
  func.func @transform_3(%arg0: i32) -> (i32, i32) {
    %c0_i32 = arith.constant 0 : i32
    %c0_i32_0 = arith.constant 0 : i32
    return %arg0, %c0_i32 : i32, i32
  }
  func.func @transform_4(%arg0: i32) -> (i32, i32) {
    %c0_i32 = arith.constant 0 : i32
    %c0_i32_0 = arith.constant 0 : i32
    return %arg0, %c0_i32 : i32, i32
  }
}

module attributes {stable_mosaic.version = 14 : i64} {
  func.func @_logsoftmax_body(%arg0: i32, %arg1: memref<2000x64xf32, #tpu.memory_space<vmem>>, %arg2: memref<2000x64xf32, #tpu.memory_space<vmem>>, %arg3: memref<2000x128xf32, #tpu.memory_space<vmem>>) attributes {dimension_semantics = [#tpu.dimension_semantics<arbitrary>], iteration_bounds = array<i64: 5>, scalar_prefetch = 0 : i64, scratch_operands = 0 : i64, tpu.core_type = #tpu.core_type<tc>, window_params = [{transform_indices = @transform_0, window_bounds = array<i64: 2000, 64>}, {transform_indices = @transform_1, window_bounds = array<i64: 2000, 64>}, {transform_indices = @transform_2, window_bounds = array<i64: 2000, 128>}]} {
    %get3A = arith.constant 0 : index
    %get3A_0 = arith.constant 0 : index
    %get3A_1 = vector.load %arg1[%get3A, %get3A_0] : memref<2000x64xf32, #tpu.memory_space<vmem>>, vector<2000x64xf32>
    %get3A_2 = arith.constant 0 : index
    %get3A_3 = arith.constant 0 : index
    %get3A_4 = vector.load %arg2[%get3A_2, %get3A_3] : memref<2000x64xf32, #tpu.memory_space<vmem>>, vector<2000x64xf32>
    %concatenate3A = tpu.concatenate %get3A_1, %get3A_4 in 1 : vector<2000x64xf32>, vector<2000x64xf32> -> vector<2000x128xf32>
    %reduce_max3A = arith.constant dense<0xFF800000> : vector<2000xf32>
    %reduce_max3A_5 = vector.multi_reduction <maximumf>, %concatenate3A, %reduce_max3A [1] : vector<2000x128xf32> to vector<2000xf32>
    %broadcast_in_dim3A = vector.shape_cast %reduce_max3A_5 : vector<2000xf32> to vector<2000x1xf32>
    %sub3A = vector.broadcast %broadcast_in_dim3A : vector<2000x1xf32> to vector<2000x128xf32>
    %sub3A_6 = arith.subf %concatenate3A, %sub3A : vector<2000x128xf32>
    %exp3A = math.exp %sub3A_6 : vector<2000x128xf32>
    %sub3A_7 = vector.broadcast %broadcast_in_dim3A : vector<2000x1xf32> to vector<2000x128xf32>
    %sub3A_8 = arith.subf %concatenate3A, %sub3A_7 : vector<2000x128xf32>
    %reduce_sum3A = arith.constant dense<0.000000e+00> : vector<2000xf32>
    %reduce_sum3A_9 = vector.multi_reduction <add>, %exp3A, %reduce_sum3A [1] : vector<2000x128xf32> to vector<2000xf32>
    %broadcast_in_dim3A_10 = vector.shape_cast %reduce_sum3A_9 : vector<2000xf32> to vector<2000x1xf32>
    %log3A = math.log %broadcast_in_dim3A_10 : vector<2000x1xf32>
    %sub3A_11 = vector.broadcast %log3A : vector<2000x1xf32> to vector<2000x128xf32>
    %sub3A_12 = arith.subf %sub3A_8, %sub3A_11 : vector<2000x128xf32>
    %swap3A = arith.constant 0 : index
    %swap3A_13 = arith.constant 0 : index
    %swap3A_14 = vector.load %arg3[%swap3A, %swap3A_13] : memref<2000x128xf32, #tpu.memory_space<vmem>>, vector<2000x128xf32>
    tpu.vector_store %arg3[%swap3A, %swap3A_13], %sub3A_12 {strides = array<i32>} : memref<2000x128xf32, #tpu.memory_space<vmem>>, vector<2000x128xf32>,
    return
  }
  func.func @transform_0(%arg0: i32) -> (i32, i32) {
    %c0_i32 = arith.constant 0 : i32
    %c0_i32_0 = arith.constant 0 : i32
    return %arg0, %c0_i32 : i32, i32
  }
  func.func @transform_1(%arg0: i32) -> (i32, i32) {
    %c0_i32 = arith.constant 0 : i32
    %c0_i32_0 = arith.constant 0 : i32
    return %arg0, %c0_i32 : i32, i32
  }
  func.func @transform_2(%arg0: i32) -> (i32, i32) {
    %c0_i32 = arith.constant 0 : i32
    %c0_i32_0 = arith.constant 0 : i32
    return %arg0, %c0_i32 : i32, i32
  }
}

</mosaic_0001>

<sc_bundles>
// kernel: kernel.10.cloned.1.call-start
scs
__scs_entry_jumppad:
0x0: {  	(pc) =	sbr.rel $0x88, $3  }
0x1: {  	(tag) =	ssettag $0x0;
	lr =	simm.s32 $0x1  }
0x2: {  	[smem:$0x3F9D] =	sst lr;
	_ =	strace $0xD0000000  }
0x3: {  	_ = 	snop  }
0x4: {  	_ = 	snop  }
0x5: {  	_ = 	snop  }
0x6: {  	_ = 	snop  }
0x7: {  	_ = 	snop  }
__scs_overlays_trampoline_lowered:
0x8: {  	[smem:$0x3FAC] =	sst s0  }
0x9: {  	[smem:$0x3FAD] =	sst s1  }
0xa: {  	[smem:$0x3FAE] =	sst s2  }
0xb: {  	[smem:$0x3FAF] =	sst s3  }
0xc: {  	[smem:$0x3FB0] =	sst s4  }
0xd: {  	[smem:$0x3FB1] =	sst s5  }
0xe: {  	[smem:$0x3FB2] =	sst s6  }
0xf: {  	[smem:$0x3FB3] =	sst s7  }
0x10: {  	[smem:$0x3FB4] =	sst s8  }
0x11: {  	[smem:$0x3FB5] =	sst s9;
	s0 =	simm.s32 @!p0 $0x0  }
0x12: {  	s1 =	sld [smem:$0x3F9B];
	s0 =	simm.s32 @p0 $0x1  }
0x13: {  	[smem:$0x3FB6] =	sst s0;
	s0 =	simm.s32 @!p1 $0x0  }
0x14: {  	s2 =	sld [smem:$0x3F9A];
	s0 =	simm.s32 @p1 $0x1  }
0x15: {  	[smem:$0x3FB7] =	sst s0;
	s0 =	simm.s32 @!p2 $0x0  }
0x16: {  	s3 =	sld [smem:$0x3FDB];
	s0 =	simm.s32 @p2 $0x1  }
0x17: {  	s4 =	simm.s32 $0x1BF5;
	[smem:$0x3FB9] =	sst s0  }
0x18: {  	s0 =	sld [smem:$0x3F9C];
	_ =	swait.ge [sflag:s4], $0x0  }
0x19: {  	s7 =	sld [smem:$0x3F9D]  }
0x1a: {  	s8 =	sadd.s32 $0xFFFFE003, lr  }
0x1b: {  	s9 =	sadd.s32 $0xFFFFFEF7, lr;
	s5 =	simm.s32 $0xFFFFFFFF;
	p2 =	slt.u32 s8, $0xFFFFF086  }
0x1c: {  	p1 =	slt.u32 s9, $0xF7A;
	s5 =	simm.s32 @!p2 $0x0  }
0x1d: {  	s5 =	simm.s32 @p1 $0x1;
	p0 =	seq.s32 s7, s2  }
0x1e: {  	s7 =	smul.u32 @!p0 $0xF7A, s2;
	p2 =	seq.s32 @!p0 s5, $0x0  }
0x1f: {  	s9 =	smul.u32 $0xF7A, s1;
	s8 =	simm.s32 @!p0 $0x1BF5;
	p2 =	por !p2, p0  }
0x20: {  	[sflag:s8] =	ssyncset.s32 @!p0 $0xFFFFF086;
	s6 =	sadd.s32 @!p0 s3, s7;
	s7 =	simm.s32 @!p0 $0x108  }
0x21: {  	s3 =	sadd.s32 s3, s9;
	s6 =	sadd.s32 @!p0 $0x88, s6;
	s7 =	simm.s32 @p2 $0x1082  }
0x22: {  	[simem:s7], [sflag:s8] =	dma.local @!p0 [hbm:s6], $0xF7A  }
0x23: {  	s9 =	sor.u32 $0xD0000000, s2;
	s6 =	simm.s32 $0x108;
	_ =	swait.ge @!p0 [sflag:s8], $0x0  }
0x24: {  	s3 =	sadd.s32 $0x88, s3;
	s6 =	simm.s32 @!p1 $0x1082;
	[sflag:s4] =	ssyncset.s32 $0xFFFFF086  }
0x25: {  	[simem:s6], [sflag:s4] =	dma.local [hbm:s3], $0xF7A  }
0x26: {  	[smem:$0x3F9D] =	sst s1;
	(tag) =	ssettag s2;
	_ =	strace s9  }
0x27: {  	s1 =	sld [smem:$0x3FAD]  }
0x28: {  	s2 =	sld [smem:$0x3FAE]  }
0x29: {  	s4 =	sld [smem:$0x3FB0]  }
0x2a: {  	p0 =	seq.s32 s5, $0x0;
	s5 =	sld [smem:$0x3FB1]  }
0x2b: {  	s6 =	sld [smem:$0x3FB2]  }
0x2c: {  	s7 =	sld [smem:$0x3FB3]  }
0x2d: {  	s3 =	simm.s32 $0x108;
	s8 =	sld [smem:$0x3FB4]  }
0x2e: {  	s3 =	simm.s32 @!p0 $0x1082;
	s9 =	sld [smem:$0x3FB5]  }
0x2f: {  	lr =	sadd.s32 s0, s3;
	s0 =	sld [smem:$0x3FAC]  }
0x30: {  	s3 =	sld [smem:$0x3FAF]  }
0x31: {  	[smem:$0x3FB8] =	sst s10  }
0x32: {  	s10 =	sld [smem:$0x3FB6];
	_ =	sdelay $0x3  }
0x33: {  	p0 =	seq.s32 s10, $0x1;
	s10 =	sld [smem:$0x3FB8];
	_ =	sdelay $0x3  }
0x34: {  	[smem:$0x3FB8] =	sst s10  }
0x35: {  	s10 =	sld [smem:$0x3FB7];
	_ =	sdelay $0x3  }
0x36: {  	p1 =	seq.s32 s10, $0x1;
	s10 =	sld [smem:$0x3FB8];
	_ =	sdelay $0x3  }
0x37: {  	[smem:$0x3FB8] =	sst s10  }
0x38: {  	s10 =	sld [smem:$0x3FB9]  }
0x39: {  	_ = 	snop;
	(pc) =	sbr.ind lr, $3  }
0x3a: {  	_ = 	snop  }
0x3b: {  	_ = 	snop  }
0x3c: {  	p2 =	seq.s32 s10, $0x1;
	s10 =	sld [smem:$0x3FB8]  }
0x3d: {  	_ =	shalt  }
0x3e: {  	_ =	shalt  }
0x3f: {  	_ =	shalt  }
0x40: {  	_ =	shalt  }
0x41: {  	_ =	shalt  }
0x42: {  	_ =	shalt  }
0x43: {  	_ =	shalt  }
0x44: {  	_ =	shalt  }
0x45: {  	_ =	shalt  }
0x46: {  	_ =	shalt  }
0x47: {  	_ =	shalt  }
0x48: {  	_ =	shalt  }
0x49: {  	_ =	shalt  }
0x4a: {  	_ =	shalt  }
0x4b: {  	_ =	shalt  }
0x4c: {  	_ =	shalt  }
0x4d: {  	_ =	shalt  }
0x4e: {  	_ =	shalt  }
0x4f: {  	_ =	shalt  }
0x50: {  	_ =	shalt  }
0x51: {  	_ =	shalt  }
0x52: {  	_ =	shalt  }
0x53: {  	_ =	shalt  }
0x54: {  	_ =	shalt  }
0x55: {  	_ =	shalt  }
0x56: {  	_ =	shalt  }
0x57: {  	_ =	shalt  }
0x58: {  	_ =	shalt  }
0x59: {  	_ =	shalt  }
0x5a: {  	_ =	shalt  }
0x5b: {  	_ =	shalt  }
0x5c: {  	_ =	shalt  }
0x5d: {  	_ =	shalt  }
0x5e: {  	_ =	shalt  }
0x5f: {  	_ =	shalt  }
0x60: {  	_ =	shalt  }
0x61: {  	_ =	shalt  }
0x62: {  	_ =	shalt  }
0x63: {  	_ =	shalt  }
0x64: {  	_ =	shalt  }
0x65: {  	_ =	shalt  }
0x66: {  	_ =	shalt  }
0x67: {  	_ =	shalt  }
0x68: {  	_ =	shalt  }
0x69: {  	_ =	shalt  }
0x6a: {  	_ =	shalt  }
0x6b: {  	_ =	shalt  }
0x6c: {  	_ =	shalt  }
0x6d: {  	_ =	shalt  }
0x6e: {  	_ =	shalt  }
0x6f: {  	_ =	shalt  }
0x70: {  	_ =	shalt  }
0x71: {  	_ =	shalt  }
0x72: {  	_ =	shalt  }
0x73: {  	_ =	shalt  }
0x74: {  	_ =	shalt  }
0x75: {  	_ =	shalt  }
0x76: {  	_ =	shalt  }
0x77: {  	_ =	shalt  }
0x78: {  	_ =	shalt  }
0x79: {  	_ =	shalt  }
0x7a: {  	_ =	shalt  }
0x7b: {  	_ =	shalt  }
0x7c: {  	_ =	shalt  }
0x7d: {  	_ =	shalt  }
0x7e: {  	_ =	shalt  }
0x7f: {  	_ =	shalt  }
0x80: {  	_ =	shalt  }
0x81: {  	_ =	shalt  }
0x82: {  	_ =	shalt  }
0x83: {  	_ =	shalt  }
0x84: {  	_ =	shalt  }
0x85: {  	_ =	shalt  }
0x86: {  	_ =	shalt  }
0x87: {  	_ =	shalt  }
.Lfunc_end0:
.L_simem_size_0:
called_computation.1_lowered:
.L_overlay_start_0:
0x88: {  	s2 =	sld [smem:$0x3FD9]  }
0x89: {  	s3 =	sld [smem:$0x3FFE];
	_ =	sdelay $0x1  }
0x8a: {  	s1 =	srdreg.scid  }
0x8b: {  	s0 =	sand.u32 $0x1, s1  }
0x8c: {  	s17 =	sshll.u32 s0, $0xA;
	s2 =	sadd.s32 s3, s2  }
0x8d: {  	s2 =	sadd.s32 s2, s17  }
0x8e: {  	[smem:$0x3FC4] =	sst s2  }
0x8f: {  	_ = 	snop  }
0x90: {  	s2 =	sld [smem:$0x3FD0];
	(tm) =	ssettm $0x1  }
0x91: {  	s18 =	sld [smem:$0x3FFB];
	_ =	sdelay $0x3  }
0x92: {  	_ =	strace s18  }
0x93: {  	s3 =	sld [smem:$0x3FFC];
	_ =	sdelay $0x3  }
0x94: {  	_ =	strace s3  }
0x95: {  	s3 =	sld [smem:$0x3FFD];
	_ =	sdelay $0x3  }
0x96: {  	_ =	strace s3  }
0x97: {  	_ =	strace $0x8FFFFFFF  }
0x98: {  	s19 =	sld [smem:$0x3FDB];
	_ =	sdelay $0x1  }
0x99: {  	s4 =	simm.s32 $_scs_section_size  }
0x9a: {  	s5 =	simm.s32 $_size__tile_overlayer_lowered;
	s6 =	simm.s32 $_tile_overlayer_lowered  }
0x9b: {  	s22 =	simm.s32 $0x1BFF;
	s21 =	sshll.u32 s6, $0x1;
	s3 =	sadd.s32 s4, s19  }
0x9c: {  	s7 =	simm.s32 $0x0;
	s20 =	sshll.u32 s5, $0x1;
	s5 =	sadd.s32 s21, s3  }
0x9d: {  	[timem:s7], [sflag:s22] =	dma.local [hbm:s5], s20  }
0x9e: {  	_ =	swait.ge [sflag:s22], s20  }
0x9f: {  	s4 =	ssub.s32 $0x0, s20;
	[sflag:s22] =	ssyncset.done $0x0  }
0xa0: {  	[sflag:s22] =	ssyncadd.s32 s4;
	_ =	sdelay $0x1  }
0xa1: {  	s23 =	simm.s32 $0x1B8B  }
0xa2: {  	_ =	swait.ge [sflag:s23], $0x1  }
0xa3: {  	[sflag:s23] =	ssyncset.done $0x0  }
0xa4: {  	s25 =	simm.s32 $0x1B8E;
	s24 =	sld [smem:$0x3FFE];
	[sflag:s23] =	ssyncadd.s32 $0xFFFFFFFF  }
0xa5: {  	s26 =	simm.s32 $execute0_lowered;
	[smem:$0x3FD2] =	sst s25  }
0xa6: {  	s5 =	sshll.u32 s26, $0x1;
	_ =	strace $0x80000049;
	[dreg:$0x1] =	wrdreg $0xFFFFFFFF  }
0xa7: {  	s28 =	simm.s32 $_size_execute0_lowered;
	s3 =	sadd.s32 s3, s5;
	[dreg:$0x0] =	wrdreg $0x0  }
0xa8: {  	s5 =	sshll.u32 s28, $0x1;
	[dreg:$0x2] =	wrdreg s3  }
0xa9: {  	[dreg:$0x3] =	wrdreg s5  }
0xaa: {  	[dreg:$0x4] =	wrdreg $0xC0  }
0xab: {  	_ =	task [dreg:s7], $0x5FFFF  }
0xac: {  	[dreg:$0x1] =	wrdreg $0xFFFFFFFF  }
0xad: {  	[dreg:$0x0] =	wrdreg $0x60  }
0xae: {  	[dreg:$0x2] =	wrdreg s24  }
0xaf: {  	[dreg:$0x3] =	wrdreg s2  }
0xb0: {  	[dreg:$0x4] =	wrdreg $0x14C400  }
0xb1: {  	[dreg:$0x5] =	wrdreg $0xB0000  }
0xb2: {  	[dreg:$0x6] =	wrdreg $0x9  }
0xb3: {  	_ =	task.clear_ibuf [dreg:s7], $0x7FFFF;
	_ =	strace $0x90000049  }
0xb4: {  	s29 =	simm.s32 $0x9;
	_ =	strace $0x8000004B  }
0xb5: {  	_ =	swait.ge [sflag:s29], $0x1  }
0xb6: {  	[sflag:s29] =	ssyncadd.s32 $0xFFFFFFFF  }
0xb7: {  	_ =	strace $0x9000004B  }
0xb8: {  	_ =	sfence  }
0xb9: {  	s30 =	sld [smem:$0x0];
	_ =	sdelay $0x2  }
0xba: {  	s31 =	sshll.u32 s1, $0xD;
	s1 =	sshrl.u32 s1, $0x2  }
0xbb: {  	s3 =	sand.u32 $0x4000, s31;
	s1 =	sadd.s32 s1, s30  }
0xbc: {  	s0 =	sor.u32 s3, s0;
	s1 =	sshll.u32 s1, $0x11  }
0xbd: {  	s0 =	sor.u32 s1, s0  }
0xbe: {  	s0 =	sadd.s32 $0x8F2B, s0  }
0xbf: {  	[sflag:s0] =	ssyncadd.remote.s32 $0x1  }
0xc0: {  	_ =	sfence.sel $0xFFFF  }
0xc1: {  	[dreg:$0x0] =	wrdreg $0xFFFFFFFF;
	(pc) =	sbr.abs _section_cstart, $3  }
0xc2: {  	[dreg:$0x1] =	wrdreg $0xFFFFFFFF  }
0xc3: {  	_ =	task.clear_ibuf [dreg:s7], $0x2FFFF;
	_ =	strace $0x9FFFFFFF  }
0xc4: {  	(tm) =	ssettm $0x7FFFFFFF  }
0xc5: {  	_ =	shalt  }
tec
execute0_lowered:
.L_overlay_start_1:
0x0: {  	(tag) =	ssettag $0x1  }
0x1: {  	s0 =	rddreg [dreg:$0x0]  }
0x2: {  	s6 =	rddreg [dreg:$0x1]  }
0x3: {  	s1 =	rddreg [dreg:$0x2]  }
0x4: {  	s3 =	rddreg [dreg:$0x3];
	s4 =	simm.s32 $0x0;
	s2 =	stileid.u32  }
0x5: {  	s8 =	srdreg.scid;
	s28 =	simm.s32 $0x5000;
	s5 =	smul.u32 $0x9A, s2  }
0x6: {  	s29 =	simm.s32 $0x4F00;
	s30 =	simm.s32 $0x8;
	s7 =	smul.u32 $0x9D, s2  }
0x7: {  	[smem:$0x7FF] =	sst s4;
	p0 =	sgt.u32 s2, $0xB;
	s9 =	smul.u32 $0x9E00, s2  }
0x8: {  	s8 =	sand.u32 $0x1, s8;
	s11 =	sadd.s32 $0xB400, s0;
	s16 =	sshll.u32 s2, $0x6  }
0x9: {  	p3 =	sne.s32 s2, $0xF;
	p4 =	seq.s32 s2, $0xF;
	s17 =	smul.u32 $0x4E80, s2  }
0xa: {  	s18 =	sadd.s32 $0x27A40, s0;
	s22 =	smul.u32 $0x9D0, s2;
	s23 =	sadd.s32 $0x3B440, s0  }
0xb: {  	s25 =	smul.u32 $0x9A0, s2;
	_ =	strace $0x8000004A;
	[dreg:$0x6] =	wrdreg s16  }
0xc: {  	s31 =	sadd.s32 $0x94200, s1;
	s15 =	ssub.s32 $0x2, s8;
	[dreg:$0x9] =	wrdreg s18  }
0xd: {  	p1 =	seq.s32 s8, $0x0;
	[dreg:$0xd] =	wrdreg s23;
	s18 =	sadd.s32 $0x62840, s0  }
0xe: {  	s5 =	sadd.s32 $0x24, s5;
	s10 =	sshrl.u32 s9, $0x3;
	s12 =	sshrl.u32 s15, $0x1  }
0xf: {  	p2 =	por !p1, !p3;
	p1 =	por !p1, !p4;
	s19 =	sadd.s32 s9, s3  }
0x10: {  	[dreg:$0x12] =	wrdreg s18;
	s18 =	simm.s32 $0x2;
	s7 =	smov.u32 @p0 s5  }
0x11: {  	s14 =	sadd.s32 s10, s0;
	s15 =	ssub.s32 s15, s12;
	s5 =	sadd.s32 s9, s1  }
0x12: {  	s6 =	sadd.s32 s6, s10;
	p2 =	por !p2, !p2;
	[dreg:$0xa] =	wrdreg s19  }
0x13: {  	p1 =	por !p1, !p1;
	[dreg:$0x5] =	wrdreg s6;
	s6 =	sor.u32 $0x1C01, s16  }
0x14: {  	s7 =	sshll.u32 s7, $0x4;
	s20 =	sadd.s32 $0x15200, s14;
	[dreg:$0x7] =	wrdreg s6  }
0x15: {  	s21 =	sadd.s32 $0x28C00, s14;
	s16 =	sadd.s32 s22, s11;
	[dreg:$0xb] =	wrdreg s20  }
0x16: {  	s19 =	sadd.s32 $0x3C600, s14;
	s22 =	sadd.s32 $0x94200, s3;
	[dreg:$0xc] =	wrdreg s21  }
0x17: {  	s13 =	sadd.s32 s7, s0;
	s12 =	sadd.s32 s11, s7;
	[dreg:$0x13] =	wrdreg s19  }
0x18: {  	s6 =	simm.s32 @!p4 $0x0;
	s0 =	sadd.s32 $0x4EE40, s0;
	[dreg:$0x17] =	wrdreg s22  }
0x19: {  	s20 =	smax.u32 s15, $0x1;
	s21 =	sadd.s32 $0x40, s16;
	[dreg:$0x14] =	wrdreg s0  }
0x1a: {  	s15 =	simm.s32 $0x4F80;
	s19 =	simm.s32 $0x3;
	[dreg:$0x15] =	wrdreg s20  }
0x1b: {  	s22 =	simm.s32 $0x0;
	s10 =	sadd.s32 $0x1600, s13;
	[dreg:$0x16] =	wrdreg s21  }
0x1c: {  	s6 =	simm.s32 @p4 $0x1;
	s13 =	sadd.s32 $0x50000, s14;
	[dreg:$0x8] =	wrdreg s12  }
0x1d: {  	s23 =	sadd.s32 $0x10, s12;
	s0 =	sadd.s32 $0x60, s12;
	[smem:$0x7FB] =	sst s6  }
0x1e: {  	s14 =	simm.s32 $0x7000;
	s20 =	simm.s32 $0x5;
	[dreg:$0x11] =	wrdreg s13  }
0x1f: {  	s21 =	simm.s32 $0x6;
	s6 =	simm.s32 @!p1 $0x0;
	[dreg:$0x18] =	wrdreg s23  }
0x20: {  	s13 =	simm.s32 $0x7;
	s6 =	simm.s32 @p1 $0x1;
	p1 =	seq.s32 s8, $0x1  }
0x21: {  	s8 =	simm.s32 $0x4;
	[smem:$0x7FC] =	sst s6;
	s7 =	simm.s32 @!p1 $0x0  }
0x22: {  	s6 =	sshrl.u32 s17, $0x3;
	s17 =	sadd.s32 s25, s11;
	s7 =	simm.s32 @p1 $0x1  }
0x23: {  	p1 =	por !p3, !p1;
	s6 =	sadd.s32 s11, s6;
	s25 =	sadd.s32 $0x280, s17  }
0x24: {  	s11 =	simm.s32 $0x4E80;
	[smem:$0x7FD] =	sst s7;
	s24 =	sadd.s32 $0x10, s6  }
.Ltmp0:
0x25: {  	s26 =	sadd.s32 $0x20, s6;
	[dreg:$0xe] =	wrdreg s24;
	(pc) =	sbr.rel .LBB2_1-.Ltmp0, $4  }
0x26: {  	s17 =	simm.s32 $0x1;
	s6 =	sadd.s32 $0x30, s6;
	[dreg:$0xf] =	wrdreg s26  }
0x27: {  	p3 =	por !p1, !p1;
	[dreg:$0x10] =	wrdreg s6;
	s24 =	sadd.s32 $0x20, s12  }
0x28: {  	s7 =	simm.s32 $0x80;
	s26 =	sadd.s32 $0x30, s12;
	[dreg:$0x19] =	wrdreg s24  }
0x29: {  	s6 =	simm.s32 $0x9000;
	[dreg:$0x1a] =	wrdreg s26;
	s24 =	simm.s32 $0x9  }
.LBB2_12:
0x2a: {  	[spmem:s1] =	stream.indirect.scatter.add.f32 [tilespmem:s14], [sflag:$0x5], $0x40, s16, s7, $0xb8;
	[tilespmem:$0x1EA40] =	vst v63  }
0x2b: {  	p1 =	por $0x0, $0x0  }
0x2c: {  	s9 =	simm.s32 $0x4E00;
	s23 =	simm.s32 $0x4D80;
	p5 =	por p3, p3  }
.LBB2_13:
0x2d: {  	_ =	swait.ge [sflag:s8], $0x2000  }
0x2e: {  	[sflag:s8] =	ssyncset.done $0x0  }
0x2f: {  	[sflag:s8] =	ssyncadd.s32 $0xFFFFE000  }
0x30: {  	_ =	swait.ge [sflag:s13], $0x80  }
0x31: {  	[sflag:s13] =	ssyncset.done $0x0  }
0x32: {  	[sflag:s13] =	ssyncadd.s32 $0xFFFFFF80  }
0x33: {  	[tilespmem:s28], [sflag:$0x1] =	stream.indirect.gather [spmem:s3], $0x40, s11, s7, $0xb8;
	[tilespmem:$0x1EA40] =	vst v63  }
0x34: {  	_ =	swait.ge [sflag:s19], $0x2000  }
0x35: {  	[sflag:s19] =	ssyncset.done $0x0  }
0x36: {  	[sflag:s19] =	ssyncadd.s32 $0xFFFFE000  }
0x37: {  	[spmem:s1] =	stream.indirect.scatter.add.f32 [tilespmem:s6], [sflag:$0x6], $0x40, s23, s7, $0xb8;
	[tilespmem:$0x1EA40] =	vst v63  }
0x38: {  	_ =	swait.ge [sflag:s20], $0x2000  }
0x39: {  	[sflag:s20] =	ssyncset.done $0x0  }
0x3a: {  	[sflag:s20] =	ssyncadd.s32 $0xFFFFE000  }
0x3b: {  	_ =	swait.ge [sflag:s17], $0x2000  }
0x3c: {  	[sflag:s17] =	ssyncset.done $0x0  }
0x3d: {  	[sflag:s17] =	ssyncadd.s32 $0xFFFFE000  }
0x3e: {  	[spmem:s1] =	stream.indirect.scatter.add.f32 [tilespmem:s28], [sflag:$0x4], $0x40, s9, s7, $0xb8;
	[tilespmem:$0x1EA40] =	vst v63  }
0x3f: {  	_ =	swait.ge [sflag:s21], $0x2000  }
0x40: {  	[sflag:s21] =	ssyncset.done $0x0  }
0x41: {  	[sflag:s21] =	ssyncadd.s32 $0xFFFFE000  }
0x42: {  	_ =	swait.ge [sflag:s8], $0x2000  }
0x43: {  	[sflag:s8] =	ssyncset.done $0x0  }
0x44: {  	[sflag:s8] =	ssyncadd.s32 $0xFFFFE000  }
0x45: {  	s9 =	sshll.u32 @p2 s2, $0x6;
	[bflag:$0x0] =	sbarrier.arrive $0xFFFF  }
0x46: {  	s12 =	sshrl.u32 @p2 s5, $0x3;
	s9 =	sor.u32 @p2 $0x1C0A, s9;
	s16 =	rddreg [dreg:$0x11]  }
0x47: {  	[hbm:s16], [sflag:s9] =	dma.local @p2 [spmem:s12], $0x13C0  }
0x48: {  	s9 =	simm.s32 @p2 $0xA  }
0x49: {  	_ =	swait.ge @p2 [sflag:s9], $0x13C0  }
0x4a: {  	s12 =	sshll.u32 @p1 s2, $0x6;
	[sflag:s9] =	ssyncset.done @p2 $0x0;
	s16 =	rddreg [dreg:$0x12]  }
0x4b: {  	[sflag:s9] =	ssyncadd.s32 @p2 $0xFFFFEC40;
	s9 =	sor.u32 @p1 $0x1C0A, s12;
	s12 =	sshrl.u32 @p1 s31, $0x3  }
0x4c: {  	[hbm:s16], [sflag:s9] =	dma.local @p1 [spmem:s12], $0x1040  }
0x4d: {  	s9 =	simm.s32 @p1 $0xA  }
0x4e: {  	_ =	swait.ge @p1 [sflag:s9], $0x1040  }
0x4f: {  	s12 =	sshll.u32 @p5 s2, $0x6;
	[sflag:s9] =	ssyncset.done @p1 $0x0;
	s16 =	rddreg [dreg:$0x13]  }
0x50: {  	[sflag:s9] =	ssyncadd.s32 @p1 $0xFFFFEFC0;
	s9 =	sor.u32 @p5 $0x1C0A, s12;
	s12 =	sshrl.u32 @p5 s5, $0x3  }
0x51: {  	[hbm:s16], [sflag:s9] =	dma.local @p5 [spmem:s12], $0x13C0  }
0x52: {  	s9 =	simm.s32 @p5 $0xA  }
0x53: {  	_ =	swait.ge @p5 [sflag:s9], $0x13C0  }
0x54: {  	s12 =	sshll.u32 @p6 s2, $0x6;
	[sflag:s9] =	ssyncset.done @p5 $0x0;
	s16 =	rddreg [dreg:$0x14]  }
0x55: {  	[sflag:s9] =	ssyncadd.s32 @p5 $0xFFFFEC40;
	s9 =	sor.u32 @p6 $0x1C0A, s12;
	s12 =	sshrl.u32 @p6 s31, $0x3  }
0x56: {  	[hbm:s16], [sflag:s9] =	dma.local @p6 [spmem:s12], $0x1040  }
0x57: {  	s9 =	simm.s32 @p6 $0xA  }
0x58: {  	_ =	swait.ge @p6 [sflag:s9], $0x1040  }
0x59: {  	s22 =	sadd.s32 $0x1, s22;
	s26 =	rddreg [dreg:$0x15]  }
0x5a: {  	p1 =	sne.s32 s22, s26  }
.Ltmp1:
0x5b: {  	_ = 	snop;
	(pc) =	sbr.rel @!p1 .LBB2_14-.Ltmp1, $3  }
0x5c: {  	_ =	sdelay $0x1  }
0x5d: {  	[sflag:s9] =	ssyncset.done @p6 $0x0  }
0x5e: {  	[sflag:s9] =	ssyncadd.s32 @p6 $0xFFFFEFC0  }
.LBB2_1:
0x5f: {  	s12 =	rddreg [dreg:$0x5]  }
0x60: {  	s9 =	sshrl.u32 s5, $0x3;
	s16 =	rddreg [dreg:$0x7]  }
0x61: {  	[spmem:s9], [sflag:s16] =	dma.local [hbm:s12], $0x13C0  }
0x62: {  	s9 =	rddreg [dreg:$0x8]  }
0x63: {  	[tilespmem:s11], [sflag:$0x7] =	stream.linear.gather [hbm4b:s9+s4], $0x80, $0x38;
	[tilespmem:$0x1EA40] =	vst v63  }
.Ltmp2:
0x64: {  	_ = 	snop;
	(pc) =	sbr.rel @!p2 .LBB2_5-.Ltmp2, $4  }
0x65: {  	s9 =	simm.s32 @p0 $0x0  }
0x66: {  	[tilespmem:s9], [sflag:$0x2] =	stream.linear.gather @p0 [hbm4b:s10+s9], $0x4D00, $0x38;
	[tilespmem:$0x1EA40] =	vst v63  }
0x67: {  	s9 =	simm.s32 @!p0 $0x0  }
0x68: {  	[tilespmem:s9], [sflag:$0x2] =	stream.linear.gather @!p0 [hbm4b:s10+s9], $0x4E80, $0x38;
	[tilespmem:$0x1EA40] =	vst v63  }
0x69: {  	s9 =	rddreg [dreg:$0x6]  }
0x6a: {  	s12 =	rddreg [dreg:$0xa]  }
0x6b: {  	s23 =	rddreg [dreg:$0xb];
	s26 =	simm.s32 $0xA  }
.Ltmp3:
0x6c: {  	s9 =	sor.u32 $0x1C0A, s9;
	s16 =	sshrl.u32 s12, $0x3;
	(pc) =	sbr.rel .LBB2_3-.Ltmp3, $4  }
0x6d: {  	[spmem:s16], [sflag:s9] =	dma.local [hbm:s23], $0x13C0  }
0x6e: {  	_ =	swait.ge [sflag:s26], $0x13C0  }
0x6f: {  	[sflag:s26] =	ssyncset.done $0x0  }
0x70: {  	p1 =	por $0x0, $0x0;
	[sflag:s26] =	ssyncadd.s32 $0xFFFFEC40  }
.LBB2_5:
0x71: {  	s26 =	sld [smem:$0x7FC];
	_ =	sdelay $0x2  }
0x72: {  	p4 =	seq.s32 s26, $0x1  }
.Ltmp4:
0x73: {  	_ = 	snop;
	(pc) =	sbr.rel @!p4 .LBB2_3-.Ltmp4, $2  }
0x74: {  	s9 =	sld [smem:$0x7FB];
	_ =	sdelay $0x2  }
0x75: {  	p1 =	seq.s32 s9, $0x1  }
0x76: {  	s9 =	rddreg [dreg:$0x17]  }
0x77: {  	s12 =	rddreg [dreg:$0x9]  }
0x78: {  	s16 =	simm.s32 $0x1FCA;
	s26 =	simm.s32 $0xA;
	s9 =	sshrl.u32 s9, $0x3  }
0x79: {  	[spmem:s9], [sflag:s16] =	dma.local [hbm:s12], $0x1040  }
0x7a: {  	_ =	swait.ge [sflag:s26], $0x1040  }
.Ltmp5:
0x7b: {  	[sflag:s26] =	ssyncset.done $0x0;
	(pc) =	sbr.rel .LBB2_7-.Ltmp5, $4  }
0x7c: {  	[sflag:s26] =	ssyncadd.s32 $0xFFFFEFC0  }
0x7d: {  	_ =	swait.ge [sflag:s17], $0x13C0  }
0x7e: {  	p1 =	por $0x1, $0x1;
	[sflag:s17] =	ssyncset.done $0x0  }
0x7f: {  	p5 =	por $0x0, $0x0;
	p6 =	por $0x0, $0x0;
	[sflag:s17] =	ssyncadd.s32 $0xFFFFEC40  }
.LBB2_3:
0x80: {  	s9 =	sshll.u32 @p3 s2, $0x6;
	s12 =	rddreg [dreg:$0xa]  }
0x81: {  	s9 =	sor.u32 @p3 $0x1C0A, s9;
	s16 =	sshrl.u32 @p3 s12, $0x3;
	s12 =	rddreg [dreg:$0xc]  }
0x82: {  	[spmem:s16], [sflag:s9] =	dma.local @p3 [hbm:s12], $0x13C0  }
0x83: {  	s9 =	sld [smem:$0x7FD];
	_ =	sdelay $0x2  }
0x84: {  	p4 =	por @p3 $0x1, $0x1;
	p5 =	seq.s32 s9, $0x1  }
0x85: {  	s9 =	simm.s32 @p3 $0xA;
	p4 =	por @!p3 p5, p5  }
0x86: {  	_ =	swait.ge @p3 [sflag:s9], $0x13C0;
	p1 =	por !p4, !p1  }
0x87: {  	[sflag:s9] =	ssyncset.done @p3 $0x0;
	p6 =	por !p1, !p1  }
0x88: {  	s12 =	rddreg [dreg:$0x17];
	[sflag:s9] =	ssyncadd.s32 @p3 $0xFFFFEC40;
	s16 =	sshll.u32 @p6 s2, $0x6  }
0x89: {  	s9 =	sor.u32 @p6 $0x1C0A, s16;
	s16 =	sshrl.u32 @p6 s12, $0x3;
	s12 =	rddreg [dreg:$0xd]  }
0x8a: {  	[spmem:s16], [sflag:s9] =	dma.local @p6 [hbm:s12], $0x1040  }
0x8b: {  	s9 =	simm.s32 @p6 $0xA  }
0x8c: {  	_ =	swait.ge @p6 [sflag:s9], $0x1040  }
.Ltmp6:
0x8d: {  	[sflag:s9] =	ssyncset.done @p6 $0x0;
	(pc) =	sbr.rel @!p0 .LBB2_10-.Ltmp6, $4  }
0x8e: {  	[sflag:s9] =	ssyncadd.s32 @p6 $0xFFFFEFC0  }
0x8f: {  	_ =	swait.ge [sflag:s17], $0x13C0  }
0x90: {  	[sflag:s17] =	ssyncset.done $0x0  }
0x91: {  	p1 =	por $0x0, $0x0;
	[sflag:s17] =	ssyncadd.s32 $0xFFFFEC40  }
0x92: {  	p5 =	por p3, p3  }
.LBB2_7:
0x93: {  	_ =	swait.ge [sflag:s18], $0x4D00  }
0x94: {  	[sflag:s18] =	ssyncset.done $0x0  }
0x95: {  	[sflag:s18] =	ssyncadd.s32 $0xFFFFB300  }
0x96: {  	[bflag:$0x0] =	sbarrier.arrive $0xFFFF  }
0x97: {  	_ =	swait.ge [sflag:s13], $0x80  }
0x98: {  	[sflag:s13] =	ssyncset.done $0x0  }
0x99: {  	[sflag:s13] =	ssyncadd.s32 $0xFFFFFF80  }
0x9a: {  	[tilespmem:s28], [sflag:$0x1] =	stream.indirect.gather [spmem:s3], $0x40, s11, s7, $0xb8;
	[tilespmem:$0x1EA40] =	vst v63  }
0x9b: {  	s9 =	simm.s32 $0x0;
	s12 =	rddreg [dreg:$0x18]  }
0x9c: {  	[tilespmem:s29], [sflag:$0x8] =	stream.linear.gather [hbm4b:s12+s9], $0x80, $0x38;
	[tilespmem:$0x1EA40] =	vst v63  }
0x9d: {  	_ =	swait.ge [sflag:s30], $0x80  }
0x9e: {  	[sflag:s30] =	ssyncset.done $0x0  }
0x9f: {  	[sflag:s30] =	ssyncadd.s32 $0xFFFFFF80  }
0xa0: {  	[tilespmem:s14], [sflag:$0x2] =	stream.indirect.gather [spmem:s3], $0x40, s29, s7, $0xb8;
	[tilespmem:$0x1EA40] =	vst v63  }
0xa1: {  	s23 =	rddreg [dreg:$0x19]  }
0xa2: {  	[tilespmem:s15], [sflag:$0x9] =	stream.linear.gather [hbm4b:s23+s9], $0x80, $0x38;
	[tilespmem:$0x1EA40] =	vst v63  }
0xa3: {  	_ =	swait.ge [sflag:s17], $0x2000  }
0xa4: {  	[sflag:s17] =	ssyncset.done $0x0  }
0xa5: {  	[sflag:s17] =	ssyncadd.s32 $0xFFFFE000  }
0xa6: {  	[spmem:s1] =	stream.indirect.scatter.add.f32 [tilespmem:s28], [sflag:$0x4], $0x40, s9, s7, $0xb8;
	[tilespmem:$0x1EA40] =	vst v63  }
0xa7: {  	_ =	swait.ge [sflag:s24], $0x80  }
0xa8: {  	[sflag:s24] =	ssyncset.done $0x0  }
0xa9: {  	[sflag:s24] =	ssyncadd.s32 $0xFFFFFF80  }
0xaa: {  	[tilespmem:s6], [sflag:$0x3] =	stream.indirect.gather [spmem:s3], $0x40, s15, s7, $0xb8;
	[tilespmem:$0x1EA40] =	vst v63  }
0xab: {  	s26 =	rddreg [dreg:$0x1a]  }
0xac: {  	[tilespmem:s11], [sflag:$0x7] =	stream.linear.gather [hbm4b:s26+s9], $0x80, $0x38;
	[tilespmem:$0x1EA40] =	vst v63  }
0xad: {  	_ =	swait.ge [sflag:s18], $0x2000  }
0xae: {  	[sflag:s18] =	ssyncset.done $0x0  }
0xaf: {  	[sflag:s18] =	ssyncadd.s32 $0xFFFFE000  }
0xb0: {  	[spmem:s1] =	stream.indirect.scatter.add.f32 [tilespmem:s14], [sflag:$0x5], $0x40, s7, s7, $0xb8;
	[tilespmem:$0x1EA40] =	vst v63  }
0xb1: {  	_ =	swait.ge [sflag:s8], $0x2000  }
0xb2: {  	[sflag:s8] =	ssyncset.done $0x0  }
0xb3: {  	[sflag:s8] =	ssyncadd.s32 $0xFFFFE000  }
0xb4: {  	_ =	swait.ge [sflag:s13], $0x80  }
0xb5: {  	[sflag:s13] =	ssyncset.done $0x0  }
0xb6: {  	[sflag:s13] =	ssyncadd.s32 $0xFFFFFF80  }
0xb7: {  	[tilespmem:s28], [sflag:$0x1] =	stream.indirect.gather [spmem:s3], $0x40, s11, s7, $0xb8;
	[tilespmem:$0x1EA40] =	vst v63  }
0xb8: {  	_ = 	snop  }
0xb9: {  	[tilespmem:s29], [sflag:$0x8] =	stream.linear.gather [hbm4b:s25+s4], $0x80, $0x38;
	[tilespmem:$0x1EA40] =	vst v63  }
0xba: {  	_ =	swait.ge [sflag:s19], $0x2000  }
0xbb: {  	[sflag:s19] =	ssyncset.done $0x0  }
0xbc: {  	s16 =	simm.s32 $0x100;
	[sflag:s19] =	ssyncadd.s32 $0xFFFFE000  }
0xbd: {  	[spmem:s1] =	stream.indirect.scatter.add.f32 [tilespmem:s6], [sflag:$0x6], $0x40, s16, s7, $0xb8;
	[tilespmem:$0x1EA40] =	vst v63  }
0xbe: {  	_ =	swait.ge [sflag:s20], $0x2000  }
0xbf: {  	[sflag:s20] =	ssyncset.done $0x0  }
0xc0: {  	[sflag:s20] =	ssyncadd.s32 $0xFFFFE000  }
0xc1: {  	_ =	swait.ge [sflag:s30], $0x80  }
0xc2: {  	[sflag:s30] =	ssyncset.done $0x0  }
0xc3: {  	[sflag:s30] =	ssyncadd.s32 $0xFFFFFF80  }
0xc4: {  	[tilespmem:s14], [sflag:$0x2] =	stream.indirect.gather [spmem:s3], $0x40, s29, s7, $0xb8;
	[tilespmem:$0x1EA40] =	vst v63  }
0xc5: {  	s23 =	sadd.s32 $0xFFFFFFF0, s0  }
0xc6: {  	[tilespmem:s15], [sflag:$0x9] =	stream.linear.gather [hbm4b:s23+s4], $0x80, $0x38;
	[tilespmem:$0x1EA40] =	vst v63  }
0xc7: {  	_ =	swait.ge [sflag:s17], $0x2000  }
0xc8: {  	[sflag:s17] =	ssyncset.done $0x0  }
0xc9: {  	s26 =	simm.s32 $0x180;
	[sflag:s17] =	ssyncadd.s32 $0xFFFFE000  }
0xca: {  	[spmem:s1] =	stream.indirect.scatter.add.f32 [tilespmem:s28], [sflag:$0x4], $0x40, s26, s7, $0xb8;
	[tilespmem:$0x1EA40] =	vst v63  }
0xcb: {  	_ =	swait.ge [sflag:s21], $0x2000  }
0xcc: {  	[sflag:s21] =	ssyncset.done $0x0  }
0xcd: {  	[sflag:s21] =	ssyncadd.s32 $0xFFFFE000  }
0xce: {  	_ =	swait.ge [sflag:s24], $0x80  }
0xcf: {  	[sflag:s24] =	ssyncset.done $0x0  }
0xd0: {  	[sflag:s24] =	ssyncadd.s32 $0xFFFFFF80  }
0xd1: {  	[tilespmem:s6], [sflag:$0x3] =	stream.indirect.gather [spmem:s3], $0x40, s15, s7, $0xb8;
	[tilespmem:$0x1EA40] =	vst v63  }
0xd2: {  	_ = 	snop  }
0xd3: {  	[tilespmem:s11], [sflag:$0x7] =	stream.linear.gather [hbm4b:s0+s4], $0x80, $0x38;
	[tilespmem:$0x1EA40] =	vst v63  }
0xd4: {  	_ =	swait.ge [sflag:s18], $0x2000  }
0xd5: {  	s9 =	sadd.s32 $0x30, s0;
	s16 =	simm.s32 $0x200;
	[sflag:s18] =	ssyncset.done $0x0  }
0xd6: {  	s23 =	simm.s32 $0x600;
	s26 =	sadd.s32 $0x30, s25;
	[sflag:s18] =	ssyncadd.s32 $0xFFFFE000  }
.LBB2_8:
0xd7: {  	[spmem:s1] =	stream.indirect.scatter.add.f32 [tilespmem:s14], [sflag:$0x5], $0x40, s16, s7, $0xb8;
	[tilespmem:$0x1EA40] =	vst v63  }
0xd8: {  	s12 =	smov.u32 s23  }
0xd9: {  	p4 =	sne.s32 s23, $0x12600;
	s23 =	sadd.s32 $0x600, s23;
	_ =	swait.ge [sflag:s8], $0x2000  }
0xda: {  	[sflag:s8] =	ssyncset.done $0x0  }
0xdb: {  	[sflag:s8] =	ssyncadd.s32 $0xFFFFE000  }
0xdc: {  	_ =	swait.ge [sflag:s13], $0x80  }
0xdd: {  	[sflag:s13] =	ssyncset.done $0x0  }
0xde: {  	[sflag:s13] =	ssyncadd.s32 $0xFFFFFF80  }
0xdf: {  	[tilespmem:s28], [sflag:$0x1] =	stream.indirect.gather [spmem:s3], $0x40, s11, s7, $0xb8;
	[tilespmem:$0x1EA40] =	vst v63  }
0xe0: {  	_ = 	snop  }
0xe1: {  	[tilespmem:s29], [sflag:$0x8] =	stream.linear.gather [hbm4b:s26+s4], $0x80, $0x38;
	[tilespmem:$0x1EA40] =	vst v63  }
0xe2: {  	_ =	swait.ge [sflag:s19], $0x2000  }
0xe3: {  	s12 =	sshra.s32 s12, $0x2;
	[sflag:s19] =	ssyncset.done $0x0  }
0xe4: {  	s16 =	sadd.s32 $0x100, s12;
	[sflag:s19] =	ssyncadd.s32 $0xFFFFE000  }
0xe5: {  	[spmem:s1] =	stream.indirect.scatter.add.f32 [tilespmem:s6], [sflag:$0x6], $0x40, s16, s7, $0xb8;
	[tilespmem:$0x1EA40] =	vst v63  }
0xe6: {  	_ =	swait.ge [sflag:s20], $0x2000  }
0xe7: {  	[sflag:s20] =	ssyncset.done $0x0  }
0xe8: {  	[sflag:s20] =	ssyncadd.s32 $0xFFFFE000  }
0xe9: {  	_ =	swait.ge [sflag:s30], $0x80  }
0xea: {  	[sflag:s30] =	ssyncset.done $0x0  }
0xeb: {  	[sflag:s30] =	ssyncadd.s32 $0xFFFFFF80  }
0xec: {  	[tilespmem:s14], [sflag:$0x2] =	stream.indirect.gather [spmem:s3], $0x40, s29, s7, $0xb8;
	[tilespmem:$0x1EA40] =	vst v63  }
0xed: {  	s16 =	sadd.s32 $0xFFFFFFF0, s9  }
0xee: {  	[tilespmem:s15], [sflag:$0x9] =	stream.linear.gather [hbm4b:s16+s4], $0x80, $0x38;
	[tilespmem:$0x1EA40] =	vst v63  }
0xef: {  	_ =	swait.ge [sflag:s17], $0x2000  }
0xf0: {  	[sflag:s17] =	ssyncset.done $0x0  }
0xf1: {  	s16 =	sadd.s32 $0x180, s12;
	[sflag:s17] =	ssyncadd.s32 $0xFFFFE000  }
0xf2: {  	[spmem:s1] =	stream.indirect.scatter.add.f32 [tilespmem:s28], [sflag:$0x4], $0x40, s16, s7, $0xb8;
	[tilespmem:$0x1EA40] =	vst v63  }
0xf3: {  	_ =	swait.ge [sflag:s21], $0x2000  }
0xf4: {  	[sflag:s21] =	ssyncset.done $0x0  }
0xf5: {  	[sflag:s21] =	ssyncadd.s32 $0xFFFFE000  }
0xf6: {  	_ =	swait.ge [sflag:s24], $0x80  }
0xf7: {  	[sflag:s24] =	ssyncset.done $0x0  }
0xf8: {  	[sflag:s24] =	ssyncadd.s32 $0xFFFFFF80  }
0xf9: {  	[tilespmem:s6], [sflag:$0x3] =	stream.indirect.gather [spmem:s3], $0x40, s15, s7, $0xb8;
	[tilespmem:$0x1EA40] =	vst v63  }
.Ltmp7:
0xfa: {  	(pc) =	sbr.rel @p4 .LBB2_8-.Ltmp7, $4  }
0xfb: {  	[tilespmem:s11], [sflag:$0x7] =	stream.linear.gather [hbm4b:s9+s4], $0x80, $0x38;
	[tilespmem:$0x1EA40] =	vst v63  }
0xfc: {  	_ =	swait.ge [sflag:s18], $0x2000  }
0xfd: {  	s26 =	sadd.s32 $0x30, s26;
	[sflag:s18] =	ssyncset.done $0x0  }
0xfe: {  	s16 =	sadd.s32 $0x200, s12;
	s9 =	sadd.s32 $0x30, s9;
	[sflag:s18] =	ssyncadd.s32 $0xFFFFE000  }
.Ltmp8:
0xff: {  	(pc) =	sbr.rel .LBB2_13-.Ltmp8, $3  }
0x100: {  	_ =	sdelay $0x1  }
0x101: {  	[spmem:s1] =	stream.indirect.scatter.add.f32 [tilespmem:s14], [sflag:$0x5], $0x40, s16, s7, $0xb8;
	[tilespmem:$0x1EA40] =	vst v63  }
0x102: {  	s9 =	simm.s32 $0x4C80;
	s23 =	simm.s32 $0x4C00  }
.LBB2_10:
0x103: {  	_ =	swait.ge [sflag:s18], $0x4E80  }
0x104: {  	[sflag:s18] =	ssyncset.done $0x0  }
0x105: {  	[sflag:s18] =	ssyncadd.s32 $0xFFFFB180  }
0x106: {  	[bflag:$0x0] =	sbarrier.arrive $0xFFFF  }
0x107: {  	_ =	swait.ge [sflag:s13], $0x80  }
0x108: {  	[sflag:s13] =	ssyncset.done $0x0  }
0x109: {  	[sflag:s13] =	ssyncadd.s32 $0xFFFFFF80  }
0x10a: {  	[tilespmem:s28], [sflag:$0x1] =	stream.indirect.gather [spmem:s3], $0x40, s11, s7, $0xb8;
	[tilespmem:$0x1EA40] =	vst v63  }
0x10b: {  	s9 =	simm.s32 $0x0;
	s12 =	rddreg [dreg:$0xe]  }
0x10c: {  	[tilespmem:s29], [sflag:$0x8] =	stream.linear.gather [hbm4b:s12+s9], $0x80, $0x38;
	[tilespmem:$0x1EA40] =	vst v63  }
0x10d: {  	_ =	swait.ge [sflag:s30], $0x80  }
0x10e: {  	[sflag:s30] =	ssyncset.done $0x0  }
0x10f: {  	[sflag:s30] =	ssyncadd.s32 $0xFFFFFF80  }
0x110: {  	[tilespmem:s14], [sflag:$0x2] =	stream.indirect.gather [spmem:s3], $0x40, s29, s7, $0xb8;
	[tilespmem:$0x1EA40] =	vst v63  }
0x111: {  	s23 =	rddreg [dreg:$0xf]  }
0x112: {  	[tilespmem:s15], [sflag:$0x9] =	stream.linear.gather [hbm4b:s23+s9], $0x80, $0x38;
	[tilespmem:$0x1EA40] =	vst v63  }
0x113: {  	_ =	swait.ge [sflag:s17], $0x2000  }
0x114: {  	[sflag:s17] =	ssyncset.done $0x0  }
0x115: {  	[sflag:s17] =	ssyncadd.s32 $0xFFFFE000  }
0x116: {  	[spmem:s1] =	stream.indirect.scatter.add.f32 [tilespmem:s28], [sflag:$0x4], $0x40, s9, s7, $0xb8;
	[tilespmem:$0x1EA40] =	vst v63  }
0x117: {  	_ =	swait.ge [sflag:s24], $0x80  }
0x118: {  	[sflag:s24] =	ssyncset.done $0x0  }
0x119: {  	[sflag:s24] =	ssyncadd.s32 $0xFFFFFF80  }
0x11a: {  	[tilespmem:s6], [sflag:$0x3] =	stream.indirect.gather [spmem:s3], $0x40, s15, s7, $0xb8;
	[tilespmem:$0x1EA40] =	vst v63  }
0x11b: {  	s26 =	rddreg [dreg:$0x10]  }
0x11c: {  	[tilespmem:s11], [sflag:$0x7] =	stream.linear.gather [hbm4b:s26+s9], $0x80, $0x38;
	[tilespmem:$0x1EA40] =	vst v63  }
0x11d: {  	_ =	swait.ge [sflag:s18], $0x2000  }
0x11e: {  	[sflag:s18] =	ssyncset.done $0x0  }
0x11f: {  	[sflag:s18] =	ssyncadd.s32 $0xFFFFE000  }
0x120: {  	[spmem:s1] =	stream.indirect.scatter.add.f32 [tilespmem:s14], [sflag:$0x5], $0x40, s7, s7, $0xb8;
	[tilespmem:$0x1EA40] =	vst v63  }
0x121: {  	_ =	swait.ge [sflag:s8], $0x2000  }
0x122: {  	[sflag:s8] =	ssyncset.done $0x0  }
0x123: {  	[sflag:s8] =	ssyncadd.s32 $0xFFFFE000  }
0x124: {  	_ =	swait.ge [sflag:s13], $0x80  }
0x125: {  	[sflag:s13] =	ssyncset.done $0x0  }
0x126: {  	[sflag:s13] =	ssyncadd.s32 $0xFFFFFF80  }
0x127: {  	[tilespmem:s28], [sflag:$0x1] =	stream.indirect.gather [spmem:s3], $0x40, s11, s7, $0xb8;
	[tilespmem:$0x1EA40] =	vst v63  }
0x128: {  	s12 =	rddreg [dreg:$0x16]  }
0x129: {  	[tilespmem:s29], [sflag:$0x8] =	stream.linear.gather [hbm4b:s12+s4], $0x80, $0x38;
	[tilespmem:$0x1EA40] =	vst v63  }
0x12a: {  	_ =	swait.ge [sflag:s19], $0x2000  }
0x12b: {  	[sflag:s19] =	ssyncset.done $0x0  }
0x12c: {  	s16 =	simm.s32 $0x100;
	[sflag:s19] =	ssyncadd.s32 $0xFFFFE000  }
0x12d: {  	[spmem:s1] =	stream.indirect.scatter.add.f32 [tilespmem:s6], [sflag:$0x6], $0x40, s16, s7, $0xb8;
	[tilespmem:$0x1EA40] =	vst v63  }
0x12e: {  	_ =	swait.ge [sflag:s20], $0x2000  }
0x12f: {  	[sflag:s20] =	ssyncset.done $0x0  }
0x130: {  	[sflag:s20] =	ssyncadd.s32 $0xFFFFE000  }
0x131: {  	_ =	swait.ge [sflag:s30], $0x80  }
0x132: {  	[sflag:s30] =	ssyncset.done $0x0  }
0x133: {  	[sflag:s30] =	ssyncadd.s32 $0xFFFFFF80  }
0x134: {  	[tilespmem:s14], [sflag:$0x2] =	stream.indirect.gather [spmem:s3], $0x40, s29, s7, $0xb8;
	[tilespmem:$0x1EA40] =	vst v63  }
0x135: {  	s23 =	sadd.s32 $0xFFFFFFF0, s0  }
0x136: {  	[tilespmem:s15], [sflag:$0x9] =	stream.linear.gather [hbm4b:s23+s4], $0x80, $0x38;
	[tilespmem:$0x1EA40] =	vst v63  }
0x137: {  	_ =	swait.ge [sflag:s17], $0x2000  }
0x138: {  	[sflag:s17] =	ssyncset.done $0x0  }
0x139: {  	s26 =	simm.s32 $0x180;
	[sflag:s17] =	ssyncadd.s32 $0xFFFFE000  }
0x13a: {  	[spmem:s1] =	stream.indirect.scatter.add.f32 [tilespmem:s28], [sflag:$0x4], $0x40, s26, s7, $0xb8;
	[tilespmem:$0x1EA40] =	vst v63  }
0x13b: {  	_ =	swait.ge [sflag:s21], $0x2000  }
0x13c: {  	[sflag:s21] =	ssyncset.done $0x0  }
0x13d: {  	[sflag:s21] =	ssyncadd.s32 $0xFFFFE000  }
0x13e: {  	_ =	swait.ge [sflag:s24], $0x80  }
0x13f: {  	[sflag:s24] =	ssyncset.done $0x0  }
0x140: {  	p1 =	por $0x0, $0x0;
	[sflag:s24] =	ssyncadd.s32 $0xFFFFFF80  }
0x141: {  	[tilespmem:s6], [sflag:$0x3] =	stream.indirect.gather [spmem:s3], $0x40, s15, s7, $0xb8;
	[tilespmem:$0x1EA40] =	vst v63  }
.Ltmp9:
0x142: {  	_ = 	snop;
	(pc) =	sbr.rel @p1 .LBB2_12-.Ltmp9, $4  }
0x143: {  	[tilespmem:s11], [sflag:$0x7] =	stream.linear.gather [hbm4b:s0+s4], $0x80, $0x38;
	[tilespmem:$0x1EA40] =	vst v63  }
0x144: {  	_ =	swait.ge [sflag:s18], $0x2000  }
0x145: {  	s9 =	sadd.s32 $0x30, s0;
	s16 =	simm.s32 $0x200;
	[sflag:s18] =	ssyncset.done $0x0  }
0x146: {  	s23 =	simm.s32 $0x600;
	s26 =	sadd.s32 $0x30, s12;
	[sflag:s18] =	ssyncadd.s32 $0xFFFFE000  }
.LBB2_11:
0x147: {  	[spmem:s1] =	stream.indirect.scatter.add.f32 [tilespmem:s14], [sflag:$0x5], $0x40, s16, s7, $0xb8;
	[tilespmem:$0x1EA40] =	vst v63  }
0x148: {  	s16 =	smov.u32 s23  }
0x149: {  	p1 =	seq.s32 s23, $0x12C00;
	s23 =	sadd.s32 $0x600, s23;
	_ =	swait.ge [sflag:s8], $0x2000  }
0x14a: {  	[sflag:s8] =	ssyncset.done $0x0  }
0x14b: {  	[sflag:s8] =	ssyncadd.s32 $0xFFFFE000  }
0x14c: {  	_ =	swait.ge [sflag:s13], $0x80  }
0x14d: {  	[sflag:s13] =	ssyncset.done $0x0  }
0x14e: {  	[sflag:s13] =	ssyncadd.s32 $0xFFFFFF80  }
0x14f: {  	[tilespmem:s28], [sflag:$0x1] =	stream.indirect.gather [spmem:s3], $0x40, s11, s7, $0xb8;
	[tilespmem:$0x1EA40] =	vst v63  }
0x150: {  	_ = 	snop  }
0x151: {  	[tilespmem:s29], [sflag:$0x8] =	stream.linear.gather [hbm4b:s26+s4], $0x80, $0x38;
	[tilespmem:$0x1EA40] =	vst v63  }
0x152: {  	_ =	swait.ge [sflag:s19], $0x2000  }
0x153: {  	s16 =	sshra.s32 s16, $0x2;
	[sflag:s19] =	ssyncset.done $0x0  }
0x154: {  	s12 =	sadd.s32 $0x100, s16;
	[sflag:s19] =	ssyncadd.s32 $0xFFFFE000  }
0x155: {  	[spmem:s1] =	stream.indirect.scatter.add.f32 [tilespmem:s6], [sflag:$0x6], $0x40, s12, s7, $0xb8;
	[tilespmem:$0x1EA40] =	vst v63  }
0x156: {  	_ =	swait.ge [sflag:s20], $0x2000  }
0x157: {  	[sflag:s20] =	ssyncset.done $0x0  }
0x158: {  	[sflag:s20] =	ssyncadd.s32 $0xFFFFE000  }
0x159: {  	_ =	swait.ge [sflag:s30], $0x80  }
0x15a: {  	[sflag:s30] =	ssyncset.done $0x0  }
0x15b: {  	[sflag:s30] =	ssyncadd.s32 $0xFFFFFF80  }
0x15c: {  	[tilespmem:s14], [sflag:$0x2] =	stream.indirect.gather [spmem:s3], $0x40, s29, s7, $0xb8;
	[tilespmem:$0x1EA40] =	vst v63  }
0x15d: {  	s12 =	sadd.s32 $0xFFFFFFF0, s9  }
0x15e: {  	[tilespmem:s15], [sflag:$0x9] =	stream.linear.gather [hbm4b:s12+s4], $0x80, $0x38;
	[tilespmem:$0x1EA40] =	vst v63  }
0x15f: {  	_ =	swait.ge [sflag:s17], $0x2000  }
0x160: {  	[sflag:s17] =	ssyncset.done $0x0  }
0x161: {  	s12 =	sadd.s32 $0x180, s16;
	[sflag:s17] =	ssyncadd.s32 $0xFFFFE000  }
0x162: {  	[spmem:s1] =	stream.indirect.scatter.add.f32 [tilespmem:s28], [sflag:$0x4], $0x40, s12, s7, $0xb8;
	[tilespmem:$0x1EA40] =	vst v63  }
0x163: {  	_ =	swait.ge [sflag:s21], $0x2000  }
0x164: {  	[sflag:s21] =	ssyncset.done $0x0  }
0x165: {  	[sflag:s21] =	ssyncadd.s32 $0xFFFFE000  }
0x166: {  	_ =	swait.ge [sflag:s24], $0x80  }
0x167: {  	[sflag:s24] =	ssyncset.done $0x0  }
0x168: {  	[sflag:s24] =	ssyncadd.s32 $0xFFFFFF80  }
0x169: {  	[tilespmem:s6], [sflag:$0x3] =	stream.indirect.gather [spmem:s3], $0x40, s15, s7, $0xb8;
	[tilespmem:$0x1EA40] =	vst v63  }
.Ltmp10:
0x16a: {  	(pc) =	sbr.rel @!p1 .LBB2_11-.Ltmp10, $4  }
0x16b: {  	[tilespmem:s11], [sflag:$0x7] =	stream.linear.gather [hbm4b:s9+s4], $0x80, $0x38;
	[tilespmem:$0x1EA40] =	vst v63  }
0x16c: {  	_ =	swait.ge [sflag:s18], $0x2000  }
0x16d: {  	s26 =	sadd.s32 $0x30, s26;
	[sflag:s18] =	ssyncset.done $0x0  }
0x16e: {  	s16 =	sadd.s32 $0x200, s16;
	s9 =	sadd.s32 $0x30, s9;
	[sflag:s18] =	ssyncadd.s32 $0xFFFFE000  }
.Ltmp11:
0x16f: {  	_ = 	snop;
	(pc) =	sbr.rel .LBB2_12-.Ltmp11, $1  }
0x170: {  	_ =	sdelay $0x3  }
.LBB2_14:
0x171: {  	_ =	sfence.sel $0x180000  }
0x172: {  	[bflag:$0x0] =	sbarrier.arrive $0xFFFF  }
0x173: {  	_ =	strace $0x9000004A  }
0x174: {  	[bflag:$0x2] =	sbarrier.arrive $0xFFFF  }
0x175: {  	p0 =	sne.s32 s2, $0x0;
	s0 =	rddreg [dreg:$0x4]  }
0x176: {  	s0 =	sadd.s32 @!p0 $0x100000, s0  }
0x177: {  	[sflag:s0] =	ssyncadd.tile.s32 @!p0 $0x1;
	_ =	shalt  }
.Lfunc_end2:
_tile_overlayer_lowered:
.L_overlay_start_2:
0x178: {  	(tag) =	ssettag $0x2  }
0x179: {  	s0 =	rddreg [dreg:$0x0];
	s2 =	stileid.u32  }
0x17a: {  	s1 =	rddreg [dreg:$0x1];
	p0 =	sne.s32 s2, $0x0  }
0x17b: {  	s3 =	rddreg [dreg:$0x2];
	[bflag:$0x3] =	sbarrier.arrive $0xFFFF;
	s2 =	simm.s32 @!p0 $0x1C0A  }
0x17c: {  	[timem:s3], [sflag:s2] =	dma.local @!p0 [hbm:s0], s1  }
0x17d: {  	s0 =	simm.s32 @!p0 $0xA  }
0x17e: {  	_ =	swait.ge @!p0 [sflag:s0], s1  }
0x17f: {  	s1 =	ssub.s32 @!p0 $0x0, s1;
	[sflag:s0] =	ssyncset.done @!p0 $0x0  }
0x180: {  	[sflag:s0] =	ssyncadd.s32 @!p0 s1  }
0x181: {  	[bflag:$0x3] =	sbarrier.arrive $0xFFFF  }
0x182: {  	_ =	shalt  }

// kernel: kernel.7.cloned.1.call-start
scs
__scs_entry_jumppad:
0x0: {  	(pc) =	sbr.rel $0x88, $3  }
0x1: {  	(tag) =	ssettag $0x0;
	lr =	simm.s32 $0x1  }
0x2: {  	[smem:$0x3F9D] =	sst lr;
	_ =	strace $0xD0000000  }
0x3: {  	_ = 	snop  }
0x4: {  	_ = 	snop  }
0x5: {  	_ = 	snop  }
0x6: {  	_ = 	snop  }
0x7: {  	_ = 	snop  }
__scs_overlays_trampoline_lowered:
0x8: {  	[smem:$0x3FAC] =	sst s0  }
0x9: {  	[smem:$0x3FAD] =	sst s1  }
0xa: {  	[smem:$0x3FAE] =	sst s2  }
0xb: {  	[smem:$0x3FAF] =	sst s3  }
0xc: {  	[smem:$0x3FB0] =	sst s4  }
0xd: {  	[smem:$0x3FB1] =	sst s5  }
0xe: {  	[smem:$0x3FB2] =	sst s6  }
0xf: {  	[smem:$0x3FB3] =	sst s7  }
0x10: {  	[smem:$0x3FB4] =	sst s8  }
0x11: {  	[smem:$0x3FB5] =	sst s9;
	s0 =	simm.s32 @!p0 $0x0  }
0x12: {  	s1 =	sld [smem:$0x3F9B];
	s0 =	simm.s32 @p0 $0x1  }
0x13: {  	[smem:$0x3FB6] =	sst s0;
	s0 =	simm.s32 @!p1 $0x0  }
0x14: {  	s2 =	sld [smem:$0x3F9A];
	s0 =	simm.s32 @p1 $0x1  }
0x15: {  	[smem:$0x3FB7] =	sst s0;
	s0 =	simm.s32 @!p2 $0x0  }
0x16: {  	s3 =	sld [smem:$0x3FDB];
	s0 =	simm.s32 @p2 $0x1  }
0x17: {  	s4 =	simm.s32 $0x1BF5;
	[smem:$0x3FB9] =	sst s0  }
0x18: {  	s0 =	sld [smem:$0x3F9C];
	_ =	swait.ge [sflag:s4], $0x0  }
0x19: {  	s7 =	sld [smem:$0x3F9D]  }
0x1a: {  	s8 =	sadd.s32 $0xFFFFE003, lr  }
0x1b: {  	s9 =	sadd.s32 $0xFFFFFEF7, lr;
	s5 =	simm.s32 $0xFFFFFFFF;
	p2 =	slt.u32 s8, $0xFFFFF086  }
0x1c: {  	p1 =	slt.u32 s9, $0xF7A;
	s5 =	simm.s32 @!p2 $0x0  }
0x1d: {  	s5 =	simm.s32 @p1 $0x1;
	p0 =	seq.s32 s7, s2  }
0x1e: {  	s7 =	smul.u32 @!p0 $0xF7A, s2;
	p2 =	seq.s32 @!p0 s5, $0x0  }
0x1f: {  	s9 =	smul.u32 $0xF7A, s1;
	s8 =	simm.s32 @!p0 $0x1BF5;
	p2 =	por !p2, p0  }
0x20: {  	[sflag:s8] =	ssyncset.s32 @!p0 $0xFFFFF086;
	s6 =	sadd.s32 @!p0 s3, s7;
	s7 =	simm.s32 @!p0 $0x108  }
0x21: {  	s3 =	sadd.s32 s3, s9;
	s6 =	sadd.s32 @!p0 $0x88, s6;
	s7 =	simm.s32 @p2 $0x1082  }
0x22: {  	[simem:s7], [sflag:s8] =	dma.local @!p0 [hbm:s6], $0xF7A  }
0x23: {  	s9 =	sor.u32 $0xD0000000, s2;
	s6 =	simm.s32 $0x108;
	_ =	swait.ge @!p0 [sflag:s8], $0x0  }
0x24: {  	s3 =	sadd.s32 $0x88, s3;
	s6 =	simm.s32 @!p1 $0x1082;
	[sflag:s4] =	ssyncset.s32 $0xFFFFF086  }
0x25: {  	[simem:s6], [sflag:s4] =	dma.local [hbm:s3], $0xF7A  }
0x26: {  	[smem:$0x3F9D] =	sst s1;
	(tag) =	ssettag s2;
	_ =	strace s9  }
0x27: {  	s1 =	sld [smem:$0x3FAD]  }
0x28: {  	s2 =	sld [smem:$0x3FAE]  }
0x29: {  	s4 =	sld [smem:$0x3FB0]  }
0x2a: {  	p0 =	seq.s32 s5, $0x0;
	s5 =	sld [smem:$0x3FB1]  }
0x2b: {  	s6 =	sld [smem:$0x3FB2]  }
0x2c: {  	s7 =	sld [smem:$0x3FB3]  }
0x2d: {  	s3 =	simm.s32 $0x108;
	s8 =	sld [smem:$0x3FB4]  }
0x2e: {  	s3 =	simm.s32 @!p0 $0x1082;
	s9 =	sld [smem:$0x3FB5]  }
0x2f: {  	lr =	sadd.s32 s0, s3;
	s0 =	sld [smem:$0x3FAC]  }
0x30: {  	s3 =	sld [smem:$0x3FAF]  }
0x31: {  	[smem:$0x3FB8] =	sst s10  }
0x32: {  	s10 =	sld [smem:$0x3FB6];
	_ =	sdelay $0x3  }
0x33: {  	p0 =	seq.s32 s10, $0x1;
	s10 =	sld [smem:$0x3FB8];
	_ =	sdelay $0x3  }
0x34: {  	[smem:$0x3FB8] =	sst s10  }
0x35: {  	s10 =	sld [smem:$0x3FB7];
	_ =	sdelay $0x3  }
0x36: {  	p1 =	seq.s32 s10, $0x1;
	s10 =	sld [smem:$0x3FB8];
	_ =	sdelay $0x3  }
0x37: {  	[smem:$0x3FB8] =	sst s10  }
0x38: {  	s10 =	sld [smem:$0x3FB9]  }
0x39: {  	_ = 	snop;
	(pc) =	sbr.ind lr, $3  }
0x3a: {  	_ = 	snop  }
0x3b: {  	_ = 	snop  }
0x3c: {  	p2 =	seq.s32 s10, $0x1;
	s10 =	sld [smem:$0x3FB8]  }
0x3d: {  	_ =	shalt  }
0x3e: {  	_ =	shalt  }
0x3f: {  	_ =	shalt  }
0x40: {  	_ =	shalt  }
0x41: {  	_ =	shalt  }
0x42: {  	_ =	shalt  }
0x43: {  	_ =	shalt  }
0x44: {  	_ =	shalt  }
0x45: {  	_ =	shalt  }
0x46: {  	_ =	shalt  }
0x47: {  	_ =	shalt  }
0x48: {  	_ =	shalt  }
0x49: {  	_ =	shalt  }
0x4a: {  	_ =	shalt  }
0x4b: {  	_ =	shalt  }
0x4c: {  	_ =	shalt  }
0x4d: {  	_ =	shalt  }
0x4e: {  	_ =	shalt  }
0x4f: {  	_ =	shalt  }
0x50: {  	_ =	shalt  }
0x51: {  	_ =	shalt  }
0x52: {  	_ =	shalt  }
0x53: {  	_ =	shalt  }
0x54: {  	_ =	shalt  }
0x55: {  	_ =	shalt  }
0x56: {  	_ =	shalt  }
0x57: {  	_ =	shalt  }
0x58: {  	_ =	shalt  }
0x59: {  	_ =	shalt  }
0x5a: {  	_ =	shalt  }
0x5b: {  	_ =	shalt  }
0x5c: {  	_ =	shalt  }
0x5d: {  	_ =	shalt  }
0x5e: {  	_ =	shalt  }
0x5f: {  	_ =	shalt  }
0x60: {  	_ =	shalt  }
0x61: {  	_ =	shalt  }
0x62: {  	_ =	shalt  }
0x63: {  	_ =	shalt  }
0x64: {  	_ =	shalt  }
0x65: {  	_ =	shalt  }
0x66: {  	_ =	shalt  }
0x67: {  	_ =	shalt  }
0x68: {  	_ =	shalt  }
0x69: {  	_ =	shalt  }
0x6a: {  	_ =	shalt  }
0x6b: {  	_ =	shalt  }
0x6c: {  	_ =	shalt  }
0x6d: {  	_ =	shalt  }
0x6e: {  	_ =	shalt  }
0x6f: {  	_ =	shalt  }
0x70: {  	_ =	shalt  }
0x71: {  	_ =	shalt  }
0x72: {  	_ =	shalt  }
0x73: {  	_ =	shalt  }
0x74: {  	_ =	shalt  }
0x75: {  	_ =	shalt  }
0x76: {  	_ =	shalt  }
0x77: {  	_ =	shalt  }
0x78: {  	_ =	shalt  }
0x79: {  	_ =	shalt  }
0x7a: {  	_ =	shalt  }
0x7b: {  	_ =	shalt  }
0x7c: {  	_ =	shalt  }
0x7d: {  	_ =	shalt  }
0x7e: {  	_ =	shalt  }
0x7f: {  	_ =	shalt  }
0x80: {  	_ =	shalt  }
0x81: {  	_ =	shalt  }
0x82: {  	_ =	shalt  }
0x83: {  	_ =	shalt  }
0x84: {  	_ =	shalt  }
0x85: {  	_ =	shalt  }
0x86: {  	_ =	shalt  }
0x87: {  	_ =	shalt  }
.Lfunc_end0:
.L_simem_size_0:
called_computation_lowered:
.L_overlay_start_0:
0x88: {  	s2 =	sld [smem:$0x3FD9]  }
0x89: {  	s3 =	sld [smem:$0x3FFE];
	_ =	sdelay $0x1  }
0x8a: {  	s1 =	srdreg.scid  }
0x8b: {  	s0 =	sand.u32 $0x1, s1  }
0x8c: {  	s17 =	sshll.u32 s0, $0xA;
	s2 =	sadd.s32 s3, s2  }
0x8d: {  	s2 =	sadd.s32 s2, s17  }
0x8e: {  	[smem:$0x3FC4] =	sst s2  }
0x8f: {  	_ = 	snop  }
0x90: {  	s2 =	sld [smem:$0x3FD0];
	(tm) =	ssettm $0x1  }
0x91: {  	s18 =	sld [smem:$0x3FFB];
	_ =	sdelay $0x3  }
0x92: {  	_ =	strace s18  }
0x93: {  	s3 =	sld [smem:$0x3FFC];
	_ =	sdelay $0x3  }
0x94: {  	_ =	strace s3  }
0x95: {  	s3 =	sld [smem:$0x3FFD];
	_ =	sdelay $0x3  }
0x96: {  	_ =	strace s3  }
0x97: {  	_ =	strace $0x8FFFFFFF  }
0x98: {  	s19 =	sld [smem:$0x3FDB];
	_ =	sdelay $0x1  }
0x99: {  	s4 =	simm.s32 $_scs_section_size  }
0x9a: {  	s5 =	simm.s32 $_size__tile_overlayer_lowered;
	s6 =	simm.s32 $_tile_overlayer_lowered  }
0x9b: {  	s22 =	simm.s32 $0x1BFF;
	s21 =	sshll.u32 s6, $0x1;
	s3 =	sadd.s32 s4, s19  }
0x9c: {  	s7 =	simm.s32 $0x0;
	s20 =	sshll.u32 s5, $0x1;
	s5 =	sadd.s32 s21, s3  }
0x9d: {  	[timem:s7], [sflag:s22] =	dma.local [hbm:s5], s20  }
0x9e: {  	_ =	swait.ge [sflag:s22], s20  }
0x9f: {  	s4 =	ssub.s32 $0x0, s20;
	[sflag:s22] =	ssyncset.done $0x0  }
0xa0: {  	[sflag:s22] =	ssyncadd.s32 s4;
	_ =	sdelay $0x1  }
0xa1: {  	s23 =	simm.s32 $0x1B8B  }
0xa2: {  	_ =	swait.ge [sflag:s23], $0x1  }
0xa3: {  	[sflag:s23] =	ssyncset.done $0x0  }
0xa4: {  	s25 =	simm.s32 $0x1B8E;
	s24 =	sld [smem:$0x3FFE];
	[sflag:s23] =	ssyncadd.s32 $0xFFFFFFFF  }
0xa5: {  	s26 =	simm.s32 $execute0_lowered;
	[smem:$0x3FD2] =	sst s25  }
0xa6: {  	s5 =	sshll.u32 s26, $0x1;
	_ =	strace $0x80000046;
	[dreg:$0x1] =	wrdreg $0xFFFFFFFF  }
0xa7: {  	s28 =	simm.s32 $_size_execute0_lowered;
	s3 =	sadd.s32 s3, s5;
	[dreg:$0x0] =	wrdreg $0x0  }
0xa8: {  	s5 =	sshll.u32 s28, $0x1;
	[dreg:$0x2] =	wrdreg s3  }
0xa9: {  	[dreg:$0x3] =	wrdreg s5  }
0xaa: {  	[dreg:$0x4] =	wrdreg $0xC0  }
0xab: {  	_ =	task [dreg:s7], $0x5FFFF  }
0xac: {  	[dreg:$0x1] =	wrdreg $0xFFFFFFFF  }
0xad: {  	[dreg:$0x0] =	wrdreg $0x60  }
0xae: {  	[dreg:$0x2] =	wrdreg s24  }
0xaf: {  	[dreg:$0x3] =	wrdreg s2  }
0xb0: {  	[dreg:$0x4] =	wrdreg $0x14C400  }
0xb1: {  	[dreg:$0x5] =	wrdreg $0xB0000  }
0xb2: {  	[dreg:$0x6] =	wrdreg $0x9  }
0xb3: {  	_ =	task.clear_ibuf [dreg:s7], $0x7FFFF;
	_ =	strace $0x90000046  }
0xb4: {  	s29 =	simm.s32 $0x9;
	_ =	strace $0x80000048  }
0xb5: {  	_ =	swait.ge [sflag:s29], $0x1  }
0xb6: {  	[sflag:s29] =	ssyncadd.s32 $0xFFFFFFFF  }
0xb7: {  	_ =	strace $0x90000048  }
0xb8: {  	_ =	sfence  }
0xb9: {  	s30 =	sld [smem:$0x0];
	_ =	sdelay $0x2  }
0xba: {  	s31 =	sshll.u32 s1, $0xD;
	s1 =	sshrl.u32 s1, $0x2  }
0xbb: {  	s3 =	sand.u32 $0x4000, s31;
	s1 =	sadd.s32 s1, s30  }
0xbc: {  	s0 =	sor.u32 s3, s0;
	s1 =	sshll.u32 s1, $0x11  }
0xbd: {  	s0 =	sor.u32 s1, s0  }
0xbe: {  	s0 =	sadd.s32 $0x8F2B, s0  }
0xbf: {  	[sflag:s0] =	ssyncadd.remote.s32 $0x1  }
0xc0: {  	_ =	sfence.sel $0xFFFF  }
0xc1: {  	[dreg:$0x0] =	wrdreg $0xFFFFFFFF;
	(pc) =	sbr.abs _section_cstart, $3  }
0xc2: {  	[dreg:$0x1] =	wrdreg $0xFFFFFFFF  }
0xc3: {  	_ =	task.clear_ibuf [dreg:s7], $0x2FFFF;
	_ =	strace $0x9FFFFFFF  }
0xc4: {  	(tm) =	ssettm $0x7FFFFFFF  }
0xc5: {  	_ =	shalt  }
tec
execute0_lowered:
.L_overlay_start_1:
0x0: {  	(tag) =	ssettag $0x1  }
0x1: {  	s0 =	rddreg [dreg:$0x0]  }
0x2: {  	s6 =	rddreg [dreg:$0x1]  }
0x3: {  	s1 =	rddreg [dreg:$0x2]  }
0x4: {  	s3 =	rddreg [dreg:$0x3];
	s4 =	simm.s32 $0x0;
	s2 =	stileid.u32  }
0x5: {  	s8 =	srdreg.scid;
	s28 =	simm.s32 $0x5000;
	s5 =	smul.u32 $0x9A, s2  }
0x6: {  	s29 =	simm.s32 $0x4F00;
	s30 =	simm.s32 $0x8;
	s7 =	smul.u32 $0x9D, s2  }
0x7: {  	[smem:$0x7FF] =	sst s4;
	p0 =	sgt.u32 s2, $0xB;
	s9 =	smul.u32 $0x9E00, s2  }
0x8: {  	s8 =	sand.u32 $0x1, s8;
	s11 =	sadd.s32 $0xB400, s0;
	s16 =	sshll.u32 s2, $0x6  }
0x9: {  	p3 =	sne.s32 s2, $0xF;
	p4 =	seq.s32 s2, $0xF;
	s17 =	smul.u32 $0x4E80, s2  }
0xa: {  	s18 =	sadd.s32 $0x27A40, s0;
	s22 =	smul.u32 $0x9D0, s2;
	s23 =	sadd.s32 $0x3B440, s0  }
0xb: {  	s25 =	smul.u32 $0x9A0, s2;
	_ =	strace $0x80000047;
	[dreg:$0x6] =	wrdreg s16  }
0xc: {  	s31 =	sadd.s32 $0x94200, s1;
	s15 =	ssub.s32 $0x2, s8;
	[dreg:$0x9] =	wrdreg s18  }
0xd: {  	p1 =	seq.s32 s8, $0x0;
	[dreg:$0xd] =	wrdreg s23;
	s18 =	sadd.s32 $0x62840, s0  }
0xe: {  	s5 =	sadd.s32 $0x24, s5;
	s10 =	sshrl.u32 s9, $0x3;
	s12 =	sshrl.u32 s15, $0x1  }
0xf: {  	p2 =	por !p1, !p3;
	p1 =	por !p1, !p4;
	s19 =	sadd.s32 s9, s3  }
0x10: {  	[dreg:$0x12] =	wrdreg s18;
	s18 =	simm.s32 $0x2;
	s7 =	smov.u32 @p0 s5  }
0x11: {  	s14 =	sadd.s32 s10, s0;
	s15 =	ssub.s32 s15, s12;
	s5 =	sadd.s32 s9, s1  }
0x12: {  	s6 =	sadd.s32 s6, s10;
	p2 =	por !p2, !p2;
	[dreg:$0xa] =	wrdreg s19  }
0x13: {  	p1 =	por !p1, !p1;
	[dreg:$0x5] =	wrdreg s6;
	s6 =	sor.u32 $0x1C01, s16  }
0x14: {  	s7 =	sshll.u32 s7, $0x4;
	s20 =	sadd.s32 $0x15200, s14;
	[dreg:$0x7] =	wrdreg s6  }
0x15: {  	s21 =	sadd.s32 $0x28C00, s14;
	s16 =	sadd.s32 s22, s11;
	[dreg:$0xb] =	wrdreg s20  }
0x16: {  	s19 =	sadd.s32 $0x3C600, s14;
	s22 =	sadd.s32 $0x94200, s3;
	[dreg:$0xc] =	wrdreg s21  }
0x17: {  	s13 =	sadd.s32 s7, s0;
	s12 =	sadd.s32 s11, s7;
	[dreg:$0x13] =	wrdreg s19  }
0x18: {  	s6 =	simm.s32 @!p4 $0x0;
	s0 =	sadd.s32 $0x4EE40, s0;
	[dreg:$0x17] =	wrdreg s22  }
0x19: {  	s20 =	smax.u32 s15, $0x1;
	s21 =	sadd.s32 $0x40, s16;
	[dreg:$0x14] =	wrdreg s0  }
0x1a: {  	s15 =	simm.s32 $0x4F80;
	s19 =	simm.s32 $0x3;
	[dreg:$0x15] =	wrdreg s20  }
0x1b: {  	s22 =	simm.s32 $0x0;
	s10 =	sadd.s32 $0x1600, s13;
	[dreg:$0x16] =	wrdreg s21  }
0x1c: {  	s6 =	simm.s32 @p4 $0x1;
	s13 =	sadd.s32 $0x50000, s14;
	[dreg:$0x8] =	wrdreg s12  }
0x1d: {  	s23 =	sadd.s32 $0x10, s12;
	s0 =	sadd.s32 $0x60, s12;
	[smem:$0x7FB] =	sst s6  }
0x1e: {  	s14 =	simm.s32 $0x7000;
	s20 =	simm.s32 $0x5;
	[dreg:$0x11] =	wrdreg s13  }
0x1f: {  	s21 =	simm.s32 $0x6;
	s6 =	simm.s32 @!p1 $0x0;
	[dreg:$0x18] =	wrdreg s23  }
0x20: {  	s13 =	simm.s32 $0x7;
	s6 =	simm.s32 @p1 $0x1;
	p1 =	seq.s32 s8, $0x1  }
0x21: {  	s8 =	simm.s32 $0x4;
	[smem:$0x7FC] =	sst s6;
	s7 =	simm.s32 @!p1 $0x0  }
0x22: {  	s6 =	sshrl.u32 s17, $0x3;
	s17 =	sadd.s32 s25, s11;
	s7 =	simm.s32 @p1 $0x1  }
0x23: {  	p1 =	por !p3, !p1;
	s6 =	sadd.s32 s11, s6;
	s25 =	sadd.s32 $0x280, s17  }
0x24: {  	s11 =	simm.s32 $0x4E80;
	[smem:$0x7FD] =	sst s7;
	s24 =	sadd.s32 $0x10, s6  }
.Ltmp0:
0x25: {  	s26 =	sadd.s32 $0x20, s6;
	[dreg:$0xe] =	wrdreg s24;
	(pc) =	sbr.rel .LBB2_1-.Ltmp0, $4  }
0x26: {  	s17 =	simm.s32 $0x1;
	s6 =	sadd.s32 $0x30, s6;
	[dreg:$0xf] =	wrdreg s26  }
0x27: {  	p3 =	por !p1, !p1;
	[dreg:$0x10] =	wrdreg s6;
	s24 =	sadd.s32 $0x20, s12  }
0x28: {  	s7 =	simm.s32 $0x80;
	s26 =	sadd.s32 $0x30, s12;
	[dreg:$0x19] =	wrdreg s24  }
0x29: {  	s6 =	simm.s32 $0x9000;
	[dreg:$0x1a] =	wrdreg s26;
	s24 =	simm.s32 $0x9  }
.LBB2_12:
0x2a: {  	[spmem:s1] =	stream.indirect.scatter.add.f32 [tilespmem:s14], [sflag:$0x5], $0x40, s16, s7, $0xb8;
	[tilespmem:$0x1EA40] =	vst v63  }
0x2b: {  	p1 =	por $0x0, $0x0  }
0x2c: {  	s9 =	simm.s32 $0x4E00;
	s23 =	simm.s32 $0x4D80;
	p5 =	por p3, p3  }
.LBB2_13:
0x2d: {  	_ =	swait.ge [sflag:s8], $0x2000  }
0x2e: {  	[sflag:s8] =	ssyncset.done $0x0  }
0x2f: {  	[sflag:s8] =	ssyncadd.s32 $0xFFFFE000  }
0x30: {  	_ =	swait.ge [sflag:s13], $0x80  }
0x31: {  	[sflag:s13] =	ssyncset.done $0x0  }
0x32: {  	[sflag:s13] =	ssyncadd.s32 $0xFFFFFF80  }
0x33: {  	[tilespmem:s28], [sflag:$0x1] =	stream.indirect.gather [spmem:s3], $0x40, s11, s7, $0xb8;
	[tilespmem:$0x1EA40] =	vst v63  }
0x34: {  	_ =	swait.ge [sflag:s19], $0x2000  }
0x35: {  	[sflag:s19] =	ssyncset.done $0x0  }
0x36: {  	[sflag:s19] =	ssyncadd.s32 $0xFFFFE000  }
0x37: {  	[spmem:s1] =	stream.indirect.scatter.add.f32 [tilespmem:s6], [sflag:$0x6], $0x40, s23, s7, $0xb8;
	[tilespmem:$0x1EA40] =	vst v63  }
0x38: {  	_ =	swait.ge [sflag:s20], $0x2000  }
0x39: {  	[sflag:s20] =	ssyncset.done $0x0  }
0x3a: {  	[sflag:s20] =	ssyncadd.s32 $0xFFFFE000  }
0x3b: {  	_ =	swait.ge [sflag:s17], $0x2000  }
0x3c: {  	[sflag:s17] =	ssyncset.done $0x0  }
0x3d: {  	[sflag:s17] =	ssyncadd.s32 $0xFFFFE000  }
0x3e: {  	[spmem:s1] =	stream.indirect.scatter.add.f32 [tilespmem:s28], [sflag:$0x4], $0x40, s9, s7, $0xb8;
	[tilespmem:$0x1EA40] =	vst v63  }
0x3f: {  	_ =	swait.ge [sflag:s21], $0x2000  }
0x40: {  	[sflag:s21] =	ssyncset.done $0x0  }
0x41: {  	[sflag:s21] =	ssyncadd.s32 $0xFFFFE000  }
0x42: {  	_ =	swait.ge [sflag:s8], $0x2000  }
0x43: {  	[sflag:s8] =	ssyncset.done $0x0  }
0x44: {  	[sflag:s8] =	ssyncadd.s32 $0xFFFFE000  }
0x45: {  	s9 =	sshll.u32 @p2 s2, $0x6;
	[bflag:$0x0] =	sbarrier.arrive $0xFFFF  }
0x46: {  	s12 =	sshrl.u32 @p2 s5, $0x3;
	s9 =	sor.u32 @p2 $0x1C0A, s9;
	s16 =	rddreg [dreg:$0x11]  }
0x47: {  	[hbm:s16], [sflag:s9] =	dma.local @p2 [spmem:s12], $0x13C0  }
0x48: {  	s9 =	simm.s32 @p2 $0xA  }
0x49: {  	_ =	swait.ge @p2 [sflag:s9], $0x13C0  }
0x4a: {  	s12 =	sshll.u32 @p1 s2, $0x6;
	[sflag:s9] =	ssyncset.done @p2 $0x0;
	s16 =	rddreg [dreg:$0x12]  }
0x4b: {  	[sflag:s9] =	ssyncadd.s32 @p2 $0xFFFFEC40;
	s9 =	sor.u32 @p1 $0x1C0A, s12;
	s12 =	sshrl.u32 @p1 s31, $0x3  }
0x4c: {  	[hbm:s16], [sflag:s9] =	dma.local @p1 [spmem:s12], $0x1040  }
0x4d: {  	s9 =	simm.s32 @p1 $0xA  }
0x4e: {  	_ =	swait.ge @p1 [sflag:s9], $0x1040  }
0x4f: {  	s12 =	sshll.u32 @p5 s2, $0x6;
	[sflag:s9] =	ssyncset.done @p1 $0x0;
	s16 =	rddreg [dreg:$0x13]  }
0x50: {  	[sflag:s9] =	ssyncadd.s32 @p1 $0xFFFFEFC0;
	s9 =	sor.u32 @p5 $0x1C0A, s12;
	s12 =	sshrl.u32 @p5 s5, $0x3  }
0x51: {  	[hbm:s16], [sflag:s9] =	dma.local @p5 [spmem:s12], $0x13C0  }
0x52: {  	s9 =	simm.s32 @p5 $0xA  }
0x53: {  	_ =	swait.ge @p5 [sflag:s9], $0x13C0  }
0x54: {  	s12 =	sshll.u32 @p6 s2, $0x6;
	[sflag:s9] =	ssyncset.done @p5 $0x0;
	s16 =	rddreg [dreg:$0x14]  }
0x55: {  	[sflag:s9] =	ssyncadd.s32 @p5 $0xFFFFEC40;
	s9 =	sor.u32 @p6 $0x1C0A, s12;
	s12 =	sshrl.u32 @p6 s31, $0x3  }
0x56: {  	[hbm:s16], [sflag:s9] =	dma.local @p6 [spmem:s12], $0x1040  }
0x57: {  	s9 =	simm.s32 @p6 $0xA  }
0x58: {  	_ =	swait.ge @p6 [sflag:s9], $0x1040  }
0x59: {  	s22 =	sadd.s32 $0x1, s22;
	s26 =	rddreg [dreg:$0x15]  }
0x5a: {  	p1 =	sne.s32 s22, s26  }
.Ltmp1:
0x5b: {  	_ = 	snop;
	(pc) =	sbr.rel @!p1 .LBB2_14-.Ltmp1, $3  }
0x5c: {  	_ =	sdelay $0x1  }
0x5d: {  	[sflag:s9] =	ssyncset.done @p6 $0x0  }
0x5e: {  	[sflag:s9] =	ssyncadd.s32 @p6 $0xFFFFEFC0  }
.LBB2_1:
0x5f: {  	s12 =	rddreg [dreg:$0x5]  }
0x60: {  	s9 =	sshrl.u32 s5, $0x3;
	s16 =	rddreg [dreg:$0x7]  }
0x61: {  	[spmem:s9], [sflag:s16] =	dma.local [hbm:s12], $0x13C0  }
0x62: {  	s9 =	rddreg [dreg:$0x8]  }
0x63: {  	[tilespmem:s11], [sflag:$0x7] =	stream.linear.gather [hbm4b:s9+s4], $0x80, $0x38;
	[tilespmem:$0x1EA40] =	vst v63  }
.Ltmp2:
0x64: {  	_ = 	snop;
	(pc) =	sbr.rel @!p2 .LBB2_5-.Ltmp2, $4  }
0x65: {  	s9 =	simm.s32 @p0 $0x0  }
0x66: {  	[tilespmem:s9], [sflag:$0x2] =	stream.linear.gather @p0 [hbm4b:s10+s9], $0x4D00, $0x38;
	[tilespmem:$0x1EA40] =	vst v63  }
0x67: {  	s9 =	simm.s32 @!p0 $0x0  }
0x68: {  	[tilespmem:s9], [sflag:$0x2] =	stream.linear.gather @!p0 [hbm4b:s10+s9], $0x4E80, $0x38;
	[tilespmem:$0x1EA40] =	vst v63  }
0x69: {  	s9 =	rddreg [dreg:$0x6]  }
0x6a: {  	s12 =	rddreg [dreg:$0xa]  }
0x6b: {  	s23 =	rddreg [dreg:$0xb];
	s26 =	simm.s32 $0xA  }
.Ltmp3:
0x6c: {  	s9 =	sor.u32 $0x1C0A, s9;
	s16 =	sshrl.u32 s12, $0x3;
	(pc) =	sbr.rel .LBB2_3-.Ltmp3, $4  }
0x6d: {  	[spmem:s16], [sflag:s9] =	dma.local [hbm:s23], $0x13C0  }
0x6e: {  	_ =	swait.ge [sflag:s26], $0x13C0  }
0x6f: {  	[sflag:s26] =	ssyncset.done $0x0  }
0x70: {  	p1 =	por $0x0, $0x0;
	[sflag:s26] =	ssyncadd.s32 $0xFFFFEC40  }
.LBB2_5:
0x71: {  	s26 =	sld [smem:$0x7FC];
	_ =	sdelay $0x2  }
0x72: {  	p4 =	seq.s32 s26, $0x1  }
.Ltmp4:
0x73: {  	_ = 	snop;
	(pc) =	sbr.rel @!p4 .LBB2_3-.Ltmp4, $2  }
0x74: {  	s9 =	sld [smem:$0x7FB];
	_ =	sdelay $0x2  }
0x75: {  	p1 =	seq.s32 s9, $0x1  }
0x76: {  	s9 =	rddreg [dreg:$0x17]  }
0x77: {  	s12 =	rddreg [dreg:$0x9]  }
0x78: {  	s16 =	simm.s32 $0x1FCA;
	s26 =	simm.s32 $0xA;
	s9 =	sshrl.u32 s9, $0x3  }
0x79: {  	[spmem:s9], [sflag:s16] =	dma.local [hbm:s12], $0x1040  }
0x7a: {  	_ =	swait.ge [sflag:s26], $0x1040  }
.Ltmp5:
0x7b: {  	[sflag:s26] =	ssyncset.done $0x0;
	(pc) =	sbr.rel .LBB2_7-.Ltmp5, $4  }
0x7c: {  	[sflag:s26] =	ssyncadd.s32 $0xFFFFEFC0  }
0x7d: {  	_ =	swait.ge [sflag:s17], $0x13C0  }
0x7e: {  	p1 =	por $0x1, $0x1;
	[sflag:s17] =	ssyncset.done $0x0  }
0x7f: {  	p5 =	por $0x0, $0x0;
	p6 =	por $0x0, $0x0;
	[sflag:s17] =	ssyncadd.s32 $0xFFFFEC40  }
.LBB2_3:
0x80: {  	s9 =	sshll.u32 @p3 s2, $0x6;
	s12 =	rddreg [dreg:$0xa]  }
0x81: {  	s9 =	sor.u32 @p3 $0x1C0A, s9;
	s16 =	sshrl.u32 @p3 s12, $0x3;
	s12 =	rddreg [dreg:$0xc]  }
0x82: {  	[spmem:s16], [sflag:s9] =	dma.local @p3 [hbm:s12], $0x13C0  }
0x83: {  	s9 =	sld [smem:$0x7FD];
	_ =	sdelay $0x2  }
0x84: {  	p4 =	por @p3 $0x1, $0x1;
	p5 =	seq.s32 s9, $0x1  }
0x85: {  	s9 =	simm.s32 @p3 $0xA;
	p4 =	por @!p3 p5, p5  }
0x86: {  	_ =	swait.ge @p3 [sflag:s9], $0x13C0;
	p1 =	por !p4, !p1  }
0x87: {  	[sflag:s9] =	ssyncset.done @p3 $0x0;
	p6 =	por !p1, !p1  }
0x88: {  	s12 =	rddreg [dreg:$0x17];
	[sflag:s9] =	ssyncadd.s32 @p3 $0xFFFFEC40;
	s16 =	sshll.u32 @p6 s2, $0x6  }
0x89: {  	s9 =	sor.u32 @p6 $0x1C0A, s16;
	s16 =	sshrl.u32 @p6 s12, $0x3;
	s12 =	rddreg [dreg:$0xd]  }
0x8a: {  	[spmem:s16], [sflag:s9] =	dma.local @p6 [hbm:s12], $0x1040  }
0x8b: {  	s9 =	simm.s32 @p6 $0xA  }
0x8c: {  	_ =	swait.ge @p6 [sflag:s9], $0x1040  }
.Ltmp6:
0x8d: {  	[sflag:s9] =	ssyncset.done @p6 $0x0;
	(pc) =	sbr.rel @!p0 .LBB2_10-.Ltmp6, $4  }
0x8e: {  	[sflag:s9] =	ssyncadd.s32 @p6 $0xFFFFEFC0  }
0x8f: {  	_ =	swait.ge [sflag:s17], $0x13C0  }
0x90: {  	[sflag:s17] =	ssyncset.done $0x0  }
0x91: {  	p1 =	por $0x0, $0x0;
	[sflag:s17] =	ssyncadd.s32 $0xFFFFEC40  }
0x92: {  	p5 =	por p3, p3  }
.LBB2_7:
0x93: {  	_ =	swait.ge [sflag:s18], $0x4D00  }
0x94: {  	[sflag:s18] =	ssyncset.done $0x0  }
0x95: {  	[sflag:s18] =	ssyncadd.s32 $0xFFFFB300  }
0x96: {  	[bflag:$0x0] =	sbarrier.arrive $0xFFFF  }
0x97: {  	_ =	swait.ge [sflag:s13], $0x80  }
0x98: {  	[sflag:s13] =	ssyncset.done $0x0  }
0x99: {  	[sflag:s13] =	ssyncadd.s32 $0xFFFFFF80  }
0x9a: {  	[tilespmem:s28], [sflag:$0x1] =	stream.indirect.gather [spmem:s3], $0x40, s11, s7, $0xb8;
	[tilespmem:$0x1EA40] =	vst v63  }
0x9b: {  	s9 =	simm.s32 $0x0;
	s12 =	rddreg [dreg:$0x18]  }
0x9c: {  	[tilespmem:s29], [sflag:$0x8] =	stream.linear.gather [hbm4b:s12+s9], $0x80, $0x38;
	[tilespmem:$0x1EA40] =	vst v63  }
0x9d: {  	_ =	swait.ge [sflag:s30], $0x80  }
0x9e: {  	[sflag:s30] =	ssyncset.done $0x0  }
0x9f: {  	[sflag:s30] =	ssyncadd.s32 $0xFFFFFF80  }
0xa0: {  	[tilespmem:s14], [sflag:$0x2] =	stream.indirect.gather [spmem:s3], $0x40, s29, s7, $0xb8;
	[tilespmem:$0x1EA40] =	vst v63  }
0xa1: {  	s23 =	rddreg [dreg:$0x19]  }
0xa2: {  	[tilespmem:s15], [sflag:$0x9] =	stream.linear.gather [hbm4b:s23+s9], $0x80, $0x38;
	[tilespmem:$0x1EA40] =	vst v63  }
0xa3: {  	_ =	swait.ge [sflag:s17], $0x2000  }
0xa4: {  	[sflag:s17] =	ssyncset.done $0x0  }
0xa5: {  	[sflag:s17] =	ssyncadd.s32 $0xFFFFE000  }
0xa6: {  	[spmem:s1] =	stream.indirect.scatter.add.f32 [tilespmem:s28], [sflag:$0x4], $0x40, s9, s7, $0xb8;
	[tilespmem:$0x1EA40] =	vst v63  }
0xa7: {  	_ =	swait.ge [sflag:s24], $0x80  }
0xa8: {  	[sflag:s24] =	ssyncset.done $0x0  }
0xa9: {  	[sflag:s24] =	ssyncadd.s32 $0xFFFFFF80  }
0xaa: {  	[tilespmem:s6], [sflag:$0x3] =	stream.indirect.gather [spmem:s3], $0x40, s15, s7, $0xb8;
	[tilespmem:$0x1EA40] =	vst v63  }
0xab: {  	s26 =	rddreg [dreg:$0x1a]  }
0xac: {  	[tilespmem:s11], [sflag:$0x7] =	stream.linear.gather [hbm4b:s26+s9], $0x80, $0x38;
	[tilespmem:$0x1EA40] =	vst v63  }
0xad: {  	_ =	swait.ge [sflag:s18], $0x2000  }
0xae: {  	[sflag:s18] =	ssyncset.done $0x0  }
0xaf: {  	[sflag:s18] =	ssyncadd.s32 $0xFFFFE000  }
0xb0: {  	[spmem:s1] =	stream.indirect.scatter.add.f32 [tilespmem:s14], [sflag:$0x5], $0x40, s7, s7, $0xb8;
	[tilespmem:$0x1EA40] =	vst v63  }
0xb1: {  	_ =	swait.ge [sflag:s8], $0x2000  }
0xb2: {  	[sflag:s8] =	ssyncset.done $0x0  }
0xb3: {  	[sflag:s8] =	ssyncadd.s32 $0xFFFFE000  }
0xb4: {  	_ =	swait.ge [sflag:s13], $0x80  }
0xb5: {  	[sflag:s13] =	ssyncset.done $0x0  }
0xb6: {  	[sflag:s13] =	ssyncadd.s32 $0xFFFFFF80  }
0xb7: {  	[tilespmem:s28], [sflag:$0x1] =	stream.indirect.gather [spmem:s3], $0x40, s11, s7, $0xb8;
	[tilespmem:$0x1EA40] =	vst v63  }
0xb8: {  	_ = 	snop  }
0xb9: {  	[tilespmem:s29], [sflag:$0x8] =	stream.linear.gather [hbm4b:s25+s4], $0x80, $0x38;
	[tilespmem:$0x1EA40] =	vst v63  }
0xba: {  	_ =	swait.ge [sflag:s19], $0x2000  }
0xbb: {  	[sflag:s19] =	ssyncset.done $0x0  }
0xbc: {  	s16 =	simm.s32 $0x100;
	[sflag:s19] =	ssyncadd.s32 $0xFFFFE000  }
0xbd: {  	[spmem:s1] =	stream.indirect.scatter.add.f32 [tilespmem:s6], [sflag:$0x6], $0x40, s16, s7, $0xb8;
	[tilespmem:$0x1EA40] =	vst v63  }
0xbe: {  	_ =	swait.ge [sflag:s20], $0x2000  }
0xbf: {  	[sflag:s20] =	ssyncset.done $0x0  }
0xc0: {  	[sflag:s20] =	ssyncadd.s32 $0xFFFFE000  }
0xc1: {  	_ =	swait.ge [sflag:s30], $0x80  }
0xc2: {  	[sflag:s30] =	ssyncset.done $0x0  }
0xc3: {  	[sflag:s30] =	ssyncadd.s32 $0xFFFFFF80  }
0xc4: {  	[tilespmem:s14], [sflag:$0x2] =	stream.indirect.gather [spmem:s3], $0x40, s29, s7, $0xb8;
	[tilespmem:$0x1EA40] =	vst v63  }
0xc5: {  	s23 =	sadd.s32 $0xFFFFFFF0, s0  }
0xc6: {  	[tilespmem:s15], [sflag:$0x9] =	stream.linear.gather [hbm4b:s23+s4], $0x80, $0x38;
	[tilespmem:$0x1EA40] =	vst v63  }
0xc7: {  	_ =	swait.ge [sflag:s17], $0x2000  }
0xc8: {  	[sflag:s17] =	ssyncset.done $0x0  }
0xc9: {  	s26 =	simm.s32 $0x180;
	[sflag:s17] =	ssyncadd.s32 $0xFFFFE000  }
0xca: {  	[spmem:s1] =	stream.indirect.scatter.add.f32 [tilespmem:s28], [sflag:$0x4], $0x40, s26, s7, $0xb8;
	[tilespmem:$0x1EA40] =	vst v63  }
0xcb: {  	_ =	swait.ge [sflag:s21], $0x2000  }
0xcc: {  	[sflag:s21] =	ssyncset.done $0x0  }
0xcd: {  	[sflag:s21] =	ssyncadd.s32 $0xFFFFE000  }
0xce: {  	_ =	swait.ge [sflag:s24], $0x80  }
0xcf: {  	[sflag:s24] =	ssyncset.done $0x0  }
0xd0: {  	[sflag:s24] =	ssyncadd.s32 $0xFFFFFF80  }
0xd1: {  	[tilespmem:s6], [sflag:$0x3] =	stream.indirect.gather [spmem:s3], $0x40, s15, s7, $0xb8;
	[tilespmem:$0x1EA40] =	vst v63  }
0xd2: {  	_ = 	snop  }
0xd3: {  	[tilespmem:s11], [sflag:$0x7] =	stream.linear.gather [hbm4b:s0+s4], $0x80, $0x38;
	[tilespmem:$0x1EA40] =	vst v63  }
0xd4: {  	_ =	swait.ge [sflag:s18], $0x2000  }
0xd5: {  	s9 =	sadd.s32 $0x30, s0;
	s16 =	simm.s32 $0x200;
	[sflag:s18] =	ssyncset.done $0x0  }
0xd6: {  	s23 =	simm.s32 $0x600;
	s26 =	sadd.s32 $0x30, s25;
	[sflag:s18] =	ssyncadd.s32 $0xFFFFE000  }
.LBB2_8:
0xd7: {  	[spmem:s1] =	stream.indirect.scatter.add.f32 [tilespmem:s14], [sflag:$0x5], $0x40, s16, s7, $0xb8;
	[tilespmem:$0x1EA40] =	vst v63  }
0xd8: {  	s12 =	smov.u32 s23  }
0xd9: {  	p4 =	sne.s32 s23, $0x12600;
	s23 =	sadd.s32 $0x600, s23;
	_ =	swait.ge [sflag:s8], $0x2000  }
0xda: {  	[sflag:s8] =	ssyncset.done $0x0  }
0xdb: {  	[sflag:s8] =	ssyncadd.s32 $0xFFFFE000  }
0xdc: {  	_ =	swait.ge [sflag:s13], $0x80  }
0xdd: {  	[sflag:s13] =	ssyncset.done $0x0  }
0xde: {  	[sflag:s13] =	ssyncadd.s32 $0xFFFFFF80  }
0xdf: {  	[tilespmem:s28], [sflag:$0x1] =	stream.indirect.gather [spmem:s3], $0x40, s11, s7, $0xb8;
	[tilespmem:$0x1EA40] =	vst v63  }
0xe0: {  	_ = 	snop  }
0xe1: {  	[tilespmem:s29], [sflag:$0x8] =	stream.linear.gather [hbm4b:s26+s4], $0x80, $0x38;
	[tilespmem:$0x1EA40] =	vst v63  }
0xe2: {  	_ =	swait.ge [sflag:s19], $0x2000  }
0xe3: {  	s12 =	sshra.s32 s12, $0x2;
	[sflag:s19] =	ssyncset.done $0x0  }
0xe4: {  	s16 =	sadd.s32 $0x100, s12;
	[sflag:s19] =	ssyncadd.s32 $0xFFFFE000  }
0xe5: {  	[spmem:s1] =	stream.indirect.scatter.add.f32 [tilespmem:s6], [sflag:$0x6], $0x40, s16, s7, $0xb8;
	[tilespmem:$0x1EA40] =	vst v63  }
0xe6: {  	_ =	swait.ge [sflag:s20], $0x2000  }
0xe7: {  	[sflag:s20] =	ssyncset.done $0x0  }
0xe8: {  	[sflag:s20] =	ssyncadd.s32 $0xFFFFE000  }
0xe9: {  	_ =	swait.ge [sflag:s30], $0x80  }
0xea: {  	[sflag:s30] =	ssyncset.done $0x0  }
0xeb: {  	[sflag:s30] =	ssyncadd.s32 $0xFFFFFF80  }
0xec: {  	[tilespmem:s14], [sflag:$0x2] =	stream.indirect.gather [spmem:s3], $0x40, s29, s7, $0xb8;
	[tilespmem:$0x1EA40] =	vst v63  }
0xed: {  	s16 =	sadd.s32 $0xFFFFFFF0, s9  }
0xee: {  	[tilespmem:s15], [sflag:$0x9] =	stream.linear.gather [hbm4b:s16+s4], $0x80, $0x38;
	[tilespmem:$0x1EA40] =	vst v63  }
0xef: {  	_ =	swait.ge [sflag:s17], $0x2000  }
0xf0: {  	[sflag:s17] =	ssyncset.done $0x0  }
0xf1: {  	s16 =	sadd.s32 $0x180, s12;
	[sflag:s17] =	ssyncadd.s32 $0xFFFFE000  }
0xf2: {  	[spmem:s1] =	stream.indirect.scatter.add.f32 [tilespmem:s28], [sflag:$0x4], $0x40, s16, s7, $0xb8;
	[tilespmem:$0x1EA40] =	vst v63  }
0xf3: {  	_ =	swait.ge [sflag:s21], $0x2000  }
0xf4: {  	[sflag:s21] =	ssyncset.done $0x0  }
0xf5: {  	[sflag:s21] =	ssyncadd.s32 $0xFFFFE000  }
0xf6: {  	_ =	swait.ge [sflag:s24], $0x80  }
0xf7: {  	[sflag:s24] =	ssyncset.done $0x0  }
0xf8: {  	[sflag:s24] =	ssyncadd.s32 $0xFFFFFF80  }
0xf9: {  	[tilespmem:s6], [sflag:$0x3] =	stream.indirect.gather [spmem:s3], $0x40, s15, s7, $0xb8;
	[tilespmem:$0x1EA40] =	vst v63  }
.Ltmp7:
0xfa: {  	(pc) =	sbr.rel @p4 .LBB2_8-.Ltmp7, $4  }
0xfb: {  	[tilespmem:s11], [sflag:$0x7] =	stream.linear.gather [hbm4b:s9+s4], $0x80, $0x38;
	[tilespmem:$0x1EA40] =	vst v63  }
0xfc: {  	_ =	swait.ge [sflag:s18], $0x2000  }
0xfd: {  	s26 =	sadd.s32 $0x30, s26;
	[sflag:s18] =	ssyncset.done $0x0  }
0xfe: {  	s16 =	sadd.s32 $0x200, s12;
	s9 =	sadd.s32 $0x30, s9;
	[sflag:s18] =	ssyncadd.s32 $0xFFFFE000  }
.Ltmp8:
0xff: {  	(pc) =	sbr.rel .LBB2_13-.Ltmp8, $3  }
0x100: {  	_ =	sdelay $0x1  }
0x101: {  	[spmem:s1] =	stream.indirect.scatter.add.f32 [tilespmem:s14], [sflag:$0x5], $0x40, s16, s7, $0xb8;
	[tilespmem:$0x1EA40] =	vst v63  }
0x102: {  	s9 =	simm.s32 $0x4C80;
	s23 =	simm.s32 $0x4C00  }
.LBB2_10:
0x103: {  	_ =	swait.ge [sflag:s18], $0x4E80  }
0x104: {  	[sflag:s18] =	ssyncset.done $0x0  }
0x105: {  	[sflag:s18] =	ssyncadd.s32 $0xFFFFB180  }
0x106: {  	[bflag:$0x0] =	sbarrier.arrive $0xFFFF  }
0x107: {  	_ =	swait.ge [sflag:s13], $0x80  }
0x108: {  	[sflag:s13] =	ssyncset.done $0x0  }
0x109: {  	[sflag:s13] =	ssyncadd.s32 $0xFFFFFF80  }
0x10a: {  	[tilespmem:s28], [sflag:$0x1] =	stream.indirect.gather [spmem:s3], $0x40, s11, s7, $0xb8;
	[tilespmem:$0x1EA40] =	vst v63  }
0x10b: {  	s9 =	simm.s32 $0x0;
	s12 =	rddreg [dreg:$0xe]  }
0x10c: {  	[tilespmem:s29], [sflag:$0x8] =	stream.linear.gather [hbm4b:s12+s9], $0x80, $0x38;
	[tilespmem:$0x1EA40] =	vst v63  }
0x10d: {  	_ =	swait.ge [sflag:s30], $0x80  }
0x10e: {  	[sflag:s30] =	ssyncset.done $0x0  }
0x10f: {  	[sflag:s30] =	ssyncadd.s32 $0xFFFFFF80  }
0x110: {  	[tilespmem:s14], [sflag:$0x2] =	stream.indirect.gather [spmem:s3], $0x40, s29, s7, $0xb8;
	[tilespmem:$0x1EA40] =	vst v63  }
0x111: {  	s23 =	rddreg [dreg:$0xf]  }
0x112: {  	[tilespmem:s15], [sflag:$0x9] =	stream.linear.gather [hbm4b:s23+s9], $0x80, $0x38;
	[tilespmem:$0x1EA40] =	vst v63  }
0x113: {  	_ =	swait.ge [sflag:s17], $0x2000  }
0x114: {  	[sflag:s17] =	ssyncset.done $0x0  }
0x115: {  	[sflag:s17] =	ssyncadd.s32 $0xFFFFE000  }
0x116: {  	[spmem:s1] =	stream.indirect.scatter.add.f32 [tilespmem:s28], [sflag:$0x4], $0x40, s9, s7, $0xb8;
	[tilespmem:$0x1EA40] =	vst v63  }
0x117: {  	_ =	swait.ge [sflag:s24], $0x80  }
0x118: {  	[sflag:s24] =	ssyncset.done $0x0  }
0x119: {  	[sflag:s24] =	ssyncadd.s32 $0xFFFFFF80  }
0x11a: {  	[tilespmem:s6], [sflag:$0x3] =	stream.indirect.gather [spmem:s3], $0x40, s15, s7, $0xb8;
	[tilespmem:$0x1EA40] =	vst v63  }
0x11b: {  	s26 =	rddreg [dreg:$0x10]  }
0x11c: {  	[tilespmem:s11], [sflag:$0x7] =	stream.linear.gather [hbm4b:s26+s9], $0x80, $0x38;
	[tilespmem:$0x1EA40] =	vst v63  }
0x11d: {  	_ =	swait.ge [sflag:s18], $0x2000  }
0x11e: {  	[sflag:s18] =	ssyncset.done $0x0  }
0x11f: {  	[sflag:s18] =	ssyncadd.s32 $0xFFFFE000  }
0x120: {  	[spmem:s1] =	stream.indirect.scatter.add.f32 [tilespmem:s14], [sflag:$0x5], $0x40, s7, s7, $0xb8;
	[tilespmem:$0x1EA40] =	vst v63  }
0x121: {  	_ =	swait.ge [sflag:s8], $0x2000  }
0x122: {  	[sflag:s8] =	ssyncset.done $0x0  }
0x123: {  	[sflag:s8] =	ssyncadd.s32 $0xFFFFE000  }
0x124: {  	_ =	swait.ge [sflag:s13], $0x80  }
0x125: {  	[sflag:s13] =	ssyncset.done $0x0  }
0x126: {  	[sflag:s13] =	ssyncadd.s32 $0xFFFFFF80  }
0x127: {  	[tilespmem:s28], [sflag:$0x1] =	stream.indirect.gather [spmem:s3], $0x40, s11, s7, $0xb8;
	[tilespmem:$0x1EA40] =	vst v63  }
0x128: {  	s12 =	rddreg [dreg:$0x16]  }
0x129: {  	[tilespmem:s29], [sflag:$0x8] =	stream.linear.gather [hbm4b:s12+s4], $0x80, $0x38;
	[tilespmem:$0x1EA40] =	vst v63  }
0x12a: {  	_ =	swait.ge [sflag:s19], $0x2000  }
0x12b: {  	[sflag:s19] =	ssyncset.done $0x0  }
0x12c: {  	s16 =	simm.s32 $0x100;
	[sflag:s19] =	ssyncadd.s32 $0xFFFFE000  }
0x12d: {  	[spmem:s1] =	stream.indirect.scatter.add.f32 [tilespmem:s6], [sflag:$0x6], $0x40, s16, s7, $0xb8;
	[tilespmem:$0x1EA40] =	vst v63  }
0x12e: {  	_ =	swait.ge [sflag:s20], $0x2000  }
0x12f: {  	[sflag:s20] =	ssyncset.done $0x0  }
0x130: {  	[sflag:s20] =	ssyncadd.s32 $0xFFFFE000  }
0x131: {  	_ =	swait.ge [sflag:s30], $0x80  }
0x132: {  	[sflag:s30] =	ssyncset.done $0x0  }
0x133: {  	[sflag:s30] =	ssyncadd.s32 $0xFFFFFF80  }
0x134: {  	[tilespmem:s14], [sflag:$0x2] =	stream.indirect.gather [spmem:s3], $0x40, s29, s7, $0xb8;
	[tilespmem:$0x1EA40] =	vst v63  }
0x135: {  	s23 =	sadd.s32 $0xFFFFFFF0, s0  }
0x136: {  	[tilespmem:s15], [sflag:$0x9] =	stream.linear.gather [hbm4b:s23+s4], $0x80, $0x38;
	[tilespmem:$0x1EA40] =	vst v63  }
0x137: {  	_ =	swait.ge [sflag:s17], $0x2000  }
0x138: {  	[sflag:s17] =	ssyncset.done $0x0  }
0x139: {  	s26 =	simm.s32 $0x180;
	[sflag:s17] =	ssyncadd.s32 $0xFFFFE000  }
0x13a: {  	[spmem:s1] =	stream.indirect.scatter.add.f32 [tilespmem:s28], [sflag:$0x4], $0x40, s26, s7, $0xb8;
	[tilespmem:$0x1EA40] =	vst v63  }
0x13b: {  	_ =	swait.ge [sflag:s21], $0x2000  }
0x13c: {  	[sflag:s21] =	ssyncset.done $0x0  }
0x13d: {  	[sflag:s21] =	ssyncadd.s32 $0xFFFFE000  }
0x13e: {  	_ =	swait.ge [sflag:s24], $0x80  }
0x13f: {  	[sflag:s24] =	ssyncset.done $0x0  }
0x140: {  	p1 =	por $0x0, $0x0;
	[sflag:s24] =	ssyncadd.s32 $0xFFFFFF80  }
0x141: {  	[tilespmem:s6], [sflag:$0x3] =	stream.indirect.gather [spmem:s3], $0x40, s15, s7, $0xb8;
	[tilespmem:$0x1EA40] =	vst v63  }
.Ltmp9:
0x142: {  	_ = 	snop;
	(pc) =	sbr.rel @p1 .LBB2_12-.Ltmp9, $4  }
0x143: {  	[tilespmem:s11], [sflag:$0x7] =	stream.linear.gather [hbm4b:s0+s4], $0x80, $0x38;
	[tilespmem:$0x1EA40] =	vst v63  }
0x144: {  	_ =	swait.ge [sflag:s18], $0x2000  }
0x145: {  	s9 =	sadd.s32 $0x30, s0;
	s16 =	simm.s32 $0x200;
	[sflag:s18] =	ssyncset.done $0x0  }
0x146: {  	s23 =	simm.s32 $0x600;
	s26 =	sadd.s32 $0x30, s12;
	[sflag:s18] =	ssyncadd.s32 $0xFFFFE000  }
.LBB2_11:
0x147: {  	[spmem:s1] =	stream.indirect.scatter.add.f32 [tilespmem:s14], [sflag:$0x5], $0x40, s16, s7, $0xb8;
	[tilespmem:$0x1EA40] =	vst v63  }
0x148: {  	s16 =	smov.u32 s23  }
0x149: {  	p1 =	seq.s32 s23, $0x12C00;
	s23 =	sadd.s32 $0x600, s23;
	_ =	swait.ge [sflag:s8], $0x2000  }
0x14a: {  	[sflag:s8] =	ssyncset.done $0x0  }
0x14b: {  	[sflag:s8] =	ssyncadd.s32 $0xFFFFE000  }
0x14c: {  	_ =	swait.ge [sflag:s13], $0x80  }
0x14d: {  	[sflag:s13] =	ssyncset.done $0x0  }
0x14e: {  	[sflag:s13] =	ssyncadd.s32 $0xFFFFFF80  }
0x14f: {  	[tilespmem:s28], [sflag:$0x1] =	stream.indirect.gather [spmem:s3], $0x40, s11, s7, $0xb8;
	[tilespmem:$0x1EA40] =	vst v63  }
0x150: {  	_ = 	snop  }
0x151: {  	[tilespmem:s29], [sflag:$0x8] =	stream.linear.gather [hbm4b:s26+s4], $0x80, $0x38;
	[tilespmem:$0x1EA40] =	vst v63  }
0x152: {  	_ =	swait.ge [sflag:s19], $0x2000  }
0x153: {  	s16 =	sshra.s32 s16, $0x2;
	[sflag:s19] =	ssyncset.done $0x0  }
0x154: {  	s12 =	sadd.s32 $0x100, s16;
	[sflag:s19] =	ssyncadd.s32 $0xFFFFE000  }
0x155: {  	[spmem:s1] =	stream.indirect.scatter.add.f32 [tilespmem:s6], [sflag:$0x6], $0x40, s12, s7, $0xb8;
	[tilespmem:$0x1EA40] =	vst v63  }
0x156: {  	_ =	swait.ge [sflag:s20], $0x2000  }
0x157: {  	[sflag:s20] =	ssyncset.done $0x0  }
0x158: {  	[sflag:s20] =	ssyncadd.s32 $0xFFFFE000  }
0x159: {  	_ =	swait.ge [sflag:s30], $0x80  }
0x15a: {  	[sflag:s30] =	ssyncset.done $0x0  }
0x15b: {  	[sflag:s30] =	ssyncadd.s32 $0xFFFFFF80  }
0x15c: {  	[tilespmem:s14], [sflag:$0x2] =	stream.indirect.gather [spmem:s3], $0x40, s29, s7, $0xb8;
	[tilespmem:$0x1EA40] =	vst v63  }
0x15d: {  	s12 =	sadd.s32 $0xFFFFFFF0, s9  }
0x15e: {  	[tilespmem:s15], [sflag:$0x9] =	stream.linear.gather [hbm4b:s12+s4], $0x80, $0x38;
	[tilespmem:$0x1EA40] =	vst v63  }
0x15f: {  	_ =	swait.ge [sflag:s17], $0x2000  }
0x160: {  	[sflag:s17] =	ssyncset.done $0x0  }
0x161: {  	s12 =	sadd.s32 $0x180, s16;
	[sflag:s17] =	ssyncadd.s32 $0xFFFFE000  }
0x162: {  	[spmem:s1] =	stream.indirect.scatter.add.f32 [tilespmem:s28], [sflag:$0x4], $0x40, s12, s7, $0xb8;
	[tilespmem:$0x1EA40] =	vst v63  }
0x163: {  	_ =	swait.ge [sflag:s21], $0x2000  }
0x164: {  	[sflag:s21] =	ssyncset.done $0x0  }
0x165: {  	[sflag:s21] =	ssyncadd.s32 $0xFFFFE000  }
0x166: {  	_ =	swait.ge [sflag:s24], $0x80  }
0x167: {  	[sflag:s24] =	ssyncset.done $0x0  }
0x168: {  	[sflag:s24] =	ssyncadd.s32 $0xFFFFFF80  }
0x169: {  	[tilespmem:s6], [sflag:$0x3] =	stream.indirect.gather [spmem:s3], $0x40, s15, s7, $0xb8;
	[tilespmem:$0x1EA40] =	vst v63  }
.Ltmp10:
0x16a: {  	(pc) =	sbr.rel @!p1 .LBB2_11-.Ltmp10, $4  }
0x16b: {  	[tilespmem:s11], [sflag:$0x7] =	stream.linear.gather [hbm4b:s9+s4], $0x80, $0x38;
	[tilespmem:$0x1EA40] =	vst v63  }
0x16c: {  	_ =	swait.ge [sflag:s18], $0x2000  }
0x16d: {  	s26 =	sadd.s32 $0x30, s26;
	[sflag:s18] =	ssyncset.done $0x0  }
0x16e: {  	s16 =	sadd.s32 $0x200, s16;
	s9 =	sadd.s32 $0x30, s9;
	[sflag:s18] =	ssyncadd.s32 $0xFFFFE000  }
.Ltmp11:
0x16f: {  	_ = 	snop;
	(pc) =	sbr.rel .LBB2_12-.Ltmp11, $1  }
0x170: {  	_ =	sdelay $0x3  }
.LBB2_14:
0x171: {  	_ =	sfence.sel $0x180000  }
0x172: {  	[bflag:$0x0] =	sbarrier.arrive $0xFFFF  }
0x173: {  	_ =	strace $0x90000047  }
0x174: {  	[bflag:$0x2] =	sbarrier.arrive $0xFFFF  }
0x175: {  	p0 =	sne.s32 s2, $0x0;
	s0 =	rddreg [dreg:$0x4]  }
0x176: {  	s0 =	sadd.s32 @!p0 $0x100000, s0  }
0x177: {  	[sflag:s0] =	ssyncadd.tile.s32 @!p0 $0x1;
	_ =	shalt  }
.Lfunc_end2:
_tile_overlayer_lowered:
.L_overlay_start_2:
0x178: {  	(tag) =	ssettag $0x2  }
0x179: {  	s0 =	rddreg [dreg:$0x0];
	s2 =	stileid.u32  }
0x17a: {  	s1 =	rddreg [dreg:$0x1];
	p0 =	sne.s32 s2, $0x0  }
0x17b: {  	s3 =	rddreg [dreg:$0x2];
	[bflag:$0x3] =	sbarrier.arrive $0xFFFF;
	s2 =	simm.s32 @!p0 $0x1C0A  }
0x17c: {  	[timem:s3], [sflag:s2] =	dma.local @!p0 [hbm:s0], s1  }
0x17d: {  	s0 =	simm.s32 @!p0 $0xA  }
0x17e: {  	_ =	swait.ge @!p0 [sflag:s0], s1  }
0x17f: {  	s1 =	ssub.s32 @!p0 $0x0, s1;
	[sflag:s0] =	ssyncset.done @!p0 $0x0  }
0x180: {  	[sflag:s0] =	ssyncadd.s32 @!p0 s1  }
0x181: {  	[bflag:$0x3] =	sbarrier.arrive $0xFFFF  }
0x182: {  	_ =	shalt  }

</sc_bundles>
